<compile_context>
chip_gen: v7x
topology: tpu7x:2x2x1
jax: 0.10.2.dev20260603
libtpu: 0.0.44.dev20260713+nightly
codegen_flags: <defaults>
</compile_context>

<pallas_src>
import functools

import jax
import jax.numpy as jnp
from jax import lax
from jax.experimental import pallas as pl
from jax.experimental.pallas import tpu as pltpu
from jax.experimental.pallas import tpu_sc as plsc

_BATCH = 16384
_EMB = 64
_NROWS = 1000000
_NSUP = 1952
_ALIGNED = _NSUP * 512
_NTAIL = _NROWS - _ALIGNED

_info = plsc.get_sparse_core_info()
_NC = _info.num_cores
_NS = _info.num_subcores
_NW = _NC * _NS
_CAP = 1024
_RING = 32

_sc_mesh = plsc.VectorSubcoreMesh(core_axis_name="c", subcore_axis_name="s")


def _splat(x, n=16):
    return jnp.full((n,), x, jnp.int32)


@functools.partial(
    pl.kernel,
    out_type=(
        jax.ShapeDtypeStruct((_BATCH, _EMB), jnp.float32),
        jax.ShapeDtypeStruct((_BATCH, _EMB), jnp.float32),
    ),
    mesh=_sc_mesh,
    scratch_types=[
        pltpu.VMEM((_BATCH,), jnp.int32),
        pltpu.VMEM((_CAP + 16,), jnp.int32),
        pltpu.VMEM((_CAP + 16,), jnp.int32),
        pltpu.VMEM((4 * 384,), jnp.int32),
        pltpu.VMEM((4 * 384,), jnp.int32),
        pltpu.VMEM((3, _EMB, 512), jnp.float32),
        pltpu.VMEM((32,), jnp.int32),
        pltpu.VMEM((32,), jnp.int32),
        pltpu.VMEM((_RING, _EMB), jnp.float32),
        pltpu.SemaphoreType.DMA,
        pltpu.SemaphoreType.DMA,
    ],
    compiler_params=pltpu.CompilerParams(needs_layout_passes=False),
)
def _sc_gather(uid_hbm, iid_hbm, utab_hbm, itab_hbm, u_out, i_out,
               idxv, hj, hr, bj, br, pbuf, tj, tr, ring, gsem, osem):
    wid = lax.axis_index("s") * _NC + lax.axis_index("c")
    iota = lax.iota(jnp.int32, 16)

    def one_table(tab, ids_hbm, out, total_in):
        pltpu.sync_copy(ids_hbm, idxv)

        def scan_body(g, off):
            rv = idxv[pl.ds(g * 16, 16)]
            rv = jnp.where(rv >= _ALIGNED, 0, rv)
            mask = ((rv >> 9) & 31) == wid
            jv = iota + g * 16
            csum = plsc.cumsum(mask.astype(jnp.int32))
            pos = off + csum - 1
            plsc.store_scatter(hj, [pos], jv, mask=mask)
            plsc.store_scatter(hr, [pos], rv, mask=mask)
            return off + csum[15]

        nhits = lax.fori_loop(0, _BATCH // 16, scan_body, 0)
        npan = _NSUP // _NW

        def part_body(m, offs):
            rv = hr[pl.ds(m * 16, 16)]
            jv = hj[pl.ds(m * 16, 16)]
            lane = iota + m * 16
            kq = ((rv >> 9) - wid) >> 9
            valid = lane < nhits
            new_offs = []
            for q in range(4):
                msk = jnp.logical_and(kq == q, valid)
                cnt = plsc.all_reduce_population_count(msk)[0]
                key = jnp.where(msk, 0, 1)
                _, js = plsc.sort_key_val(key, jv)
                _, rs = plsc.sort_key_val(key, rv)
                bj[pl.ds(q * 384 + offs[q], 16)] = js
                br[pl.ds(q * 384 + offs[q], 16)] = rs
                new_offs.append(offs[q] + cnt)
            return tuple(new_offs)

        qcnt = lax.fori_loop(0, (nhits + 15) // 16, part_body, (0, 0, 0, 0))

        def panel_start(k):
            return pl.multiple_of((wid + k * _NW) * 512, 128)

        def fire_panel(k, par):
            pltpu.async_copy(tab.at[:, pl.ds(panel_start(k), 512)],
                             pbuf.at[par], gsem)

        fire_panel(0, 0)
        fire_panel(1, 1)

        def panel_body(k, total):
            par = lax.rem(k, 3)

            @pl.when(k + 2 < npan)
            def _():
                fire_panel(k + 2, lax.rem(k + 2, 3))

            pltpu.make_async_copy(tab.at[:, pl.ds(0, 512)],
                                  pbuf.at[0], gsem).wait()
            p = wid + k * _NW
            q = k >> 4
            qbase = q * 384
            qn = jnp.where(q == 0, qcnt[0],
                           jnp.where(q == 1, qcnt[1],
                                     jnp.where(q == 2, qcnt[2], qcnt[3])))
            ngroups = (qn + 15) // 16

            def group_body(m, total):
                rv = br[pl.ds(qbase + m * 16, 16)]
                jv = bj[pl.ds(qbase + m * 16, 16)]
                lane = iota + m * 16
                msk = jnp.logical_and((rv >> 9) == p, lane < qn)
                csum = plsc.cumsum(msk.astype(jnp.int32))
                cnt = csum[15]

                def extract(q, total):
                    j = tj[pl.ds(q, 16)][0]
                    rl = tr[pl.ds(q, 16)][0] & 511
                    slot = lax.rem(total, _RING)

                    @pl.when(total >= _RING)
                    def _():
                        pltpu.make_async_copy(
                            out.at[0], ring.at[0], osem).wait()
                    for c in range(_EMB // 16):
                        vals = plsc.load_gather(
                            pbuf, [_splat(par), iota + c * 16, _splat(rl)])
                        ring[slot, pl.ds(c * 16, 16)] = vals
                    pltpu.async_copy(ring.at[slot], out.at[j], osem)
                    return total + 1

                @pl.when(cnt > 0)
                def _():
                    pos = csum - 1
                    plsc.store_scatter(tj, [pos], jv, mask=msk)
                    plsc.store_scatter(tr, [pos], rv, mask=msk)

                return lax.cond(cnt > 0,
                                lambda t: lax.fori_loop(0, cnt, extract, t),
                                lambda t: t, total)

            return lax.fori_loop(0, ngroups, group_body, total)

        return lax.fori_loop(0, npan, panel_body, total_in)

    total = one_table(utab_hbm, uid_hbm, u_out, 0)
    total = one_table(itab_hbm, iid_hbm, i_out, total)

    def drain_body(q, _):
        pltpu.make_async_copy(u_out.at[0], ring.at[0], osem).wait()
        return _
    lax.fori_loop(0, jnp.minimum(total, _RING), drain_body, 0)


_ROWS = 2048


def _mlp_body(uid_ref, iid_ref, u_ref, i_ref, utail_ref, itail_ref,
              wlin_ref, w1_ref, w2_ref, w3_ref, b1_ref, b2_ref, scal_ref,
              o_ref):
    uid = uid_ref[...].reshape(_ROWS, 1)
    iid = iid_ref[...].reshape(_ROWS, 1)
    tail_iota = lax.broadcasted_iota(jnp.int32, (_ROWS, _NTAIL), 1)
    u_oh = (uid - _ALIGNED == tail_iota).astype(jnp.float32)
    i_oh = (iid - _ALIGNED == tail_iota).astype(jnp.float32)
    u_m = (uid >= _ALIGNED).astype(jnp.float32)
    i_m = (iid >= _ALIGNED).astype(jnp.float32)
    u = u_ref[...] * (1.0 - u_m) + jnp.dot(
        u_oh, utail_ref[...], preferred_element_type=jnp.float32)
    it = i_ref[...] * (1.0 - i_m) + jnp.dot(
        i_oh, itail_ref[...], preferred_element_type=jnp.float32)
    w1 = w1_ref[...]
    h1 = jnp.dot(u, w1[:_EMB], preferred_element_type=jnp.float32)
    h1 = h1 + jnp.dot(it, w1[_EMB:], preferred_element_type=jnp.float32)
    h1 = jnp.maximum(h1 + b1_ref[...], 0.0)
    h2 = jnp.dot(h1, w2_ref[...], preferred_element_type=jnp.float32)
    h2 = jnp.maximum(h2 + b2_ref[...], 0.0)
    neural = jnp.dot(h2, w3_ref[...], preferred_element_type=jnp.float32)
    wlin = wlin_ref[...]
    linear = jnp.dot(u, wlin[:_EMB], preferred_element_type=jnp.float32)
    linear = linear + jnp.dot(it, wlin[_EMB:], preferred_element_type=jnp.float32)
    b_lin = scal_ref[0, 0]
    b3 = scal_ref[0, 1]
    g = jax.nn.sigmoid(scal_ref[0, 2])
    o_ref[...] = g * (linear + b_lin) + (1.0 - g) * (neural + b3)


def _mlp_call(uid, iid, u_emb, i_emb, utail, itail,
              W_lin, W1, W2, W3, b1, b2, scalars):
    n_blocks = _BATCH // _ROWS
    full = lambda shape: pl.BlockSpec(shape, lambda i: (0,) * len(shape))
    return pl.pallas_call(
        _mlp_body,
        grid=(n_blocks,),
        in_specs=[
            pl.BlockSpec((_ROWS,), lambda i: (i,)),
            pl.BlockSpec((_ROWS,), lambda i: (i,)),
            pl.BlockSpec((_ROWS, _EMB), lambda i: (i, 0)),
            pl.BlockSpec((_ROWS, _EMB), lambda i: (i, 0)),
            full((_NTAIL, _EMB)),
            full((_NTAIL, _EMB)),
            full((2 * _EMB, 1)),
            full((2 * _EMB, _EMB)),
            full((_EMB, 32)),
            full((32, 1)),
            full((1, _EMB)),
            full((1, 32)),
            full((1, 3)),
        ],
        out_specs=pl.BlockSpec((_ROWS, 1), lambda i: (i, 0)),
        out_shape=jax.ShapeDtypeStruct((_BATCH, 1), jnp.float32),
        compiler_params=pltpu.CompilerParams(
            dimension_semantics=("arbitrary",),
        ),
    )(uid, iid, u_emb, i_emb, utail, itail, W_lin, W1, W2, W3, b1, b2, scalars)


def kernel(user_ids, item_ids, user_table, item_table,
           W_lin, b_lin, W1, b1, W2, b2, W3, b3, alpha):
    utabT = user_table.T
    itabT = item_table.T
    u_emb, i_emb = _sc_gather(user_ids, item_ids, utabT, itabT)
    utail = lax.slice(user_table, (_ALIGNED, 0), (_NROWS, _EMB))
    itail = lax.slice(item_table, (_ALIGNED, 0), (_NROWS, _EMB))
    scalars = jnp.stack([b_lin[0], b3[0], alpha[0]]).reshape(1, 3)
    return _mlp_call(user_ids, item_ids, u_emb, i_emb, utail, itail,
                     W_lin, W1, W2, W3,
                     b1.reshape(1, _EMB), b2.reshape(1, 32), scalars)

# --- scband reference (transcript-rebuilt; emitter-appended) ---
"""Pipeline reference for scband-lncm-44246753083596 (READ-ONLY COPY).

The authoritative reference and input builder live on the scoring server;
editing this copy changes nothing except your own understanding.
"""

import jax, jax.numpy as jnp
import numpy as np

N_USERS = 1000000
N_ITEMS = 1000000
EMB = 64
BATCH = 16384


def setup_inputs(seed: int = 0) -> dict:
    key = jax.random.key(seed)
    ks = jax.random.split(key, 16)
    user_ids = jax.random.randint(ks[0], (BATCH,), 0, N_USERS, dtype=jnp.int32)
    item_ids = jax.random.randint(ks[1], (BATCH,), 0, N_ITEMS, dtype=jnp.int32)
    user_table = jax.random.normal(ks[2], (N_USERS, EMB), dtype=jnp.float32) * 0.05
    item_table = jax.random.normal(ks[3], (N_ITEMS, EMB), dtype=jnp.float32) * 0.05
    W_lin = jax.random.normal(ks[4], (2 * EMB, 1), dtype=jnp.float32) * 0.1
    b_lin = jnp.zeros((1,), dtype=jnp.float32)
    W1 = jax.random.normal(ks[5], (2 * EMB, 64), dtype=jnp.float32) * 0.1
    b1 = jnp.zeros((64,), dtype=jnp.float32)
    W2 = jax.random.normal(ks[6], (64, 32), dtype=jnp.float32) * 0.1
    b2 = jnp.zeros((32,), dtype=jnp.float32)
    W3 = jax.random.normal(ks[7], (32, 1), dtype=jnp.float32) * 0.1
    b3 = jnp.zeros((1,), dtype=jnp.float32)
    alpha = jax.random.uniform(ks[8], (1,), dtype=jnp.float32, minval=-0.05, maxval=0.05)
    return {
        'user_ids': user_ids, 'item_ids': item_ids,
        'user_table': user_table, 'item_table': item_table,
        'W_lin': W_lin, 'b_lin': b_lin,
        'W1': W1, 'b1': b1, 'W2': W2, 'b2': b2, 'W3': W3, 'b3': b3,
        'alpha': alpha,
    }


def reference(user_ids, item_ids, user_table, item_table, W_lin, b_lin, W1, b1, W2, b2, W3, b3, alpha):
    user_emb = jnp.take(user_table, user_ids, axis=0)
    item_emb = jnp.take(item_table, item_ids, axis=0)
    concat = jnp.concatenate([user_emb, item_emb], axis=-1)
    linear_output = concat @ W_lin + b_lin
    h = concat
    h = jax.nn.relu(h @ W1 + b1)
    # dropout is identity at inference (training=None)
    h = jax.nn.relu(h @ W2 + b2)
    neural_output = h @ W3 + b3
    g = jax.nn.sigmoid(alpha)
    output = g * linear_output + (1.0 - g) * neural_output
    return output

if __name__ == "__main__":
    import jax
    _d = setup_inputs()
    print(jax.jit(kernel)(*tuple(_d.values())))

</pallas_src>

<mosaic_0001>
#map = affine_map<(d0, d1) -> (0)>
#map1 = affine_map<(d0, d1) -> (0, 0)>
module attributes {stable_mosaic.version = 14 : i64} {
  func.func @_sc_gather(%arg0: i32, %arg1: i32, %arg2: memref<16384xi32, #tpu.memory_space<hbm>>, %arg3: memref<16384xi32, #tpu.memory_space<hbm>>, %arg4: memref<64x1000000xf32, #tpu.memory_space<hbm>>, %arg5: memref<64x1000000xf32, #tpu.memory_space<hbm>>, %arg6: memref<16384x64xf32, #tpu.memory_space<hbm>>, %arg7: memref<16384x64xf32, #tpu.memory_space<hbm>>, %arg8: memref<16384xi32, #tpu.memory_space<vmem>>, %arg9: memref<1040xi32, #tpu.memory_space<vmem>>, %arg10: memref<1040xi32, #tpu.memory_space<vmem>>, %arg11: memref<1536xi32, #tpu.memory_space<vmem>>, %arg12: memref<1536xi32, #tpu.memory_space<vmem>>, %arg13: memref<3x64x512xf32, #tpu.memory_space<vmem>>, %arg14: memref<32xi32, #tpu.memory_space<vmem>>, %arg15: memref<32xi32, #tpu.memory_space<vmem>>, %arg16: memref<32x64xf32, #tpu.memory_space<vmem>>, %arg17: memref<!tpu.dma_semaphore, #tpu.memory_space<semaphore_mem>>, %arg18: memref<!tpu.dma_semaphore, #tpu.memory_space<semaphore_mem>>) attributes {dimension_semantics = [#tpu.dimension_semantics<core_parallel>, #tpu.dimension_semantics<subcore_parallel>], iteration_bounds = array<i64: 2, 16>, scalar_prefetch = 0 : i64, scratch_operands = 11 : i64, tpu.core_type = #tpu.core_type<sc_vector_subcore>, window_params = [{transform_indices = #map}, {transform_indices = #map}, {transform_indices = #map1}, {transform_indices = #map1}, {transform_indices = #map1}, {transform_indices = #map1}]} {
    %mul3A = arith.constant 2 : i32
    %mul3A_0 = arith.muli %arg1, %mul3A : i32
    %add3A = arith.addi %mul3A_0, %arg0 : i32
    %iota3A = tpu.iota {dimensions = array<i32: 0>} : vector<16xi32>
    "tpu.region"() ({
      %run_scoped3A = tpu.sem_alloc : memref<!tpu.dma_semaphore, #tpu.memory_space<semaphore_mem>>
      tpu.enqueue_dma source(%arg2 : memref<16384xi32, #tpu.memory_space<hbm>>) target(%arg8 : memref<16384xi32, #tpu.memory_space<vmem>>) target_semaphore(%run_scoped3A : memref<!tpu.dma_semaphore, #tpu.memory_space<semaphore_mem>>)
      tpu.wait_dma2 semaphore(%run_scoped3A : memref<!tpu.dma_semaphore, #tpu.memory_space<semaphore_mem>>) src(%arg2 : memref<16384xi32, #tpu.memory_space<hbm>>) dst(%arg8 : memref<16384xi32, #tpu.memory_space<vmem>>)
      tpu.yield
    }) : () -> ()
    %scan3A = arith.constant 0 : i32
    %scan3A_1 = arith.constant 0 : i32
    %scan3A_2 = arith.constant 1024 : i32
    %scan3A_3 = arith.addi %scan3A_1, %scan3A_2 : i32
    %scan3A_4 = arith.constant 1 : i32
    %scan3A_5 = scf.for %scan3A_181 = %scan3A_1 to %scan3A_3 step %scan3A_4 iter_args(%scan3A_182 = %scan3A) -> (i32)  : i32 {
      %mul3A_183 = arith.constant 16 : i32
      %mul3A_184 = arith.muli %scan3A_181, %mul3A_183 : i32
      %get3A = arith.index_cast %mul3A_184 : i32 to index
      %get3A_185 = tpu.vector_load %arg8[%get3A] {strides = array<i32>} : memref<16384xi32, #tpu.memory_space<vmem>>, vector<16xi32>,
      %ge3A = arith.constant 999424 : i32
      %ge3A_186 = vector.broadcast %ge3A : i32 to vector<16xi32>
      %ge3A_187 = arith.cmpi sge, %get3A_185, %ge3A_186 : vector<16xi32>
      %jit3A_188 = arith.constant 0 : i32
      %broadcast_in_dim3A = vector.broadcast %jit3A_188 : i32 to vector<16xi32>
      %select_n3A_189 = arith.select %ge3A_187, %broadcast_in_dim3A, %get3A_185 : vector<16xi1>, vector<16xi32>
      %shift_right_arithmetic3A = arith.constant 9 : i32
      %shift_right_arithmetic3A_190 = vector.broadcast %shift_right_arithmetic3A : i32 to vector<16xi32>
      %shift_right_arithmetic3A_191 = arith.shrsi %select_n3A_189, %shift_right_arithmetic3A_190 : vector<16xi32>
      %and3A_192 = arith.constant 31 : i32
      %and3A_193 = vector.broadcast %and3A_192 : i32 to vector<16xi32>
      %and3A_194 = arith.andi %shift_right_arithmetic3A_191, %and3A_193 : vector<16xi32>
      %eq3A = vector.broadcast %add3A : i32 to vector<16xi32>
      %eq3A_195 = arith.cmpi eq, %and3A_194, %eq3A : vector<16xi32>
      %mul3A_196 = arith.constant 16 : i32
      %mul3A_197 = arith.muli %scan3A_181, %mul3A_196 : i32
      %add3A_198 = vector.broadcast %mul3A_197 : i32 to vector<16xi32>
      %add3A_199 = arith.addi %iota3A, %add3A_198 : vector<16xi32>
      %convert_element_type3A = arith.extui %eq3A_195 : vector<16xi1> to vector<16xi32>
      %broadcast_in_dim3A_200 = arith.constant true
      %broadcast_in_dim3A_201 = vector.broadcast %broadcast_in_dim3A_200 : i1 to vector<16xi1>
      %masked_cumsum3A = tpu.scan <sum>, %convert_element_type3A masked %broadcast_in_dim3A_201 : vector<16xi32>, vector<16xi1> -> vector<16xi32>
      %add3A_202 = vector.broadcast %scan3A_182 : i32 to vector<16xi32>
      %add3A_203 = arith.addi %add3A_202, %masked_cumsum3A : vector<16xi32>
      %sub3A_204 = arith.constant 1 : i32
      %sub3A_205 = vector.broadcast %sub3A_204 : i32 to vector<16xi32>
      %sub3A_206 = arith.subi %add3A_203, %sub3A_205 : vector<16xi32>
      tpu.vector_store_idx %arg9[%sub3A_206], %add3A_199 masked %eq3A_195 : memref<1040xi32, #tpu.memory_space<vmem>>[vector<16xi32>], vector<16xi32>, vector<16xi1>
      tpu.vector_store_idx %arg10[%sub3A_206], %select_n3A_189 masked %eq3A_195 : memref<1040xi32, #tpu.memory_space<vmem>>[vector<16xi32>], vector<16xi32>, vector<16xi1>
      %slice3A = vector.extract_strided_slice %masked_cumsum3A {offsets = [15], sizes = [1], strides = [1]} : vector<16xi32> to vector<1xi32>
      %squeeze3A = vector.extract %slice3A[0] : i32 from vector<1xi32>
      %add3A_207 = arith.addi %scan3A_182, %squeeze3A : i32
      scf.yield %add3A_207 : i32
    }
    %scan3A_6 = arith.constant 1024 : i32
    %add3A_7 = arith.constant 15 : i32
    %add3A_8 = arith.addi %scan3A_5, %add3A_7 : i32
    %jit3A = arith.constant 16 : i32
    %div3A = arith.divsi %add3A_8, %jit3A : i32
    %sign3A = arith.constant 0 : i32
    %sign3A_9 = arith.cmpi sgt, %add3A_8, %sign3A : i32
    %sign3A_10 = arith.extui %sign3A_9 : i1 to i32
    %sign3A_11 = arith.constant 0 : i32
    %sign3A_12 = arith.cmpi slt, %add3A_8, %sign3A_11 : i32
    %sign3A_13 = arith.extui %sign3A_12 : i1 to i32
    %sign3A_14 = arith.subi %sign3A_10, %sign3A_13 : i32
    %sign3A_15 = arith.constant 0 : i32
    %sign3A_16 = arith.cmpi sgt, %jit3A, %sign3A_15 : i32
    %sign3A_17 = arith.extui %sign3A_16 : i1 to i32
    %sign3A_18 = arith.constant 0 : i32
    %sign3A_19 = arith.cmpi slt, %jit3A, %sign3A_18 : i32
    %sign3A_20 = arith.extui %sign3A_19 : i1 to i32
    %sign3A_21 = arith.subi %sign3A_17, %sign3A_20 : i32
    %ne3A = arith.cmpi ne, %sign3A_14, %sign3A_21 : i32
    %rem3A = arith.remsi %add3A_8, %jit3A : i32
    %ne3A_22 = arith.constant 0 : i32
    %ne3A_23 = arith.cmpi ne, %rem3A, %ne3A_22 : i32
    %and3A = arith.andi %ne3A, %ne3A_23 : i1
    %sub3A = arith.constant 1 : i32
    %sub3A_24 = arith.subi %div3A, %sub3A : i32
    %select_n3A = arith.select %and3A, %sub3A_24, %div3A : i32
    %while3A = arith.constant 0 : i32
    %while3A_25 = arith.constant 0 : i32
    %while3A_26 = arith.constant 0 : i32
    %while3A_27 = arith.constant 0 : i32
    %while3A_28 = arith.constant 0 : i32
    %while3A_29 = arith.subi %select_n3A, %while3A : i32
    %while3A_30 = arith.addi %while3A, %while3A_29 : i32
    %while3A_31 = arith.constant 1 : i32
    %while3A_32 = arith.divsi %while3A_29, %while3A_31 : i32
    %while3A_33 = arith.muli %while3A_32, %while3A_31 : i32
    %while3A_34 = arith.addi %while3A, %while3A_33 : i32
    %while3A_35 = arith.constant 1 : i32
    %while3A_36:4 = scf.for %while3A_181 = %while3A to %while3A_34 step %while3A_35 iter_args(%while3A_182 = %while3A_25, %while3A_183 = %while3A_26, %while3A_184 = %while3A_27, %while3A_185 = %while3A_28) -> (i32, i32, i32, i32)  : i32 {
      %mul3A_186 = arith.constant 16 : i32
      %mul3A_187 = arith.muli %while3A_181, %mul3A_186 : i32
      %get3A = arith.index_cast %mul3A_187 : i32 to index
      %get3A_188 = tpu.vector_load %arg10[%get3A] {strides = array<i32>} : memref<1040xi32, #tpu.memory_space<vmem>>, vector<16xi32>,
      %mul3A_189 = arith.constant 16 : i32
      %mul3A_190 = arith.muli %while3A_181, %mul3A_189 : i32
      %get3A_191 = arith.index_cast %mul3A_190 : i32 to index
      %get3A_192 = tpu.vector_load %arg9[%get3A_191] {strides = array<i32>} : memref<1040xi32, #tpu.memory_space<vmem>>, vector<16xi32>,
      %mul3A_193 = arith.constant 16 : i32
      %mul3A_194 = arith.muli %while3A_181, %mul3A_193 : i32
      %add3A_195 = vector.broadcast %mul3A_194 : i32 to vector<16xi32>
      %add3A_196 = arith.addi %iota3A, %add3A_195 : vector<16xi32>
      %shift_right_arithmetic3A = arith.constant 9 : i32
      %shift_right_arithmetic3A_197 = vector.broadcast %shift_right_arithmetic3A : i32 to vector<16xi32>
      %shift_right_arithmetic3A_198 = arith.shrsi %get3A_188, %shift_right_arithmetic3A_197 : vector<16xi32>
      %sub3A_199 = vector.broadcast %add3A : i32 to vector<16xi32>
      %sub3A_200 = arith.subi %shift_right_arithmetic3A_198, %sub3A_199 : vector<16xi32>
      %shift_right_arithmetic3A_201 = arith.constant 9 : i32
      %shift_right_arithmetic3A_202 = vector.broadcast %shift_right_arithmetic3A_201 : i32 to vector<16xi32>
      %shift_right_arithmetic3A_203 = arith.shrsi %sub3A_200, %shift_right_arithmetic3A_202 : vector<16xi32>
      %lt3A = vector.broadcast %scan3A_5 : i32 to vector<16xi32>
      %lt3A_204 = arith.cmpi slt, %add3A_196, %lt3A : vector<16xi32>
      %eq3A = arith.constant 0 : i32
      %eq3A_205 = vector.broadcast %eq3A : i32 to vector<16xi32>
      %eq3A_206 = arith.cmpi eq, %shift_right_arithmetic3A_203, %eq3A_205 : vector<16xi32>
      %and3A_207 = arith.andi %eq3A_206, %lt3A_204 : vector<16xi1>
      %all_reduce_population_count3A = tpu.all_reduce %and3A_207 {dim = 0 : i64, kind = #tpu.reduction_kind<sum>} : vector<16xi1> -> vector<16xi32>
      %slice3A = vector.extract_strided_slice %all_reduce_population_count3A {offsets = [0], sizes = [1], strides = [1]} : vector<16xi32> to vector<1xi32>
      %squeeze3A = vector.extract %slice3A[0] : i32 from vector<1xi32>
      %jit3A_208 = arith.constant 0 : i32
      %jit3A_209 = arith.constant 1 : i32
      %broadcast_in_dim3A = vector.broadcast %jit3A_208 : i32 to vector<16xi32>
      %broadcast_in_dim3A_210 = vector.broadcast %jit3A_209 : i32 to vector<16xi32>
      %select_n3A_211 = arith.select %and3A_207, %broadcast_in_dim3A, %broadcast_in_dim3A_210 : vector<16xi1>, vector<16xi32>
      %masked_sort3A = arith.constant dense<true> : vector<16xi1>
      %masked_sort3A_212 = arith.constant -2147483648 : i32
      %masked_sort3A_213 = vector.broadcast %masked_sort3A_212 : i32 to vector<16xi32>
      %masked_sort3A_214 = arith.xori %select_n3A_211, %masked_sort3A_213 : vector<16xi32>
      %masked_sort3A_215, %masked_sort3A_216, %masked_sort3A_217 = tpu.sort %masked_sort3A_214, %get3A_192 masked %masked_sort3A : (vector<16xi32>, vector<16xi32>, vector<16xi1>) -> (vector<16xi1>, vector<16xi32>, vector<16xi32>)
      %masked_sort3A_218 = arith.xori %masked_sort3A_216, %masked_sort3A_213 : vector<16xi32>
      %masked_sort3A_219 = arith.constant dense<true> : vector<16xi1>
      %masked_sort3A_220 = arith.constant -2147483648 : i32
      %masked_sort3A_221 = vector.broadcast %masked_sort3A_220 : i32 to vector<16xi32>
      %masked_sort3A_222 = arith.xori %select_n3A_211, %masked_sort3A_221 : vector<16xi32>
      %masked_sort3A_223, %masked_sort3A_224, %masked_sort3A_225 = tpu.sort %masked_sort3A_222, %get3A_188 masked %masked_sort3A_219 : (vector<16xi32>, vector<16xi32>, vector<16xi1>) -> (vector<16xi1>, vector<16xi32>, vector<16xi32>)
      %masked_sort3A_226 = arith.xori %masked_sort3A_224, %masked_sort3A_221 : vector<16xi32>
      %add3A_227 = arith.constant 0 : i32
      %add3A_228 = arith.addi %add3A_227, %while3A_182 : i32
      %swap3A = arith.index_cast %add3A_228 : i32 to index
      %swap3A_229 = tpu.vector_load %arg11[%swap3A] {strides = array<i32>} : memref<1536xi32, #tpu.memory_space<vmem>>, vector<16xi32>,
      tpu.vector_store %arg11[%swap3A], %masked_sort3A_217 {strides = array<i32>} : memref<1536xi32, #tpu.memory_space<vmem>>, vector<16xi32>,
      %add3A_230 = arith.constant 0 : i32
      %add3A_231 = arith.addi %add3A_230, %while3A_182 : i32
      %swap3A_232 = arith.index_cast %add3A_231 : i32 to index
      %swap3A_233 = tpu.vector_load %arg12[%swap3A_232] {strides = array<i32>} : memref<1536xi32, #tpu.memory_space<vmem>>, vector<16xi32>,
      tpu.vector_store %arg12[%swap3A_232], %masked_sort3A_225 {strides = array<i32>} : memref<1536xi32, #tpu.memory_space<vmem>>, vector<16xi32>,
      %add3A_234 = arith.addi %while3A_182, %squeeze3A : i32
      %eq3A_235 = arith.constant 1 : i32
      %eq3A_236 = vector.broadcast %eq3A_235 : i32 to vector<16xi32>
      %eq3A_237 = arith.cmpi eq, %shift_right_arithmetic3A_203, %eq3A_236 : vector<16xi32>
      %and3A_238 = arith.andi %eq3A_237, %lt3A_204 : vector<16xi1>
      %all_reduce_population_count3A_239 = tpu.all_reduce %and3A_238 {dim = 0 : i64, kind = #tpu.reduction_kind<sum>} : vector<16xi1> -> vector<16xi32>
      %slice3A_240 = vector.extract_strided_slice %all_reduce_population_count3A_239 {offsets = [0], sizes = [1], strides = [1]} : vector<16xi32> to vector<1xi32>
      %squeeze3A_241 = vector.extract %slice3A_240[0] : i32 from vector<1xi32>
      %jit3A_242 = arith.constant 0 : i32
      %jit3A_243 = arith.constant 1 : i32
      %broadcast_in_dim3A_244 = vector.broadcast %jit3A_242 : i32 to vector<16xi32>
      %broadcast_in_dim3A_245 = vector.broadcast %jit3A_243 : i32 to vector<16xi32>
      %select_n3A_246 = arith.select %and3A_238, %broadcast_in_dim3A_244, %broadcast_in_dim3A_245 : vector<16xi1>, vector<16xi32>
      %masked_sort3A_247 = arith.constant dense<true> : vector<16xi1>
      %masked_sort3A_248 = arith.constant -2147483648 : i32
      %masked_sort3A_249 = vector.broadcast %masked_sort3A_248 : i32 to vector<16xi32>
      %masked_sort3A_250 = arith.xori %select_n3A_246, %masked_sort3A_249 : vector<16xi32>
      %masked_sort3A_251, %masked_sort3A_252, %masked_sort3A_253 = tpu.sort %masked_sort3A_250, %get3A_192 masked %masked_sort3A_247 : (vector<16xi32>, vector<16xi32>, vector<16xi1>) -> (vector<16xi1>, vector<16xi32>, vector<16xi32>)
      %masked_sort3A_254 = arith.xori %masked_sort3A_252, %masked_sort3A_249 : vector<16xi32>
      %masked_sort3A_255 = arith.constant dense<true> : vector<16xi1>
      %masked_sort3A_256 = arith.constant -2147483648 : i32
      %masked_sort3A_257 = vector.broadcast %masked_sort3A_256 : i32 to vector<16xi32>
      %masked_sort3A_258 = arith.xori %select_n3A_246, %masked_sort3A_257 : vector<16xi32>
      %masked_sort3A_259, %masked_sort3A_260, %masked_sort3A_261 = tpu.sort %masked_sort3A_258, %get3A_188 masked %masked_sort3A_255 : (vector<16xi32>, vector<16xi32>, vector<16xi1>) -> (vector<16xi1>, vector<16xi32>, vector<16xi32>)
      %masked_sort3A_262 = arith.xori %masked_sort3A_260, %masked_sort3A_257 : vector<16xi32>
      %add3A_263 = arith.constant 384 : i32
      %add3A_264 = arith.addi %add3A_263, %while3A_183 : i32
      %swap3A_265 = arith.index_cast %add3A_264 : i32 to index
      %swap3A_266 = tpu.vector_load %arg11[%swap3A_265] {strides = array<i32>} : memref<1536xi32, #tpu.memory_space<vmem>>, vector<16xi32>,
      tpu.vector_store %arg11[%swap3A_265], %masked_sort3A_253 {strides = array<i32>} : memref<1536xi32, #tpu.memory_space<vmem>>, vector<16xi32>,
      %add3A_267 = arith.constant 384 : i32
      %add3A_268 = arith.addi %add3A_267, %while3A_183 : i32
      %swap3A_269 = arith.index_cast %add3A_268 : i32 to index
      %swap3A_270 = tpu.vector_load %arg12[%swap3A_269] {strides = array<i32>} : memref<1536xi32, #tpu.memory_space<vmem>>, vector<16xi32>,
      tpu.vector_store %arg12[%swap3A_269], %masked_sort3A_261 {strides = array<i32>} : memref<1536xi32, #tpu.memory_space<vmem>>, vector<16xi32>,
      %add3A_271 = arith.addi %while3A_183, %squeeze3A_241 : i32
      %eq3A_272 = arith.constant 2 : i32
      %eq3A_273 = vector.broadcast %eq3A_272 : i32 to vector<16xi32>
      %eq3A_274 = arith.cmpi eq, %shift_right_arithmetic3A_203, %eq3A_273 : vector<16xi32>
      %and3A_275 = arith.andi %eq3A_274, %lt3A_204 : vector<16xi1>
      %all_reduce_population_count3A_276 = tpu.all_reduce %and3A_275 {dim = 0 : i64, kind = #tpu.reduction_kind<sum>} : vector<16xi1> -> vector<16xi32>
      %slice3A_277 = vector.extract_strided_slice %all_reduce_population_count3A_276 {offsets = [0], sizes = [1], strides = [1]} : vector<16xi32> to vector<1xi32>
      %squeeze3A_278 = vector.extract %slice3A_277[0] : i32 from vector<1xi32>
      %jit3A_279 = arith.constant 0 : i32
      %jit3A_280 = arith.constant 1 : i32
      %broadcast_in_dim3A_281 = vector.broadcast %jit3A_279 : i32 to vector<16xi32>
      %broadcast_in_dim3A_282 = vector.broadcast %jit3A_280 : i32 to vector<16xi32>
      %select_n3A_283 = arith.select %and3A_275, %broadcast_in_dim3A_281, %broadcast_in_dim3A_282 : vector<16xi1>, vector<16xi32>
      %masked_sort3A_284 = arith.constant dense<true> : vector<16xi1>
      %masked_sort3A_285 = arith.constant -2147483648 : i32
      %masked_sort3A_286 = vector.broadcast %masked_sort3A_285 : i32 to vector<16xi32>
      %masked_sort3A_287 = arith.xori %select_n3A_283, %masked_sort3A_286 : vector<16xi32>
      %masked_sort3A_288, %masked_sort3A_289, %masked_sort3A_290 = tpu.sort %masked_sort3A_287, %get3A_192 masked %masked_sort3A_284 : (vector<16xi32>, vector<16xi32>, vector<16xi1>) -> (vector<16xi1>, vector<16xi32>, vector<16xi32>)
      %masked_sort3A_291 = arith.xori %masked_sort3A_289, %masked_sort3A_286 : vector<16xi32>
      %masked_sort3A_292 = arith.constant dense<true> : vector<16xi1>
      %masked_sort3A_293 = arith.constant -2147483648 : i32
      %masked_sort3A_294 = vector.broadcast %masked_sort3A_293 : i32 to vector<16xi32>
      %masked_sort3A_295 = arith.xori %select_n3A_283, %masked_sort3A_294 : vector<16xi32>
      %masked_sort3A_296, %masked_sort3A_297, %masked_sort3A_298 = tpu.sort %masked_sort3A_295, %get3A_188 masked %masked_sort3A_292 : (vector<16xi32>, vector<16xi32>, vector<16xi1>) -> (vector<16xi1>, vector<16xi32>, vector<16xi32>)
      %masked_sort3A_299 = arith.xori %masked_sort3A_297, %masked_sort3A_294 : vector<16xi32>
      %add3A_300 = arith.constant 768 : i32
      %add3A_301 = arith.addi %add3A_300, %while3A_184 : i32
      %swap3A_302 = arith.index_cast %add3A_301 : i32 to index
      %swap3A_303 = tpu.vector_load %arg11[%swap3A_302] {strides = array<i32>} : memref<1536xi32, #tpu.memory_space<vmem>>, vector<16xi32>,
      tpu.vector_store %arg11[%swap3A_302], %masked_sort3A_290 {strides = array<i32>} : memref<1536xi32, #tpu.memory_space<vmem>>, vector<16xi32>,
      %add3A_304 = arith.constant 768 : i32
      %add3A_305 = arith.addi %add3A_304, %while3A_184 : i32
      %swap3A_306 = arith.index_cast %add3A_305 : i32 to index
      %swap3A_307 = tpu.vector_load %arg12[%swap3A_306] {strides = array<i32>} : memref<1536xi32, #tpu.memory_space<vmem>>, vector<16xi32>,
      tpu.vector_store %arg12[%swap3A_306], %masked_sort3A_298 {strides = array<i32>} : memref<1536xi32, #tpu.memory_space<vmem>>, vector<16xi32>,
      %add3A_308 = arith.addi %while3A_184, %squeeze3A_278 : i32
      %eq3A_309 = arith.constant 3 : i32
      %eq3A_310 = vector.broadcast %eq3A_309 : i32 to vector<16xi32>
      %eq3A_311 = arith.cmpi eq, %shift_right_arithmetic3A_203, %eq3A_310 : vector<16xi32>
      %and3A_312 = arith.andi %eq3A_311, %lt3A_204 : vector<16xi1>
      %all_reduce_population_count3A_313 = tpu.all_reduce %and3A_312 {dim = 0 : i64, kind = #tpu.reduction_kind<sum>} : vector<16xi1> -> vector<16xi32>
      %slice3A_314 = vector.extract_strided_slice %all_reduce_population_count3A_313 {offsets = [0], sizes = [1], strides = [1]} : vector<16xi32> to vector<1xi32>
      %squeeze3A_315 = vector.extract %slice3A_314[0] : i32 from vector<1xi32>
      %jit3A_316 = arith.constant 0 : i32
      %jit3A_317 = arith.constant 1 : i32
      %broadcast_in_dim3A_318 = vector.broadcast %jit3A_316 : i32 to vector<16xi32>
      %broadcast_in_dim3A_319 = vector.broadcast %jit3A_317 : i32 to vector<16xi32>
      %select_n3A_320 = arith.select %and3A_312, %broadcast_in_dim3A_318, %broadcast_in_dim3A_319 : vector<16xi1>, vector<16xi32>
      %masked_sort3A_321 = arith.constant dense<true> : vector<16xi1>
      %masked_sort3A_322 = arith.constant -2147483648 : i32
      %masked_sort3A_323 = vector.broadcast %masked_sort3A_322 : i32 to vector<16xi32>
      %masked_sort3A_324 = arith.xori %select_n3A_320, %masked_sort3A_323 : vector<16xi32>
      %masked_sort3A_325, %masked_sort3A_326, %masked_sort3A_327 = tpu.sort %masked_sort3A_324, %get3A_192 masked %masked_sort3A_321 : (vector<16xi32>, vector<16xi32>, vector<16xi1>) -> (vector<16xi1>, vector<16xi32>, vector<16xi32>)
      %masked_sort3A_328 = arith.xori %masked_sort3A_326, %masked_sort3A_323 : vector<16xi32>
      %masked_sort3A_329 = arith.constant dense<true> : vector<16xi1>
      %masked_sort3A_330 = arith.constant -2147483648 : i32
      %masked_sort3A_331 = vector.broadcast %masked_sort3A_330 : i32 to vector<16xi32>
      %masked_sort3A_332 = arith.xori %select_n3A_320, %masked_sort3A_331 : vector<16xi32>
      %masked_sort3A_333, %masked_sort3A_334, %masked_sort3A_335 = tpu.sort %masked_sort3A_332, %get3A_188 masked %masked_sort3A_329 : (vector<16xi32>, vector<16xi32>, vector<16xi1>) -> (vector<16xi1>, vector<16xi32>, vector<16xi32>)
      %masked_sort3A_336 = arith.xori %masked_sort3A_334, %masked_sort3A_331 : vector<16xi32>
      %add3A_337 = arith.constant 1152 : i32
      %add3A_338 = arith.addi %add3A_337, %while3A_185 : i32
      %swap3A_339 = arith.index_cast %add3A_338 : i32 to index
      %swap3A_340 = tpu.vector_load %arg11[%swap3A_339] {strides = array<i32>} : memref<1536xi32, #tpu.memory_space<vmem>>, vector<16xi32>,
      tpu.vector_store %arg11[%swap3A_339], %masked_sort3A_327 {strides = array<i32>} : memref<1536xi32, #tpu.memory_space<vmem>>, vector<16xi32>,
      %add3A_341 = arith.constant 1152 : i32
      %add3A_342 = arith.addi %add3A_341, %while3A_185 : i32
      %swap3A_343 = arith.index_cast %add3A_342 : i32 to index
      %swap3A_344 = tpu.vector_load %arg12[%swap3A_343] {strides = array<i32>} : memref<1536xi32, #tpu.memory_space<vmem>>, vector<16xi32>,
      tpu.vector_store %arg12[%swap3A_343], %masked_sort3A_335 {strides = array<i32>} : memref<1536xi32, #tpu.memory_space<vmem>>, vector<16xi32>,
      %add3A_345 = arith.addi %while3A_185, %squeeze3A_315 : i32
      scf.yield %add3A_234, %add3A_271, %add3A_308, %add3A_345 : i32, i32, i32, i32
    }
    %while3A_37 = arith.constant 1 : i32
    %while3A_38:4 = scf.for %while3A_181 = %while3A_34 to %while3A_30 step %while3A_37 iter_args(%while3A_182 = %while3A_36#0, %while3A_183 = %while3A_36#1, %while3A_184 = %while3A_36#2, %while3A_185 = %while3A_36#3) -> (i32, i32, i32, i32)  : i32 {
      %mul3A_186 = arith.constant 16 : i32
      %mul3A_187 = arith.muli %while3A_181, %mul3A_186 : i32
      %get3A = arith.index_cast %mul3A_187 : i32 to index
      %get3A_188 = tpu.vector_load %arg10[%get3A] {strides = array<i32>} : memref<1040xi32, #tpu.memory_space<vmem>>, vector<16xi32>,
      %mul3A_189 = arith.constant 16 : i32
      %mul3A_190 = arith.muli %while3A_181, %mul3A_189 : i32
      %get3A_191 = arith.index_cast %mul3A_190 : i32 to index
      %get3A_192 = tpu.vector_load %arg9[%get3A_191] {strides = array<i32>} : memref<1040xi32, #tpu.memory_space<vmem>>, vector<16xi32>,
      %mul3A_193 = arith.constant 16 : i32
      %mul3A_194 = arith.muli %while3A_181, %mul3A_193 : i32
      %add3A_195 = vector.broadcast %mul3A_194 : i32 to vector<16xi32>
      %add3A_196 = arith.addi %iota3A, %add3A_195 : vector<16xi32>
      %shift_right_arithmetic3A = arith.constant 9 : i32
      %shift_right_arithmetic3A_197 = vector.broadcast %shift_right_arithmetic3A : i32 to vector<16xi32>
      %shift_right_arithmetic3A_198 = arith.shrsi %get3A_188, %shift_right_arithmetic3A_197 : vector<16xi32>
      %sub3A_199 = vector.broadcast %add3A : i32 to vector<16xi32>
      %sub3A_200 = arith.subi %shift_right_arithmetic3A_198, %sub3A_199 : vector<16xi32>
      %shift_right_arithmetic3A_201 = arith.constant 9 : i32
      %shift_right_arithmetic3A_202 = vector.broadcast %shift_right_arithmetic3A_201 : i32 to vector<16xi32>
      %shift_right_arithmetic3A_203 = arith.shrsi %sub3A_200, %shift_right_arithmetic3A_202 : vector<16xi32>
      %lt3A = vector.broadcast %scan3A_5 : i32 to vector<16xi32>
      %lt3A_204 = arith.cmpi slt, %add3A_196, %lt3A : vector<16xi32>
      %eq3A = arith.constant 0 : i32
      %eq3A_205 = vector.broadcast %eq3A : i32 to vector<16xi32>
      %eq3A_206 = arith.cmpi eq, %shift_right_arithmetic3A_203, %eq3A_205 : vector<16xi32>
      %and3A_207 = arith.andi %eq3A_206, %lt3A_204 : vector<16xi1>
      %all_reduce_population_count3A = tpu.all_reduce %and3A_207 {dim = 0 : i64, kind = #tpu.reduction_kind<sum>} : vector<16xi1> -> vector<16xi32>
      %slice3A = vector.extract_strided_slice %all_reduce_population_count3A {offsets = [0], sizes = [1], strides = [1]} : vector<16xi32> to vector<1xi32>
      %squeeze3A = vector.extract %slice3A[0] : i32 from vector<1xi32>
      %jit3A_208 = arith.constant 0 : i32
      %jit3A_209 = arith.constant 1 : i32
      %broadcast_in_dim3A = vector.broadcast %jit3A_208 : i32 to vector<16xi32>
      %broadcast_in_dim3A_210 = vector.broadcast %jit3A_209 : i32 to vector<16xi32>
      %select_n3A_211 = arith.select %and3A_207, %broadcast_in_dim3A, %broadcast_in_dim3A_210 : vector<16xi1>, vector<16xi32>
      %masked_sort3A = arith.constant dense<true> : vector<16xi1>
      %masked_sort3A_212 = arith.constant -2147483648 : i32
      %masked_sort3A_213 = vector.broadcast %masked_sort3A_212 : i32 to vector<16xi32>
      %masked_sort3A_214 = arith.xori %select_n3A_211, %masked_sort3A_213 : vector<16xi32>
      %masked_sort3A_215, %masked_sort3A_216, %masked_sort3A_217 = tpu.sort %masked_sort3A_214, %get3A_192 masked %masked_sort3A : (vector<16xi32>, vector<16xi32>, vector<16xi1>) -> (vector<16xi1>, vector<16xi32>, vector<16xi32>)
      %masked_sort3A_218 = arith.xori %masked_sort3A_216, %masked_sort3A_213 : vector<16xi32>
      %masked_sort3A_219 = arith.constant dense<true> : vector<16xi1>
      %masked_sort3A_220 = arith.constant -2147483648 : i32
      %masked_sort3A_221 = vector.broadcast %masked_sort3A_220 : i32 to vector<16xi32>
      %masked_sort3A_222 = arith.xori %select_n3A_211, %masked_sort3A_221 : vector<16xi32>
      %masked_sort3A_223, %masked_sort3A_224, %masked_sort3A_225 = tpu.sort %masked_sort3A_222, %get3A_188 masked %masked_sort3A_219 : (vector<16xi32>, vector<16xi32>, vector<16xi1>) -> (vector<16xi1>, vector<16xi32>, vector<16xi32>)
      %masked_sort3A_226 = arith.xori %masked_sort3A_224, %masked_sort3A_221 : vector<16xi32>
      %add3A_227 = arith.constant 0 : i32
      %add3A_228 = arith.addi %add3A_227, %while3A_182 : i32
      %swap3A = arith.index_cast %add3A_228 : i32 to index
      %swap3A_229 = tpu.vector_load %arg11[%swap3A] {strides = array<i32>} : memref<1536xi32, #tpu.memory_space<vmem>>, vector<16xi32>,
      tpu.vector_store %arg11[%swap3A], %masked_sort3A_217 {strides = array<i32>} : memref<1536xi32, #tpu.memory_space<vmem>>, vector<16xi32>,
      %add3A_230 = arith.constant 0 : i32
      %add3A_231 = arith.addi %add3A_230, %while3A_182 : i32
      %swap3A_232 = arith.index_cast %add3A_231 : i32 to index
      %swap3A_233 = tpu.vector_load %arg12[%swap3A_232] {strides = array<i32>} : memref<1536xi32, #tpu.memory_space<vmem>>, vector<16xi32>,
      tpu.vector_store %arg12[%swap3A_232], %masked_sort3A_225 {strides = array<i32>} : memref<1536xi32, #tpu.memory_space<vmem>>, vector<16xi32>,
      %add3A_234 = arith.addi %while3A_182, %squeeze3A : i32
      %eq3A_235 = arith.constant 1 : i32
      %eq3A_236 = vector.broadcast %eq3A_235 : i32 to vector<16xi32>
      %eq3A_237 = arith.cmpi eq, %shift_right_arithmetic3A_203, %eq3A_236 : vector<16xi32>
      %and3A_238 = arith.andi %eq3A_237, %lt3A_204 : vector<16xi1>
      %all_reduce_population_count3A_239 = tpu.all_reduce %and3A_238 {dim = 0 : i64, kind = #tpu.reduction_kind<sum>} : vector<16xi1> -> vector<16xi32>
      %slice3A_240 = vector.extract_strided_slice %all_reduce_population_count3A_239 {offsets = [0], sizes = [1], strides = [1]} : vector<16xi32> to vector<1xi32>
      %squeeze3A_241 = vector.extract %slice3A_240[0] : i32 from vector<1xi32>
      %jit3A_242 = arith.constant 0 : i32
      %jit3A_243 = arith.constant 1 : i32
      %broadcast_in_dim3A_244 = vector.broadcast %jit3A_242 : i32 to vector<16xi32>
      %broadcast_in_dim3A_245 = vector.broadcast %jit3A_243 : i32 to vector<16xi32>
      %select_n3A_246 = arith.select %and3A_238, %broadcast_in_dim3A_244, %broadcast_in_dim3A_245 : vector<16xi1>, vector<16xi32>
      %masked_sort3A_247 = arith.constant dense<true> : vector<16xi1>
      %masked_sort3A_248 = arith.constant -2147483648 : i32
      %masked_sort3A_249 = vector.broadcast %masked_sort3A_248 : i32 to vector<16xi32>
      %masked_sort3A_250 = arith.xori %select_n3A_246, %masked_sort3A_249 : vector<16xi32>
      %masked_sort3A_251, %masked_sort3A_252, %masked_sort3A_253 = tpu.sort %masked_sort3A_250, %get3A_192 masked %masked_sort3A_247 : (vector<16xi32>, vector<16xi32>, vector<16xi1>) -> (vector<16xi1>, vector<16xi32>, vector<16xi32>)
      %masked_sort3A_254 = arith.xori %masked_sort3A_252, %masked_sort3A_249 : vector<16xi32>
      %masked_sort3A_255 = arith.constant dense<true> : vector<16xi1>
      %masked_sort3A_256 = arith.constant -2147483648 : i32
      %masked_sort3A_257 = vector.broadcast %masked_sort3A_256 : i32 to vector<16xi32>
      %masked_sort3A_258 = arith.xori %select_n3A_246, %masked_sort3A_257 : vector<16xi32>
      %masked_sort3A_259, %masked_sort3A_260, %masked_sort3A_261 = tpu.sort %masked_sort3A_258, %get3A_188 masked %masked_sort3A_255 : (vector<16xi32>, vector<16xi32>, vector<16xi1>) -> (vector<16xi1>, vector<16xi32>, vector<16xi32>)
      %masked_sort3A_262 = arith.xori %masked_sort3A_260, %masked_sort3A_257 : vector<16xi32>
      %add3A_263 = arith.constant 384 : i32
      %add3A_264 = arith.addi %add3A_263, %while3A_183 : i32
      %swap3A_265 = arith.index_cast %add3A_264 : i32 to index
      %swap3A_266 = tpu.vector_load %arg11[%swap3A_265] {strides = array<i32>} : memref<1536xi32, #tpu.memory_space<vmem>>, vector<16xi32>,
      tpu.vector_store %arg11[%swap3A_265], %masked_sort3A_253 {strides = array<i32>} : memref<1536xi32, #tpu.memory_space<vmem>>, vector<16xi32>,
      %add3A_267 = arith.constant 384 : i32
      %add3A_268 = arith.addi %add3A_267, %while3A_183 : i32
      %swap3A_269 = arith.index_cast %add3A_268 : i32 to index
      %swap3A_270 = tpu.vector_load %arg12[%swap3A_269] {strides = array<i32>} : memref<1536xi32, #tpu.memory_space<vmem>>, vector<16xi32>,
      tpu.vector_store %arg12[%swap3A_269], %masked_sort3A_261 {strides = array<i32>} : memref<1536xi32, #tpu.memory_space<vmem>>, vector<16xi32>,
      %add3A_271 = arith.addi %while3A_183, %squeeze3A_241 : i32
      %eq3A_272 = arith.constant 2 : i32
      %eq3A_273 = vector.broadcast %eq3A_272 : i32 to vector<16xi32>
      %eq3A_274 = arith.cmpi eq, %shift_right_arithmetic3A_203, %eq3A_273 : vector<16xi32>
      %and3A_275 = arith.andi %eq3A_274, %lt3A_204 : vector<16xi1>
      %all_reduce_population_count3A_276 = tpu.all_reduce %and3A_275 {dim = 0 : i64, kind = #tpu.reduction_kind<sum>} : vector<16xi1> -> vector<16xi32>
      %slice3A_277 = vector.extract_strided_slice %all_reduce_population_count3A_276 {offsets = [0], sizes = [1], strides = [1]} : vector<16xi32> to vector<1xi32>
      %squeeze3A_278 = vector.extract %slice3A_277[0] : i32 from vector<1xi32>
      %jit3A_279 = arith.constant 0 : i32
      %jit3A_280 = arith.constant 1 : i32
      %broadcast_in_dim3A_281 = vector.broadcast %jit3A_279 : i32 to vector<16xi32>
      %broadcast_in_dim3A_282 = vector.broadcast %jit3A_280 : i32 to vector<16xi32>
      %select_n3A_283 = arith.select %and3A_275, %broadcast_in_dim3A_281, %broadcast_in_dim3A_282 : vector<16xi1>, vector<16xi32>
      %masked_sort3A_284 = arith.constant dense<true> : vector<16xi1>
      %masked_sort3A_285 = arith.constant -2147483648 : i32
      %masked_sort3A_286 = vector.broadcast %masked_sort3A_285 : i32 to vector<16xi32>
      %masked_sort3A_287 = arith.xori %select_n3A_283, %masked_sort3A_286 : vector<16xi32>
      %masked_sort3A_288, %masked_sort3A_289, %masked_sort3A_290 = tpu.sort %masked_sort3A_287, %get3A_192 masked %masked_sort3A_284 : (vector<16xi32>, vector<16xi32>, vector<16xi1>) -> (vector<16xi1>, vector<16xi32>, vector<16xi32>)
      %masked_sort3A_291 = arith.xori %masked_sort3A_289, %masked_sort3A_286 : vector<16xi32>
      %masked_sort3A_292 = arith.constant dense<true> : vector<16xi1>
      %masked_sort3A_293 = arith.constant -2147483648 : i32
      %masked_sort3A_294 = vector.broadcast %masked_sort3A_293 : i32 to vector<16xi32>
      %masked_sort3A_295 = arith.xori %select_n3A_283, %masked_sort3A_294 : vector<16xi32>
      %masked_sort3A_296, %masked_sort3A_297, %masked_sort3A_298 = tpu.sort %masked_sort3A_295, %get3A_188 masked %masked_sort3A_292 : (vector<16xi32>, vector<16xi32>, vector<16xi1>) -> (vector<16xi1>, vector<16xi32>, vector<16xi32>)
      %masked_sort3A_299 = arith.xori %masked_sort3A_297, %masked_sort3A_294 : vector<16xi32>
      %add3A_300 = arith.constant 768 : i32
      %add3A_301 = arith.addi %add3A_300, %while3A_184 : i32
      %swap3A_302 = arith.index_cast %add3A_301 : i32 to index
      %swap3A_303 = tpu.vector_load %arg11[%swap3A_302] {strides = array<i32>} : memref<1536xi32, #tpu.memory_space<vmem>>, vector<16xi32>,
      tpu.vector_store %arg11[%swap3A_302], %masked_sort3A_290 {strides = array<i32>} : memref<1536xi32, #tpu.memory_space<vmem>>, vector<16xi32>,
      %add3A_304 = arith.constant 768 : i32
      %add3A_305 = arith.addi %add3A_304, %while3A_184 : i32
      %swap3A_306 = arith.index_cast %add3A_305 : i32 to index
      %swap3A_307 = tpu.vector_load %arg12[%swap3A_306] {strides = array<i32>} : memref<1536xi32, #tpu.memory_space<vmem>>, vector<16xi32>,
      tpu.vector_store %arg12[%swap3A_306], %masked_sort3A_298 {strides = array<i32>} : memref<1536xi32, #tpu.memory_space<vmem>>, vector<16xi32>,
      %add3A_308 = arith.addi %while3A_184, %squeeze3A_278 : i32
      %eq3A_309 = arith.constant 3 : i32
      %eq3A_310 = vector.broadcast %eq3A_309 : i32 to vector<16xi32>
      %eq3A_311 = arith.cmpi eq, %shift_right_arithmetic3A_203, %eq3A_310 : vector<16xi32>
      %and3A_312 = arith.andi %eq3A_311, %lt3A_204 : vector<16xi1>
      %all_reduce_population_count3A_313 = tpu.all_reduce %and3A_312 {dim = 0 : i64, kind = #tpu.reduction_kind<sum>} : vector<16xi1> -> vector<16xi32>
      %slice3A_314 = vector.extract_strided_slice %all_reduce_population_count3A_313 {offsets = [0], sizes = [1], strides = [1]} : vector<16xi32> to vector<1xi32>
      %squeeze3A_315 = vector.extract %slice3A_314[0] : i32 from vector<1xi32>
      %jit3A_316 = arith.constant 0 : i32
      %jit3A_317 = arith.constant 1 : i32
      %broadcast_in_dim3A_318 = vector.broadcast %jit3A_316 : i32 to vector<16xi32>
      %broadcast_in_dim3A_319 = vector.broadcast %jit3A_317 : i32 to vector<16xi32>
      %select_n3A_320 = arith.select %and3A_312, %broadcast_in_dim3A_318, %broadcast_in_dim3A_319 : vector<16xi1>, vector<16xi32>
      %masked_sort3A_321 = arith.constant dense<true> : vector<16xi1>
      %masked_sort3A_322 = arith.constant -2147483648 : i32
      %masked_sort3A_323 = vector.broadcast %masked_sort3A_322 : i32 to vector<16xi32>
      %masked_sort3A_324 = arith.xori %select_n3A_320, %masked_sort3A_323 : vector<16xi32>
      %masked_sort3A_325, %masked_sort3A_326, %masked_sort3A_327 = tpu.sort %masked_sort3A_324, %get3A_192 masked %masked_sort3A_321 : (vector<16xi32>, vector<16xi32>, vector<16xi1>) -> (vector<16xi1>, vector<16xi32>, vector<16xi32>)
      %masked_sort3A_328 = arith.xori %masked_sort3A_326, %masked_sort3A_323 : vector<16xi32>
      %masked_sort3A_329 = arith.constant dense<true> : vector<16xi1>
      %masked_sort3A_330 = arith.constant -2147483648 : i32
      %masked_sort3A_331 = vector.broadcast %masked_sort3A_330 : i32 to vector<16xi32>
      %masked_sort3A_332 = arith.xori %select_n3A_320, %masked_sort3A_331 : vector<16xi32>
      %masked_sort3A_333, %masked_sort3A_334, %masked_sort3A_335 = tpu.sort %masked_sort3A_332, %get3A_188 masked %masked_sort3A_329 : (vector<16xi32>, vector<16xi32>, vector<16xi1>) -> (vector<16xi1>, vector<16xi32>, vector<16xi32>)
      %masked_sort3A_336 = arith.xori %masked_sort3A_334, %masked_sort3A_331 : vector<16xi32>
      %add3A_337 = arith.constant 1152 : i32
      %add3A_338 = arith.addi %add3A_337, %while3A_185 : i32
      %swap3A_339 = arith.index_cast %add3A_338 : i32 to index
      %swap3A_340 = tpu.vector_load %arg11[%swap3A_339] {strides = array<i32>} : memref<1536xi32, #tpu.memory_space<vmem>>, vector<16xi32>,
      tpu.vector_store %arg11[%swap3A_339], %masked_sort3A_327 {strides = array<i32>} : memref<1536xi32, #tpu.memory_space<vmem>>, vector<16xi32>,
      %add3A_341 = arith.constant 1152 : i32
      %add3A_342 = arith.addi %add3A_341, %while3A_185 : i32
      %swap3A_343 = arith.index_cast %add3A_342 : i32 to index
      %swap3A_344 = tpu.vector_load %arg12[%swap3A_343] {strides = array<i32>} : memref<1536xi32, #tpu.memory_space<vmem>>, vector<16xi32>,
      tpu.vector_store %arg12[%swap3A_343], %masked_sort3A_335 {strides = array<i32>} : memref<1536xi32, #tpu.memory_space<vmem>>, vector<16xi32>,
      %add3A_345 = arith.addi %while3A_185, %squeeze3A_315 : i32
      scf.yield %add3A_234, %add3A_271, %add3A_308, %add3A_345 : i32, i32, i32, i32
    }
    %add3A_39 = arith.constant 0 : i32
    %add3A_40 = arith.addi %add3A, %add3A_39 : i32
    %mul3A_41 = arith.constant 512 : i32
    %mul3A_42 = arith.muli %add3A_40, %mul3A_41 : i32
    %multiple_of3A = tpu.assume_multiple %mul3A_42, 128 : i32
    %dma_start3A = arith.constant 0 : i32
    %dma_start3A_43 = arith.constant 0 : i32
    %dma_start3A_44 = arith.constant 0 : i32
    %dma_start3A_45 = tpu.memref_slice %arg13[%dma_start3A, %dma_start3A_43, %dma_start3A_44] : memref<3x64x512xf32, #tpu.memory_space<vmem>> -> memref<1x64x512xf32, #tpu.memory_space<vmem>>
    %dma_start3A_46 = tpu.memref_squeeze %dma_start3A_45 : memref<1x64x512xf32, #tpu.memory_space<vmem>> -> memref<64x512xf32, #tpu.memory_space<vmem>>
    %dma_start3A_47 = arith.constant 0 : i32
    %dma_start3A_48 = tpu.memref_slice %arg4[%dma_start3A_47, %multiple_of3A] : memref<64x1000000xf32, #tpu.memory_space<hbm>> -> memref<64x512xf32, #tpu.memory_space<hbm>>
    %dma_start3A_49 = arith.constant 0 : i32
    %dma_start3A_50 = arith.constant 0 : i32
    %dma_start3A_51 = tpu.memref_slice %arg13[%dma_start3A, %dma_start3A_49, %dma_start3A_50] : memref<3x64x512xf32, #tpu.memory_space<vmem>> -> memref<1x64x512xf32, #tpu.memory_space<vmem>>
    %dma_start3A_52 = tpu.memref_squeeze %dma_start3A_51 : memref<1x64x512xf32, #tpu.memory_space<vmem>> -> memref<64x512xf32, #tpu.memory_space<vmem>>
    %dma_start3A_53 = arith.constant 0 : i32
    %dma_start3A_54 = tpu.memref_slice %arg4[%dma_start3A_53, %multiple_of3A] : memref<64x1000000xf32, #tpu.memory_space<hbm>> -> memref<64x512xf32, #tpu.memory_space<hbm>>
    tpu.enqueue_dma source(%dma_start3A_54 : memref<64x512xf32, #tpu.memory_space<hbm>>) target(%dma_start3A_52 : memref<64x512xf32, #tpu.memory_space<vmem>>) target_semaphore(%arg17 : memref<!tpu.dma_semaphore, #tpu.memory_space<semaphore_mem>>)
    %add3A_55 = arith.constant 32 : i32
    %add3A_56 = arith.addi %add3A, %add3A_55 : i32
    %mul3A_57 = arith.constant 512 : i32
    %mul3A_58 = arith.muli %add3A_56, %mul3A_57 : i32
    %multiple_of3A_59 = tpu.assume_multiple %mul3A_58, 128 : i32
    %dma_start3A_60 = arith.constant 1 : i32
    %dma_start3A_61 = arith.constant 0 : i32
    %dma_start3A_62 = arith.constant 0 : i32
    %dma_start3A_63 = tpu.memref_slice %arg13[%dma_start3A_60, %dma_start3A_61, %dma_start3A_62] : memref<3x64x512xf32, #tpu.memory_space<vmem>> -> memref<1x64x512xf32, #tpu.memory_space<vmem>>
    %dma_start3A_64 = tpu.memref_squeeze %dma_start3A_63 : memref<1x64x512xf32, #tpu.memory_space<vmem>> -> memref<64x512xf32, #tpu.memory_space<vmem>>
    %dma_start3A_65 = arith.constant 0 : i32
    %dma_start3A_66 = tpu.memref_slice %arg4[%dma_start3A_65, %multiple_of3A_59] : memref<64x1000000xf32, #tpu.memory_space<hbm>> -> memref<64x512xf32, #tpu.memory_space<hbm>>
    %dma_start3A_67 = arith.constant 0 : i32
    %dma_start3A_68 = arith.constant 0 : i32
    %dma_start3A_69 = tpu.memref_slice %arg13[%dma_start3A_60, %dma_start3A_67, %dma_start3A_68] : memref<3x64x512xf32, #tpu.memory_space<vmem>> -> memref<1x64x512xf32, #tpu.memory_space<vmem>>
    %dma_start3A_70 = tpu.memref_squeeze %dma_start3A_69 : memref<1x64x512xf32, #tpu.memory_space<vmem>> -> memref<64x512xf32, #tpu.memory_space<vmem>>
    %dma_start3A_71 = arith.constant 0 : i32
    %dma_start3A_72 = tpu.memref_slice %arg4[%dma_start3A_71, %multiple_of3A_59] : memref<64x1000000xf32, #tpu.memory_space<hbm>> -> memref<64x512xf32, #tpu.memory_space<hbm>>
    tpu.enqueue_dma source(%dma_start3A_72 : memref<64x512xf32, #tpu.memory_space<hbm>>) target(%dma_start3A_70 : memref<64x512xf32, #tpu.memory_space<vmem>>) target_semaphore(%arg17 : memref<!tpu.dma_semaphore, #tpu.memory_space<semaphore_mem>>)
    %scan3A_73 = arith.constant 0 : i32
    %scan3A_74 = arith.constant 0 : i32
    %scan3A_75 = arith.constant 61 : i32
    %scan3A_76 = arith.addi %scan3A_74, %scan3A_75 : i32
    %scan3A_77 = arith.constant 1 : i32
    %scan3A_78 = scf.for %scan3A_181 = %scan3A_74 to %scan3A_76 step %scan3A_77 iter_args(%scan3A_182 = %scan3A_73) -> (i32)  : i32 {
      %rem3A_183 = arith.constant 3 : i32
      %rem3A_184 = arith.remsi %scan3A_181, %rem3A_183 : i32
      %add3A_185 = arith.constant 2 : i32
      %add3A_186 = arith.addi %scan3A_181, %add3A_185 : i32
      %lt3A = arith.constant 61 : i32
      %lt3A_187 = arith.cmpi slt, %add3A_186, %lt3A : i32
      %convert_element_type3A = arith.extui %lt3A_187 : i1 to i32
      %cond3A = arith.constant 0 : i32
      %cond3A_188 = arith.cmpi ne, %convert_element_type3A, %cond3A : i32
      scf.if %cond3A_188 {
        %add3A_254 = arith.constant 2 : i32
        %add3A_255 = arith.addi %scan3A_181, %add3A_254 : i32
        %add3A_256 = arith.constant 2 : i32
        %add3A_257 = arith.addi %scan3A_181, %add3A_256 : i32
        %rem3A_258 = arith.constant 3 : i32
        %rem3A_259 = arith.remsi %add3A_257, %rem3A_258 : i32
        %mul3A_260 = arith.constant 32 : i32
        %mul3A_261 = arith.muli %add3A_255, %mul3A_260 : i32
        %add3A_262 = arith.addi %add3A, %mul3A_261 : i32
        %mul3A_263 = arith.constant 512 : i32
        %mul3A_264 = arith.muli %add3A_262, %mul3A_263 : i32
        %multiple_of3A_265 = tpu.assume_multiple %mul3A_264, 128 : i32
        %dma_start3A_266 = arith.constant 0 : i32
        %dma_start3A_267 = arith.constant 0 : i32
        %dma_start3A_268 = tpu.memref_slice %arg13[%rem3A_259, %dma_start3A_266, %dma_start3A_267] : memref<3x64x512xf32, #tpu.memory_space<vmem>> -> memref<1x64x512xf32, #tpu.memory_space<vmem>>
        %dma_start3A_269 = tpu.memref_squeeze %dma_start3A_268 : memref<1x64x512xf32, #tpu.memory_space<vmem>> -> memref<64x512xf32, #tpu.memory_space<vmem>>
        %dma_start3A_270 = arith.constant 0 : i32
        %dma_start3A_271 = tpu.memref_slice %arg4[%dma_start3A_270, %multiple_of3A_265] : memref<64x1000000xf32, #tpu.memory_space<hbm>> -> memref<64x512xf32, #tpu.memory_space<hbm>>
        %dma_start3A_272 = arith.constant 0 : i32
        %dma_start3A_273 = arith.constant 0 : i32
        %dma_start3A_274 = tpu.memref_slice %arg13[%rem3A_259, %dma_start3A_272, %dma_start3A_273] : memref<3x64x512xf32, #tpu.memory_space<vmem>> -> memref<1x64x512xf32, #tpu.memory_space<vmem>>
        %dma_start3A_275 = tpu.memref_squeeze %dma_start3A_274 : memref<1x64x512xf32, #tpu.memory_space<vmem>> -> memref<64x512xf32, #tpu.memory_space<vmem>>
        %dma_start3A_276 = arith.constant 0 : i32
        %dma_start3A_277 = tpu.memref_slice %arg4[%dma_start3A_276, %multiple_of3A_265] : memref<64x1000000xf32, #tpu.memory_space<hbm>> -> memref<64x512xf32, #tpu.memory_space<hbm>>
        tpu.enqueue_dma source(%dma_start3A_277 : memref<64x512xf32, #tpu.memory_space<hbm>>) target(%dma_start3A_275 : memref<64x512xf32, #tpu.memory_space<vmem>>) target_semaphore(%arg17 : memref<!tpu.dma_semaphore, #tpu.memory_space<semaphore_mem>>)
      } else {
      }
      %dma_wait3A = arith.constant 0 : i32
      %dma_wait3A_189 = arith.constant 0 : i32
      %dma_wait3A_190 = arith.constant 0 : i32
      %dma_wait3A_191 = tpu.memref_slice %arg13[%dma_wait3A, %dma_wait3A_189, %dma_wait3A_190] : memref<3x64x512xf32, #tpu.memory_space<vmem>> -> memref<1x64x512xf32, #tpu.memory_space<vmem>>
      %dma_wait3A_192 = tpu.memref_squeeze %dma_wait3A_191 : memref<1x64x512xf32, #tpu.memory_space<vmem>> -> memref<64x512xf32, #tpu.memory_space<vmem>>
      %dma_wait3A_193 = arith.constant 0 : i32
      %dma_wait3A_194 = arith.constant 0 : i32
      %dma_wait3A_195 = tpu.memref_slice %arg4[%dma_wait3A_193, %dma_wait3A_194] : memref<64x1000000xf32, #tpu.memory_space<hbm>> -> memref<64x512xf32, #tpu.memory_space<hbm>>
      %dma_wait3A_196 = arith.constant 0 : i32
      %dma_wait3A_197 = arith.constant 0 : i32
      %dma_wait3A_198 = tpu.memref_slice %arg13[%dma_wait3A, %dma_wait3A_196, %dma_wait3A_197] : memref<3x64x512xf32, #tpu.memory_space<vmem>> -> memref<1x64x512xf32, #tpu.memory_space<vmem>>
      %dma_wait3A_199 = tpu.memref_squeeze %dma_wait3A_198 : memref<1x64x512xf32, #tpu.memory_space<vmem>> -> memref<64x512xf32, #tpu.memory_space<vmem>>
      %dma_wait3A_200 = arith.constant 0 : i32
      %dma_wait3A_201 = arith.constant 0 : i32
      %dma_wait3A_202 = tpu.memref_slice %arg4[%dma_wait3A_200, %dma_wait3A_201] : memref<64x1000000xf32, #tpu.memory_space<hbm>> -> memref<64x512xf32, #tpu.memory_space<hbm>>
      tpu.wait_dma2 semaphore(%arg17 : memref<!tpu.dma_semaphore, #tpu.memory_space<semaphore_mem>>) src(%dma_wait3A_202 : memref<64x512xf32, #tpu.memory_space<hbm>>) dst(%dma_wait3A_199 : memref<64x512xf32, #tpu.memory_space<vmem>>)
      %mul3A_203 = arith.constant 32 : i32
      %mul3A_204 = arith.muli %scan3A_181, %mul3A_203 : i32
      %add3A_205 = arith.addi %add3A, %mul3A_204 : i32
      %shift_right_arithmetic3A = arith.constant 4 : i32
      %shift_right_arithmetic3A_206 = arith.shrsi %scan3A_181, %shift_right_arithmetic3A : i32
      %mul3A_207 = arith.constant 384 : i32
      %mul3A_208 = arith.muli %shift_right_arithmetic3A_206, %mul3A_207 : i32
      %eq3A = arith.constant 0 : i32
      %eq3A_209 = arith.cmpi eq, %shift_right_arithmetic3A_206, %eq3A : i32
      %eq3A_210 = arith.constant 1 : i32
      %eq3A_211 = arith.cmpi eq, %shift_right_arithmetic3A_206, %eq3A_210 : i32
      %eq3A_212 = arith.constant 2 : i32
      %eq3A_213 = arith.cmpi eq, %shift_right_arithmetic3A_206, %eq3A_212 : i32
      %select_n3A_214 = arith.select %eq3A_213, %while3A_38#2, %while3A_38#3 : i32
      %select_n3A_215 = arith.select %eq3A_211, %while3A_38#1, %select_n3A_214 : i32
      %select_n3A_216 = arith.select %eq3A_209, %while3A_38#0, %select_n3A_215 : i32
      %add3A_217 = arith.constant 15 : i32
      %add3A_218 = arith.addi %select_n3A_216, %add3A_217 : i32
      %jit3A_219 = arith.constant 16 : i32
      %div3A_220 = arith.divsi %add3A_218, %jit3A_219 : i32
      %sign3A_221 = arith.constant 0 : i32
      %sign3A_222 = arith.cmpi sgt, %add3A_218, %sign3A_221 : i32
      %sign3A_223 = arith.extui %sign3A_222 : i1 to i32
      %sign3A_224 = arith.constant 0 : i32
      %sign3A_225 = arith.cmpi slt, %add3A_218, %sign3A_224 : i32
      %sign3A_226 = arith.extui %sign3A_225 : i1 to i32
      %sign3A_227 = arith.subi %sign3A_223, %sign3A_226 : i32
      %sign3A_228 = arith.constant 0 : i32
      %sign3A_229 = arith.cmpi sgt, %jit3A_219, %sign3A_228 : i32
      %sign3A_230 = arith.extui %sign3A_229 : i1 to i32
      %sign3A_231 = arith.constant 0 : i32
      %sign3A_232 = arith.cmpi slt, %jit3A_219, %sign3A_231 : i32
      %sign3A_233 = arith.extui %sign3A_232 : i1 to i32
      %sign3A_234 = arith.subi %sign3A_230, %sign3A_233 : i32
      %ne3A_235 = arith.cmpi ne, %sign3A_227, %sign3A_234 : i32
      %rem3A_236 = arith.remsi %add3A_218, %jit3A_219 : i32
      %ne3A_237 = arith.constant 0 : i32
      %ne3A_238 = arith.cmpi ne, %rem3A_236, %ne3A_237 : i32
      %and3A_239 = arith.andi %ne3A_235, %ne3A_238 : i1
      %sub3A_240 = arith.constant 1 : i32
      %sub3A_241 = arith.subi %div3A_220, %sub3A_240 : i32
      %select_n3A_242 = arith.select %and3A_239, %sub3A_241, %div3A_220 : i32
      %while3A_243 = arith.constant 0 : i32
      %while3A_244 = arith.subi %select_n3A_242, %while3A_243 : i32
      %while3A_245 = arith.addi %while3A_243, %while3A_244 : i32
      %while3A_246 = arith.constant 1 : i32
      %while3A_247 = arith.divsi %while3A_244, %while3A_246 : i32
      %while3A_248 = arith.muli %while3A_247, %while3A_246 : i32
      %while3A_249 = arith.addi %while3A_243, %while3A_248 : i32
      %while3A_250 = arith.constant 1 : i32
      %while3A_251 = scf.for %while3A_254 = %while3A_243 to %while3A_249 step %while3A_250 iter_args(%while3A_255 = %scan3A_182) -> (i32)  : i32 {
        %mul3A_256 = arith.constant 16 : i32
        %mul3A_257 = arith.muli %while3A_254, %mul3A_256 : i32
        %add3A_258 = arith.addi %mul3A_208, %mul3A_257 : i32
        %get3A = arith.index_cast %add3A_258 : i32 to index
        %get3A_259 = tpu.vector_load %arg12[%get3A] {strides = array<i32>} : memref<1536xi32, #tpu.memory_space<vmem>>, vector<16xi32>,
        %mul3A_260 = arith.constant 16 : i32
        %mul3A_261 = arith.muli %while3A_254, %mul3A_260 : i32
        %add3A_262 = arith.addi %mul3A_208, %mul3A_261 : i32
        %get3A_263 = arith.index_cast %add3A_262 : i32 to index
        %get3A_264 = tpu.vector_load %arg11[%get3A_263] {strides = array<i32>} : memref<1536xi32, #tpu.memory_space<vmem>>, vector<16xi32>,
        %mul3A_265 = arith.constant 16 : i32
        %mul3A_266 = arith.muli %while3A_254, %mul3A_265 : i32
        %add3A_267 = vector.broadcast %mul3A_266 : i32 to vector<16xi32>
        %add3A_268 = arith.addi %iota3A, %add3A_267 : vector<16xi32>
        %shift_right_arithmetic3A_269 = arith.constant 9 : i32
        %shift_right_arithmetic3A_270 = vector.broadcast %shift_right_arithmetic3A_269 : i32 to vector<16xi32>
        %shift_right_arithmetic3A_271 = arith.shrsi %get3A_259, %shift_right_arithmetic3A_270 : vector<16xi32>
        %eq3A_272 = vector.broadcast %add3A_205 : i32 to vector<16xi32>
        %eq3A_273 = arith.cmpi eq, %shift_right_arithmetic3A_271, %eq3A_272 : vector<16xi32>
        %lt3A_274 = vector.broadcast %select_n3A_216 : i32 to vector<16xi32>
        %lt3A_275 = arith.cmpi slt, %add3A_268, %lt3A_274 : vector<16xi32>
        %and3A_276 = arith.andi %eq3A_273, %lt3A_275 : vector<16xi1>
        %convert_element_type3A_277 = arith.extui %and3A_276 : vector<16xi1> to vector<16xi32>
        %broadcast_in_dim3A = arith.constant true
        %broadcast_in_dim3A_278 = vector.broadcast %broadcast_in_dim3A : i1 to vector<16xi1>
        %masked_cumsum3A = tpu.scan <sum>, %convert_element_type3A_277 masked %broadcast_in_dim3A_278 : vector<16xi32>, vector<16xi1> -> vector<16xi32>
        %slice3A = vector.extract_strided_slice %masked_cumsum3A {offsets = [15], sizes = [1], strides = [1]} : vector<16xi32> to vector<1xi32>
        %squeeze3A = vector.extract %slice3A[0] : i32 from vector<1xi32>
        %gt3A = arith.constant 0 : i32
        %gt3A_279 = arith.cmpi sgt, %squeeze3A, %gt3A : i32
        %convert_element_type3A_280 = arith.extui %gt3A_279 : i1 to i32
        %cond3A_281 = arith.constant 0 : i32
        %cond3A_282 = arith.cmpi ne, %convert_element_type3A_280, %cond3A_281 : i32
        scf.if %cond3A_282 {
          %sub3A_289 = arith.constant 1 : i32
          %sub3A_290 = vector.broadcast %sub3A_289 : i32 to vector<16xi32>
          %sub3A_291 = arith.subi %masked_cumsum3A, %sub3A_290 : vector<16xi32>
          tpu.vector_store_idx %arg14[%sub3A_291], %get3A_264 masked %and3A_276 : memref<32xi32, #tpu.memory_space<vmem>>[vector<16xi32>], vector<16xi32>, vector<16xi1>
          tpu.vector_store_idx %arg15[%sub3A_291], %get3A_259 masked %and3A_276 : memref<32xi32, #tpu.memory_space<vmem>>[vector<16xi32>], vector<16xi32>, vector<16xi1>
        } else {
        }
        %gt3A_283 = arith.constant 0 : i32
        %gt3A_284 = arith.cmpi sgt, %squeeze3A, %gt3A_283 : i32
        %convert_element_type3A_285 = arith.extui %gt3A_284 : i1 to i32
        %cond3A_286 = arith.constant 0 : i32
        %cond3A_287 = arith.cmpi ne, %convert_element_type3A_285, %cond3A_286 : i32
        %cond3A_288 = scf.if %cond3A_287 -> (i32) {
          %while3A_289 = arith.constant 0 : i32
          %while3A_290 = arith.subi %squeeze3A, %while3A_289 : i32
          %while3A_291 = arith.addi %while3A_289, %while3A_290 : i32
          %while3A_292 = arith.constant 1 : i32
          %while3A_293 = arith.divsi %while3A_290, %while3A_292 : i32
          %while3A_294 = arith.muli %while3A_293, %while3A_292 : i32
          %while3A_295 = arith.addi %while3A_289, %while3A_294 : i32
          %while3A_296 = arith.constant 1 : i32
          %while3A_297 = scf.for %while3A_300 = %while3A_289 to %while3A_295 step %while3A_296 iter_args(%while3A_301 = %while3A_255) -> (i32)  : i32 {
            %get3A_302 = arith.index_cast %while3A_300 : i32 to index
            %get3A_303 = tpu.vector_load %arg14[%get3A_302] {strides = array<i32>} : memref<32xi32, #tpu.memory_space<vmem>>, vector<16xi32>,
            %slice3A_304 = vector.extract_strided_slice %get3A_303 {offsets = [0], sizes = [1], strides = [1]} : vector<16xi32> to vector<1xi32>
            %squeeze3A_305 = vector.extract %slice3A_304[0] : i32 from vector<1xi32>
            %get3A_306 = arith.index_cast %while3A_300 : i32 to index
            %get3A_307 = tpu.vector_load %arg15[%get3A_306] {strides = array<i32>} : memref<32xi32, #tpu.memory_space<vmem>>, vector<16xi32>,
            %slice3A_308 = vector.extract_strided_slice %get3A_307 {offsets = [0], sizes = [1], strides = [1]} : vector<16xi32> to vector<1xi32>
            %squeeze3A_309 = vector.extract %slice3A_308[0] : i32 from vector<1xi32>
            %and3A_310 = arith.constant 511 : i32
            %and3A_311 = arith.andi %squeeze3A_309, %and3A_310 : i32
            %rem3A_312 = arith.constant 32 : i32
            %rem3A_313 = arith.remsi %while3A_301, %rem3A_312 : i32
            %ge3A = arith.constant 32 : i32
            %ge3A_314 = arith.cmpi sge, %while3A_301, %ge3A : i32
            %convert_element_type3A_315 = arith.extui %ge3A_314 : i1 to i32
            %cond3A_316 = arith.constant 0 : i32
            %cond3A_317 = arith.cmpi ne, %convert_element_type3A_315, %cond3A_316 : i32
            scf.if %cond3A_317 {
              %dma_wait3A_366 = arith.constant 0 : i32
              %dma_wait3A_367 = arith.constant 0 : i32
              %dma_wait3A_368 = arith.constant 0 : i32
              %dma_wait3A_369 = tpu.memref_slice %arg16[%dma_wait3A_367, %dma_wait3A_368] : memref<32x64xf32, #tpu.memory_space<vmem>> -> memref<1x64xf32, #tpu.memory_space<vmem>>
              %dma_wait3A_370 = tpu.memref_squeeze %dma_wait3A_369 : memref<1x64xf32, #tpu.memory_space<vmem>> -> memref<64xf32, #tpu.memory_space<vmem>>
              %dma_wait3A_371 = arith.constant 0 : i32
              %dma_wait3A_372 = tpu.memref_slice %arg6[%dma_wait3A_366, %dma_wait3A_371] : memref<16384x64xf32, #tpu.memory_space<hbm>> -> memref<1x64xf32, #tpu.memory_space<hbm>>
              %dma_wait3A_373 = tpu.memref_squeeze %dma_wait3A_372 : memref<1x64xf32, #tpu.memory_space<hbm>> -> memref<64xf32, #tpu.memory_space<hbm>>
              %dma_wait3A_374 = arith.constant 0 : i32
              %dma_wait3A_375 = tpu.memref_slice %arg16[%dma_wait3A_367, %dma_wait3A_374] : memref<32x64xf32, #tpu.memory_space<vmem>> -> memref<1x64xf32, #tpu.memory_space<vmem>>
              %dma_wait3A_376 = tpu.memref_squeeze %dma_wait3A_375 : memref<1x64xf32, #tpu.memory_space<vmem>> -> memref<64xf32, #tpu.memory_space<vmem>>
              %dma_wait3A_377 = arith.constant 0 : i32
              %dma_wait3A_378 = tpu.memref_slice %arg6[%dma_wait3A_366, %dma_wait3A_377] : memref<16384x64xf32, #tpu.memory_space<hbm>> -> memref<1x64xf32, #tpu.memory_space<hbm>>
              %dma_wait3A_379 = tpu.memref_squeeze %dma_wait3A_378 : memref<1x64xf32, #tpu.memory_space<hbm>> -> memref<64xf32, #tpu.memory_space<hbm>>
              tpu.wait_dma2 semaphore(%arg18 : memref<!tpu.dma_semaphore, #tpu.memory_space<semaphore_mem>>) src(%dma_wait3A_379 : memref<64xf32, #tpu.memory_space<hbm>>) dst(%dma_wait3A_376 : memref<64xf32, #tpu.memory_space<vmem>>)
            } else {
            }
            %broadcast_in_dim3A_318 = vector.broadcast %rem3A_184 : i32 to vector<16xi32>
            %add3A_319 = arith.constant 0 : i32
            %add3A_320 = vector.broadcast %add3A_319 : i32 to vector<16xi32>
            %add3A_321 = arith.addi %iota3A, %add3A_320 : vector<16xi32>
            %broadcast_in_dim3A_322 = vector.broadcast %and3A_311 : i32 to vector<16xi32>
            %gather3A = tpu.vector_load_idx %arg13[%broadcast_in_dim3A_318, %add3A_321, %broadcast_in_dim3A_322] : memref<3x64x512xf32, #tpu.memory_space<vmem>>[vector<16xi32>, vector<16xi32>, vector<16xi32>], vector<16xf32>,
            %swap3A = arith.index_cast %rem3A_313 : i32 to index
            %swap3A_323 = arith.constant 0 : index
            %swap3A_324 = tpu.vector_load %arg16[%swap3A, %swap3A_323] {strides = array<i32>} : memref<32x64xf32, #tpu.memory_space<vmem>>, vector<16xf32>,
            tpu.vector_store %arg16[%swap3A, %swap3A_323], %gather3A {strides = array<i32>} : memref<32x64xf32, #tpu.memory_space<vmem>>, vector<16xf32>,
            %broadcast_in_dim3A_325 = vector.broadcast %rem3A_184 : i32 to vector<16xi32>
            %add3A_326 = arith.constant 16 : i32
            %add3A_327 = vector.broadcast %add3A_326 : i32 to vector<16xi32>
            %add3A_328 = arith.addi %iota3A, %add3A_327 : vector<16xi32>
            %broadcast_in_dim3A_329 = vector.broadcast %and3A_311 : i32 to vector<16xi32>
            %gather3A_330 = tpu.vector_load_idx %arg13[%broadcast_in_dim3A_325, %add3A_328, %broadcast_in_dim3A_329] : memref<3x64x512xf32, #tpu.memory_space<vmem>>[vector<16xi32>, vector<16xi32>, vector<16xi32>], vector<16xf32>,
            %swap3A_331 = arith.index_cast %rem3A_313 : i32 to index
            %swap3A_332 = arith.constant 16 : index
            %swap3A_333 = tpu.vector_load %arg16[%swap3A_331, %swap3A_332] {strides = array<i32>} : memref<32x64xf32, #tpu.memory_space<vmem>>, vector<16xf32>,
            tpu.vector_store %arg16[%swap3A_331, %swap3A_332], %gather3A_330 {strides = array<i32>} : memref<32x64xf32, #tpu.memory_space<vmem>>, vector<16xf32>,
            %broadcast_in_dim3A_334 = vector.broadcast %rem3A_184 : i32 to vector<16xi32>
            %add3A_335 = arith.constant 32 : i32
            %add3A_336 = vector.broadcast %add3A_335 : i32 to vector<16xi32>
            %add3A_337 = arith.addi %iota3A, %add3A_336 : vector<16xi32>
            %broadcast_in_dim3A_338 = vector.broadcast %and3A_311 : i32 to vector<16xi32>
            %gather3A_339 = tpu.vector_load_idx %arg13[%broadcast_in_dim3A_334, %add3A_337, %broadcast_in_dim3A_338] : memref<3x64x512xf32, #tpu.memory_space<vmem>>[vector<16xi32>, vector<16xi32>, vector<16xi32>], vector<16xf32>,
            %swap3A_340 = arith.index_cast %rem3A_313 : i32 to index
            %swap3A_341 = arith.constant 32 : index
            %swap3A_342 = tpu.vector_load %arg16[%swap3A_340, %swap3A_341] {strides = array<i32>} : memref<32x64xf32, #tpu.memory_space<vmem>>, vector<16xf32>,
            tpu.vector_store %arg16[%swap3A_340, %swap3A_341], %gather3A_339 {strides = array<i32>} : memref<32x64xf32, #tpu.memory_space<vmem>>, vector<16xf32>,
            %broadcast_in_dim3A_343 = vector.broadcast %rem3A_184 : i32 to vector<16xi32>
            %add3A_344 = arith.constant 48 : i32
            %add3A_345 = vector.broadcast %add3A_344 : i32 to vector<16xi32>
            %add3A_346 = arith.addi %iota3A, %add3A_345 : vector<16xi32>
            %broadcast_in_dim3A_347 = vector.broadcast %and3A_311 : i32 to vector<16xi32>
            %gather3A_348 = tpu.vector_load_idx %arg13[%broadcast_in_dim3A_343, %add3A_346, %broadcast_in_dim3A_347] : memref<3x64x512xf32, #tpu.memory_space<vmem>>[vector<16xi32>, vector<16xi32>, vector<16xi32>], vector<16xf32>,
            %swap3A_349 = arith.index_cast %rem3A_313 : i32 to index
            %swap3A_350 = arith.constant 48 : index
            %swap3A_351 = tpu.vector_load %arg16[%swap3A_349, %swap3A_350] {strides = array<i32>} : memref<32x64xf32, #tpu.memory_space<vmem>>, vector<16xf32>,
            tpu.vector_store %arg16[%swap3A_349, %swap3A_350], %gather3A_348 {strides = array<i32>} : memref<32x64xf32, #tpu.memory_space<vmem>>, vector<16xf32>,
            %dma_start3A_352 = arith.constant 0 : i32
            %dma_start3A_353 = tpu.memref_slice %arg16[%rem3A_313, %dma_start3A_352] : memref<32x64xf32, #tpu.memory_space<vmem>> -> memref<1x64xf32, #tpu.memory_space<vmem>>
            %dma_start3A_354 = tpu.memref_squeeze %dma_start3A_353 : memref<1x64xf32, #tpu.memory_space<vmem>> -> memref<64xf32, #tpu.memory_space<vmem>>
            %dma_start3A_355 = arith.constant 0 : i32
            %dma_start3A_356 = tpu.memref_slice %arg6[%squeeze3A_305, %dma_start3A_355] : memref<16384x64xf32, #tpu.memory_space<hbm>> -> memref<1x64xf32, #tpu.memory_space<hbm>>
            %dma_start3A_357 = tpu.memref_squeeze %dma_start3A_356 : memref<1x64xf32, #tpu.memory_space<hbm>> -> memref<64xf32, #tpu.memory_space<hbm>>
            %dma_start3A_358 = arith.constant 0 : i32
            %dma_start3A_359 = tpu.memref_slice %arg6[%squeeze3A_305, %dma_start3A_358] : memref<16384x64xf32, #tpu.memory_space<hbm>> -> memref<1x64xf32, #tpu.memory_space<hbm>>
            %dma_start3A_360 = tpu.memref_squeeze %dma_start3A_359 : memref<1x64xf32, #tpu.memory_space<hbm>> -> memref<64xf32, #tpu.memory_space<hbm>>
            %dma_start3A_361 = arith.constant 0 : i32
            %dma_start3A_362 = tpu.memref_slice %arg16[%rem3A_313, %dma_start3A_361] : memref<32x64xf32, #tpu.memory_space<vmem>> -> memref<1x64xf32, #tpu.memory_space<vmem>>
            %dma_start3A_363 = tpu.memref_squeeze %dma_start3A_362 : memref<1x64xf32, #tpu.memory_space<vmem>> -> memref<64xf32, #tpu.memory_space<vmem>>
            tpu.enqueue_dma source(%dma_start3A_363 : memref<64xf32, #tpu.memory_space<vmem>>) target(%dma_start3A_360 : memref<64xf32, #tpu.memory_space<hbm>>) target_semaphore(%arg18 : memref<!tpu.dma_semaphore, #tpu.memory_space<semaphore_mem>>)
            %add3A_364 = arith.constant 1 : i32
            %add3A_365 = arith.addi %while3A_301, %add3A_364 : i32
            scf.yield %add3A_365 : i32
          }
          %while3A_298 = arith.constant 1 : i32
          %while3A_299 = scf.for %while3A_300 = %while3A_295 to %while3A_291 step %while3A_298 iter_args(%while3A_301 = %while3A_297) -> (i32)  : i32 {
            %get3A_302 = arith.index_cast %while3A_300 : i32 to index
            %get3A_303 = tpu.vector_load %arg14[%get3A_302] {strides = array<i32>} : memref<32xi32, #tpu.memory_space<vmem>>, vector<16xi32>,
            %slice3A_304 = vector.extract_strided_slice %get3A_303 {offsets = [0], sizes = [1], strides = [1]} : vector<16xi32> to vector<1xi32>
            %squeeze3A_305 = vector.extract %slice3A_304[0] : i32 from vector<1xi32>
            %get3A_306 = arith.index_cast %while3A_300 : i32 to index
            %get3A_307 = tpu.vector_load %arg15[%get3A_306] {strides = array<i32>} : memref<32xi32, #tpu.memory_space<vmem>>, vector<16xi32>,
            %slice3A_308 = vector.extract_strided_slice %get3A_307 {offsets = [0], sizes = [1], strides = [1]} : vector<16xi32> to vector<1xi32>
            %squeeze3A_309 = vector.extract %slice3A_308[0] : i32 from vector<1xi32>
            %and3A_310 = arith.constant 511 : i32
            %and3A_311 = arith.andi %squeeze3A_309, %and3A_310 : i32
            %rem3A_312 = arith.constant 32 : i32
            %rem3A_313 = arith.remsi %while3A_301, %rem3A_312 : i32
            %ge3A = arith.constant 32 : i32
            %ge3A_314 = arith.cmpi sge, %while3A_301, %ge3A : i32
            %convert_element_type3A_315 = arith.extui %ge3A_314 : i1 to i32
            %cond3A_316 = arith.constant 0 : i32
            %cond3A_317 = arith.cmpi ne, %convert_element_type3A_315, %cond3A_316 : i32
            scf.if %cond3A_317 {
              %dma_wait3A_366 = arith.constant 0 : i32
              %dma_wait3A_367 = arith.constant 0 : i32
              %dma_wait3A_368 = arith.constant 0 : i32
              %dma_wait3A_369 = tpu.memref_slice %arg16[%dma_wait3A_367, %dma_wait3A_368] : memref<32x64xf32, #tpu.memory_space<vmem>> -> memref<1x64xf32, #tpu.memory_space<vmem>>
              %dma_wait3A_370 = tpu.memref_squeeze %dma_wait3A_369 : memref<1x64xf32, #tpu.memory_space<vmem>> -> memref<64xf32, #tpu.memory_space<vmem>>
              %dma_wait3A_371 = arith.constant 0 : i32
              %dma_wait3A_372 = tpu.memref_slice %arg6[%dma_wait3A_366, %dma_wait3A_371] : memref<16384x64xf32, #tpu.memory_space<hbm>> -> memref<1x64xf32, #tpu.memory_space<hbm>>
              %dma_wait3A_373 = tpu.memref_squeeze %dma_wait3A_372 : memref<1x64xf32, #tpu.memory_space<hbm>> -> memref<64xf32, #tpu.memory_space<hbm>>
              %dma_wait3A_374 = arith.constant 0 : i32
              %dma_wait3A_375 = tpu.memref_slice %arg16[%dma_wait3A_367, %dma_wait3A_374] : memref<32x64xf32, #tpu.memory_space<vmem>> -> memref<1x64xf32, #tpu.memory_space<vmem>>
              %dma_wait3A_376 = tpu.memref_squeeze %dma_wait3A_375 : memref<1x64xf32, #tpu.memory_space<vmem>> -> memref<64xf32, #tpu.memory_space<vmem>>
              %dma_wait3A_377 = arith.constant 0 : i32
              %dma_wait3A_378 = tpu.memref_slice %arg6[%dma_wait3A_366, %dma_wait3A_377] : memref<16384x64xf32, #tpu.memory_space<hbm>> -> memref<1x64xf32, #tpu.memory_space<hbm>>
              %dma_wait3A_379 = tpu.memref_squeeze %dma_wait3A_378 : memref<1x64xf32, #tpu.memory_space<hbm>> -> memref<64xf32, #tpu.memory_space<hbm>>
              tpu.wait_dma2 semaphore(%arg18 : memref<!tpu.dma_semaphore, #tpu.memory_space<semaphore_mem>>) src(%dma_wait3A_379 : memref<64xf32, #tpu.memory_space<hbm>>) dst(%dma_wait3A_376 : memref<64xf32, #tpu.memory_space<vmem>>)
            } else {
            }
            %broadcast_in_dim3A_318 = vector.broadcast %rem3A_184 : i32 to vector<16xi32>
            %add3A_319 = arith.constant 0 : i32
            %add3A_320 = vector.broadcast %add3A_319 : i32 to vector<16xi32>
            %add3A_321 = arith.addi %iota3A, %add3A_320 : vector<16xi32>
            %broadcast_in_dim3A_322 = vector.broadcast %and3A_311 : i32 to vector<16xi32>
            %gather3A = tpu.vector_load_idx %arg13[%broadcast_in_dim3A_318, %add3A_321, %broadcast_in_dim3A_322] : memref<3x64x512xf32, #tpu.memory_space<vmem>>[vector<16xi32>, vector<16xi32>, vector<16xi32>], vector<16xf32>,
            %swap3A = arith.index_cast %rem3A_313 : i32 to index
            %swap3A_323 = arith.constant 0 : index
            %swap3A_324 = tpu.vector_load %arg16[%swap3A, %swap3A_323] {strides = array<i32>} : memref<32x64xf32, #tpu.memory_space<vmem>>, vector<16xf32>,
            tpu.vector_store %arg16[%swap3A, %swap3A_323], %gather3A {strides = array<i32>} : memref<32x64xf32, #tpu.memory_space<vmem>>, vector<16xf32>,
            %broadcast_in_dim3A_325 = vector.broadcast %rem3A_184 : i32 to vector<16xi32>
            %add3A_326 = arith.constant 16 : i32
            %add3A_327 = vector.broadcast %add3A_326 : i32 to vector<16xi32>
            %add3A_328 = arith.addi %iota3A, %add3A_327 : vector<16xi32>
            %broadcast_in_dim3A_329 = vector.broadcast %and3A_311 : i32 to vector<16xi32>
            %gather3A_330 = tpu.vector_load_idx %arg13[%broadcast_in_dim3A_325, %add3A_328, %broadcast_in_dim3A_329] : memref<3x64x512xf32, #tpu.memory_space<vmem>>[vector<16xi32>, vector<16xi32>, vector<16xi32>], vector<16xf32>,
            %swap3A_331 = arith.index_cast %rem3A_313 : i32 to index
            %swap3A_332 = arith.constant 16 : index
            %swap3A_333 = tpu.vector_load %arg16[%swap3A_331, %swap3A_332] {strides = array<i32>} : memref<32x64xf32, #tpu.memory_space<vmem>>, vector<16xf32>,
            tpu.vector_store %arg16[%swap3A_331, %swap3A_332], %gather3A_330 {strides = array<i32>} : memref<32x64xf32, #tpu.memory_space<vmem>>, vector<16xf32>,
            %broadcast_in_dim3A_334 = vector.broadcast %rem3A_184 : i32 to vector<16xi32>
            %add3A_335 = arith.constant 32 : i32
            %add3A_336 = vector.broadcast %add3A_335 : i32 to vector<16xi32>
            %add3A_337 = arith.addi %iota3A, %add3A_336 : vector<16xi32>
            %broadcast_in_dim3A_338 = vector.broadcast %and3A_311 : i32 to vector<16xi32>
            %gather3A_339 = tpu.vector_load_idx %arg13[%broadcast_in_dim3A_334, %add3A_337, %broadcast_in_dim3A_338] : memref<3x64x512xf32, #tpu.memory_space<vmem>>[vector<16xi32>, vector<16xi32>, vector<16xi32>], vector<16xf32>,
            %swap3A_340 = arith.index_cast %rem3A_313 : i32 to index
            %swap3A_341 = arith.constant 32 : index
            %swap3A_342 = tpu.vector_load %arg16[%swap3A_340, %swap3A_341] {strides = array<i32>} : memref<32x64xf32, #tpu.memory_space<vmem>>, vector<16xf32>,
            tpu.vector_store %arg16[%swap3A_340, %swap3A_341], %gather3A_339 {strides = array<i32>} : memref<32x64xf32, #tpu.memory_space<vmem>>, vector<16xf32>,
            %broadcast_in_dim3A_343 = vector.broadcast %rem3A_184 : i32 to vector<16xi32>
            %add3A_344 = arith.constant 48 : i32
            %add3A_345 = vector.broadcast %add3A_344 : i32 to vector<16xi32>
            %add3A_346 = arith.addi %iota3A, %add3A_345 : vector<16xi32>
            %broadcast_in_dim3A_347 = vector.broadcast %and3A_311 : i32 to vector<16xi32>
            %gather3A_348 = tpu.vector_load_idx %arg13[%broadcast_in_dim3A_343, %add3A_346, %broadcast_in_dim3A_347] : memref<3x64x512xf32, #tpu.memory_space<vmem>>[vector<16xi32>, vector<16xi32>, vector<16xi32>], vector<16xf32>,
            %swap3A_349 = arith.index_cast %rem3A_313 : i32 to index
            %swap3A_350 = arith.constant 48 : index
            %swap3A_351 = tpu.vector_load %arg16[%swap3A_349, %swap3A_350] {strides = array<i32>} : memref<32x64xf32, #tpu.memory_space<vmem>>, vector<16xf32>,
            tpu.vector_store %arg16[%swap3A_349, %swap3A_350], %gather3A_348 {strides = array<i32>} : memref<32x64xf32, #tpu.memory_space<vmem>>, vector<16xf32>,
            %dma_start3A_352 = arith.constant 0 : i32
            %dma_start3A_353 = tpu.memref_slice %arg16[%rem3A_313, %dma_start3A_352] : memref<32x64xf32, #tpu.memory_space<vmem>> -> memref<1x64xf32, #tpu.memory_space<vmem>>
            %dma_start3A_354 = tpu.memref_squeeze %dma_start3A_353 : memref<1x64xf32, #tpu.memory_space<vmem>> -> memref<64xf32, #tpu.memory_space<vmem>>
            %dma_start3A_355 = arith.constant 0 : i32
            %dma_start3A_356 = tpu.memref_slice %arg6[%squeeze3A_305, %dma_start3A_355] : memref<16384x64xf32, #tpu.memory_space<hbm>> -> memref<1x64xf32, #tpu.memory_space<hbm>>
            %dma_start3A_357 = tpu.memref_squeeze %dma_start3A_356 : memref<1x64xf32, #tpu.memory_space<hbm>> -> memref<64xf32, #tpu.memory_space<hbm>>
            %dma_start3A_358 = arith.constant 0 : i32
            %dma_start3A_359 = tpu.memref_slice %arg6[%squeeze3A_305, %dma_start3A_358] : memref<16384x64xf32, #tpu.memory_space<hbm>> -> memref<1x64xf32, #tpu.memory_space<hbm>>
            %dma_start3A_360 = tpu.memref_squeeze %dma_start3A_359 : memref<1x64xf32, #tpu.memory_space<hbm>> -> memref<64xf32, #tpu.memory_space<hbm>>
            %dma_start3A_361 = arith.constant 0 : i32
            %dma_start3A_362 = tpu.memref_slice %arg16[%rem3A_313, %dma_start3A_361] : memref<32x64xf32, #tpu.memory_space<vmem>> -> memref<1x64xf32, #tpu.memory_space<vmem>>
            %dma_start3A_363 = tpu.memref_squeeze %dma_start3A_362 : memref<1x64xf32, #tpu.memory_space<vmem>> -> memref<64xf32, #tpu.memory_space<vmem>>
            tpu.enqueue_dma source(%dma_start3A_363 : memref<64xf32, #tpu.memory_space<vmem>>) target(%dma_start3A_360 : memref<64xf32, #tpu.memory_space<hbm>>) target_semaphore(%arg18 : memref<!tpu.dma_semaphore, #tpu.memory_space<semaphore_mem>>)
            %add3A_364 = arith.constant 1 : i32
            %add3A_365 = arith.addi %while3A_301, %add3A_364 : i32
            scf.yield %add3A_365 : i32
          }
          scf.yield %while3A_299 : i32
        } else {
          scf.yield %while3A_255 : i32
        }
        scf.yield %cond3A_288 : i32
      }
      %while3A_252 = arith.constant 1 : i32
      %while3A_253 = scf.for %while3A_254 = %while3A_249 to %while3A_245 step %while3A_252 iter_args(%while3A_255 = %while3A_251) -> (i32)  : i32 {
        %mul3A_256 = arith.constant 16 : i32
        %mul3A_257 = arith.muli %while3A_254, %mul3A_256 : i32
        %add3A_258 = arith.addi %mul3A_208, %mul3A_257 : i32
        %get3A = arith.index_cast %add3A_258 : i32 to index
        %get3A_259 = tpu.vector_load %arg12[%get3A] {strides = array<i32>} : memref<1536xi32, #tpu.memory_space<vmem>>, vector<16xi32>,
        %mul3A_260 = arith.constant 16 : i32
        %mul3A_261 = arith.muli %while3A_254, %mul3A_260 : i32
        %add3A_262 = arith.addi %mul3A_208, %mul3A_261 : i32
        %get3A_263 = arith.index_cast %add3A_262 : i32 to index
        %get3A_264 = tpu.vector_load %arg11[%get3A_263] {strides = array<i32>} : memref<1536xi32, #tpu.memory_space<vmem>>, vector<16xi32>,
        %mul3A_265 = arith.constant 16 : i32
        %mul3A_266 = arith.muli %while3A_254, %mul3A_265 : i32
        %add3A_267 = vector.broadcast %mul3A_266 : i32 to vector<16xi32>
        %add3A_268 = arith.addi %iota3A, %add3A_267 : vector<16xi32>
        %shift_right_arithmetic3A_269 = arith.constant 9 : i32
        %shift_right_arithmetic3A_270 = vector.broadcast %shift_right_arithmetic3A_269 : i32 to vector<16xi32>
        %shift_right_arithmetic3A_271 = arith.shrsi %get3A_259, %shift_right_arithmetic3A_270 : vector<16xi32>
        %eq3A_272 = vector.broadcast %add3A_205 : i32 to vector<16xi32>
        %eq3A_273 = arith.cmpi eq, %shift_right_arithmetic3A_271, %eq3A_272 : vector<16xi32>
        %lt3A_274 = vector.broadcast %select_n3A_216 : i32 to vector<16xi32>
        %lt3A_275 = arith.cmpi slt, %add3A_268, %lt3A_274 : vector<16xi32>
        %and3A_276 = arith.andi %eq3A_273, %lt3A_275 : vector<16xi1>
        %convert_element_type3A_277 = arith.extui %and3A_276 : vector<16xi1> to vector<16xi32>
        %broadcast_in_dim3A = arith.constant true
        %broadcast_in_dim3A_278 = vector.broadcast %broadcast_in_dim3A : i1 to vector<16xi1>
        %masked_cumsum3A = tpu.scan <sum>, %convert_element_type3A_277 masked %broadcast_in_dim3A_278 : vector<16xi32>, vector<16xi1> -> vector<16xi32>
        %slice3A = vector.extract_strided_slice %masked_cumsum3A {offsets = [15], sizes = [1], strides = [1]} : vector<16xi32> to vector<1xi32>
        %squeeze3A = vector.extract %slice3A[0] : i32 from vector<1xi32>
        %gt3A = arith.constant 0 : i32
        %gt3A_279 = arith.cmpi sgt, %squeeze3A, %gt3A : i32
        %convert_element_type3A_280 = arith.extui %gt3A_279 : i1 to i32
        %cond3A_281 = arith.constant 0 : i32
        %cond3A_282 = arith.cmpi ne, %convert_element_type3A_280, %cond3A_281 : i32
        scf.if %cond3A_282 {
          %sub3A_289 = arith.constant 1 : i32
          %sub3A_290 = vector.broadcast %sub3A_289 : i32 to vector<16xi32>
          %sub3A_291 = arith.subi %masked_cumsum3A, %sub3A_290 : vector<16xi32>
          tpu.vector_store_idx %arg14[%sub3A_291], %get3A_264 masked %and3A_276 : memref<32xi32, #tpu.memory_space<vmem>>[vector<16xi32>], vector<16xi32>, vector<16xi1>
          tpu.vector_store_idx %arg15[%sub3A_291], %get3A_259 masked %and3A_276 : memref<32xi32, #tpu.memory_space<vmem>>[vector<16xi32>], vector<16xi32>, vector<16xi1>
        } else {
        }
        %gt3A_283 = arith.constant 0 : i32
        %gt3A_284 = arith.cmpi sgt, %squeeze3A, %gt3A_283 : i32
        %convert_element_type3A_285 = arith.extui %gt3A_284 : i1 to i32
        %cond3A_286 = arith.constant 0 : i32
        %cond3A_287 = arith.cmpi ne, %convert_element_type3A_285, %cond3A_286 : i32
        %cond3A_288 = scf.if %cond3A_287 -> (i32) {
          %while3A_289 = arith.constant 0 : i32
          %while3A_290 = arith.subi %squeeze3A, %while3A_289 : i32
          %while3A_291 = arith.addi %while3A_289, %while3A_290 : i32
          %while3A_292 = arith.constant 1 : i32
          %while3A_293 = arith.divsi %while3A_290, %while3A_292 : i32
          %while3A_294 = arith.muli %while3A_293, %while3A_292 : i32
          %while3A_295 = arith.addi %while3A_289, %while3A_294 : i32
          %while3A_296 = arith.constant 1 : i32
          %while3A_297 = scf.for %while3A_300 = %while3A_289 to %while3A_295 step %while3A_296 iter_args(%while3A_301 = %while3A_255) -> (i32)  : i32 {
            %get3A_302 = arith.index_cast %while3A_300 : i32 to index
            %get3A_303 = tpu.vector_load %arg14[%get3A_302] {strides = array<i32>} : memref<32xi32, #tpu.memory_space<vmem>>, vector<16xi32>,
            %slice3A_304 = vector.extract_strided_slice %get3A_303 {offsets = [0], sizes = [1], strides = [1]} : vector<16xi32> to vector<1xi32>
            %squeeze3A_305 = vector.extract %slice3A_304[0] : i32 from vector<1xi32>
            %get3A_306 = arith.index_cast %while3A_300 : i32 to index
            %get3A_307 = tpu.vector_load %arg15[%get3A_306] {strides = array<i32>} : memref<32xi32, #tpu.memory_space<vmem>>, vector<16xi32>,
            %slice3A_308 = vector.extract_strided_slice %get3A_307 {offsets = [0], sizes = [1], strides = [1]} : vector<16xi32> to vector<1xi32>
            %squeeze3A_309 = vector.extract %slice3A_308[0] : i32 from vector<1xi32>
            %and3A_310 = arith.constant 511 : i32
            %and3A_311 = arith.andi %squeeze3A_309, %and3A_310 : i32
            %rem3A_312 = arith.constant 32 : i32
            %rem3A_313 = arith.remsi %while3A_301, %rem3A_312 : i32
            %ge3A = arith.constant 32 : i32
            %ge3A_314 = arith.cmpi sge, %while3A_301, %ge3A : i32
            %convert_element_type3A_315 = arith.extui %ge3A_314 : i1 to i32
            %cond3A_316 = arith.constant 0 : i32
            %cond3A_317 = arith.cmpi ne, %convert_element_type3A_315, %cond3A_316 : i32
            scf.if %cond3A_317 {
              %dma_wait3A_366 = arith.constant 0 : i32
              %dma_wait3A_367 = arith.constant 0 : i32
              %dma_wait3A_368 = arith.constant 0 : i32
              %dma_wait3A_369 = tpu.memref_slice %arg16[%dma_wait3A_367, %dma_wait3A_368] : memref<32x64xf32, #tpu.memory_space<vmem>> -> memref<1x64xf32, #tpu.memory_space<vmem>>
              %dma_wait3A_370 = tpu.memref_squeeze %dma_wait3A_369 : memref<1x64xf32, #tpu.memory_space<vmem>> -> memref<64xf32, #tpu.memory_space<vmem>>
              %dma_wait3A_371 = arith.constant 0 : i32
              %dma_wait3A_372 = tpu.memref_slice %arg6[%dma_wait3A_366, %dma_wait3A_371] : memref<16384x64xf32, #tpu.memory_space<hbm>> -> memref<1x64xf32, #tpu.memory_space<hbm>>
              %dma_wait3A_373 = tpu.memref_squeeze %dma_wait3A_372 : memref<1x64xf32, #tpu.memory_space<hbm>> -> memref<64xf32, #tpu.memory_space<hbm>>
              %dma_wait3A_374 = arith.constant 0 : i32
              %dma_wait3A_375 = tpu.memref_slice %arg16[%dma_wait3A_367, %dma_wait3A_374] : memref<32x64xf32, #tpu.memory_space<vmem>> -> memref<1x64xf32, #tpu.memory_space<vmem>>
              %dma_wait3A_376 = tpu.memref_squeeze %dma_wait3A_375 : memref<1x64xf32, #tpu.memory_space<vmem>> -> memref<64xf32, #tpu.memory_space<vmem>>
              %dma_wait3A_377 = arith.constant 0 : i32
              %dma_wait3A_378 = tpu.memref_slice %arg6[%dma_wait3A_366, %dma_wait3A_377] : memref<16384x64xf32, #tpu.memory_space<hbm>> -> memref<1x64xf32, #tpu.memory_space<hbm>>
              %dma_wait3A_379 = tpu.memref_squeeze %dma_wait3A_378 : memref<1x64xf32, #tpu.memory_space<hbm>> -> memref<64xf32, #tpu.memory_space<hbm>>
              tpu.wait_dma2 semaphore(%arg18 : memref<!tpu.dma_semaphore, #tpu.memory_space<semaphore_mem>>) src(%dma_wait3A_379 : memref<64xf32, #tpu.memory_space<hbm>>) dst(%dma_wait3A_376 : memref<64xf32, #tpu.memory_space<vmem>>)
            } else {
            }
            %broadcast_in_dim3A_318 = vector.broadcast %rem3A_184 : i32 to vector<16xi32>
            %add3A_319 = arith.constant 0 : i32
            %add3A_320 = vector.broadcast %add3A_319 : i32 to vector<16xi32>
            %add3A_321 = arith.addi %iota3A, %add3A_320 : vector<16xi32>
            %broadcast_in_dim3A_322 = vector.broadcast %and3A_311 : i32 to vector<16xi32>
            %gather3A = tpu.vector_load_idx %arg13[%broadcast_in_dim3A_318, %add3A_321, %broadcast_in_dim3A_322] : memref<3x64x512xf32, #tpu.memory_space<vmem>>[vector<16xi32>, vector<16xi32>, vector<16xi32>], vector<16xf32>,
            %swap3A = arith.index_cast %rem3A_313 : i32 to index
            %swap3A_323 = arith.constant 0 : index
            %swap3A_324 = tpu.vector_load %arg16[%swap3A, %swap3A_323] {strides = array<i32>} : memref<32x64xf32, #tpu.memory_space<vmem>>, vector<16xf32>,
            tpu.vector_store %arg16[%swap3A, %swap3A_323], %gather3A {strides = array<i32>} : memref<32x64xf32, #tpu.memory_space<vmem>>, vector<16xf32>,
            %broadcast_in_dim3A_325 = vector.broadcast %rem3A_184 : i32 to vector<16xi32>
            %add3A_326 = arith.constant 16 : i32
            %add3A_327 = vector.broadcast %add3A_326 : i32 to vector<16xi32>
            %add3A_328 = arith.addi %iota3A, %add3A_327 : vector<16xi32>
            %broadcast_in_dim3A_329 = vector.broadcast %and3A_311 : i32 to vector<16xi32>
            %gather3A_330 = tpu.vector_load_idx %arg13[%broadcast_in_dim3A_325, %add3A_328, %broadcast_in_dim3A_329] : memref<3x64x512xf32, #tpu.memory_space<vmem>>[vector<16xi32>, vector<16xi32>, vector<16xi32>], vector<16xf32>,
            %swap3A_331 = arith.index_cast %rem3A_313 : i32 to index
            %swap3A_332 = arith.constant 16 : index
            %swap3A_333 = tpu.vector_load %arg16[%swap3A_331, %swap3A_332] {strides = array<i32>} : memref<32x64xf32, #tpu.memory_space<vmem>>, vector<16xf32>,
            tpu.vector_store %arg16[%swap3A_331, %swap3A_332], %gather3A_330 {strides = array<i32>} : memref<32x64xf32, #tpu.memory_space<vmem>>, vector<16xf32>,
            %broadcast_in_dim3A_334 = vector.broadcast %rem3A_184 : i32 to vector<16xi32>
            %add3A_335 = arith.constant 32 : i32
            %add3A_336 = vector.broadcast %add3A_335 : i32 to vector<16xi32>
            %add3A_337 = arith.addi %iota3A, %add3A_336 : vector<16xi32>
            %broadcast_in_dim3A_338 = vector.broadcast %and3A_311 : i32 to vector<16xi32>
            %gather3A_339 = tpu.vector_load_idx %arg13[%broadcast_in_dim3A_334, %add3A_337, %broadcast_in_dim3A_338] : memref<3x64x512xf32, #tpu.memory_space<vmem>>[vector<16xi32>, vector<16xi32>, vector<16xi32>], vector<16xf32>,
            %swap3A_340 = arith.index_cast %rem3A_313 : i32 to index
            %swap3A_341 = arith.constant 32 : index
            %swap3A_342 = tpu.vector_load %arg16[%swap3A_340, %swap3A_341] {strides = array<i32>} : memref<32x64xf32, #tpu.memory_space<vmem>>, vector<16xf32>,
            tpu.vector_store %arg16[%swap3A_340, %swap3A_341], %gather3A_339 {strides = array<i32>} : memref<32x64xf32, #tpu.memory_space<vmem>>, vector<16xf32>,
            %broadcast_in_dim3A_343 = vector.broadcast %rem3A_184 : i32 to vector<16xi32>
            %add3A_344 = arith.constant 48 : i32
            %add3A_345 = vector.broadcast %add3A_344 : i32 to vector<16xi32>
            %add3A_346 = arith.addi %iota3A, %add3A_345 : vector<16xi32>
            %broadcast_in_dim3A_347 = vector.broadcast %and3A_311 : i32 to vector<16xi32>
            %gather3A_348 = tpu.vector_load_idx %arg13[%broadcast_in_dim3A_343, %add3A_346, %broadcast_in_dim3A_347] : memref<3x64x512xf32, #tpu.memory_space<vmem>>[vector<16xi32>, vector<16xi32>, vector<16xi32>], vector<16xf32>,
            %swap3A_349 = arith.index_cast %rem3A_313 : i32 to index
            %swap3A_350 = arith.constant 48 : index
            %swap3A_351 = tpu.vector_load %arg16[%swap3A_349, %swap3A_350] {strides = array<i32>} : memref<32x64xf32, #tpu.memory_space<vmem>>, vector<16xf32>,
            tpu.vector_store %arg16[%swap3A_349, %swap3A_350], %gather3A_348 {strides = array<i32>} : memref<32x64xf32, #tpu.memory_space<vmem>>, vector<16xf32>,
            %dma_start3A_352 = arith.constant 0 : i32
            %dma_start3A_353 = tpu.memref_slice %arg16[%rem3A_313, %dma_start3A_352] : memref<32x64xf32, #tpu.memory_space<vmem>> -> memref<1x64xf32, #tpu.memory_space<vmem>>
            %dma_start3A_354 = tpu.memref_squeeze %dma_start3A_353 : memref<1x64xf32, #tpu.memory_space<vmem>> -> memref<64xf32, #tpu.memory_space<vmem>>
            %dma_start3A_355 = arith.constant 0 : i32
            %dma_start3A_356 = tpu.memref_slice %arg6[%squeeze3A_305, %dma_start3A_355] : memref<16384x64xf32, #tpu.memory_space<hbm>> -> memref<1x64xf32, #tpu.memory_space<hbm>>
            %dma_start3A_357 = tpu.memref_squeeze %dma_start3A_356 : memref<1x64xf32, #tpu.memory_space<hbm>> -> memref<64xf32, #tpu.memory_space<hbm>>
            %dma_start3A_358 = arith.constant 0 : i32
            %dma_start3A_359 = tpu.memref_slice %arg6[%squeeze3A_305, %dma_start3A_358] : memref<16384x64xf32, #tpu.memory_space<hbm>> -> memref<1x64xf32, #tpu.memory_space<hbm>>
            %dma_start3A_360 = tpu.memref_squeeze %dma_start3A_359 : memref<1x64xf32, #tpu.memory_space<hbm>> -> memref<64xf32, #tpu.memory_space<hbm>>
            %dma_start3A_361 = arith.constant 0 : i32
            %dma_start3A_362 = tpu.memref_slice %arg16[%rem3A_313, %dma_start3A_361] : memref<32x64xf32, #tpu.memory_space<vmem>> -> memref<1x64xf32, #tpu.memory_space<vmem>>
            %dma_start3A_363 = tpu.memref_squeeze %dma_start3A_362 : memref<1x64xf32, #tpu.memory_space<vmem>> -> memref<64xf32, #tpu.memory_space<vmem>>
            tpu.enqueue_dma source(%dma_start3A_363 : memref<64xf32, #tpu.memory_space<vmem>>) target(%dma_start3A_360 : memref<64xf32, #tpu.memory_space<hbm>>) target_semaphore(%arg18 : memref<!tpu.dma_semaphore, #tpu.memory_space<semaphore_mem>>)
            %add3A_364 = arith.constant 1 : i32
            %add3A_365 = arith.addi %while3A_301, %add3A_364 : i32
            scf.yield %add3A_365 : i32
          }
          %while3A_298 = arith.constant 1 : i32
          %while3A_299 = scf.for %while3A_300 = %while3A_295 to %while3A_291 step %while3A_298 iter_args(%while3A_301 = %while3A_297) -> (i32)  : i32 {
            %get3A_302 = arith.index_cast %while3A_300 : i32 to index
            %get3A_303 = tpu.vector_load %arg14[%get3A_302] {strides = array<i32>} : memref<32xi32, #tpu.memory_space<vmem>>, vector<16xi32>,
            %slice3A_304 = vector.extract_strided_slice %get3A_303 {offsets = [0], sizes = [1], strides = [1]} : vector<16xi32> to vector<1xi32>
            %squeeze3A_305 = vector.extract %slice3A_304[0] : i32 from vector<1xi32>
            %get3A_306 = arith.index_cast %while3A_300 : i32 to index
            %get3A_307 = tpu.vector_load %arg15[%get3A_306] {strides = array<i32>} : memref<32xi32, #tpu.memory_space<vmem>>, vector<16xi32>,
            %slice3A_308 = vector.extract_strided_slice %get3A_307 {offsets = [0], sizes = [1], strides = [1]} : vector<16xi32> to vector<1xi32>
            %squeeze3A_309 = vector.extract %slice3A_308[0] : i32 from vector<1xi32>
            %and3A_310 = arith.constant 511 : i32
            %and3A_311 = arith.andi %squeeze3A_309, %and3A_310 : i32
            %rem3A_312 = arith.constant 32 : i32
            %rem3A_313 = arith.remsi %while3A_301, %rem3A_312 : i32
            %ge3A = arith.constant 32 : i32
            %ge3A_314 = arith.cmpi sge, %while3A_301, %ge3A : i32
            %convert_element_type3A_315 = arith.extui %ge3A_314 : i1 to i32
            %cond3A_316 = arith.constant 0 : i32
            %cond3A_317 = arith.cmpi ne, %convert_element_type3A_315, %cond3A_316 : i32
            scf.if %cond3A_317 {
              %dma_wait3A_366 = arith.constant 0 : i32
              %dma_wait3A_367 = arith.constant 0 : i32
              %dma_wait3A_368 = arith.constant 0 : i32
              %dma_wait3A_369 = tpu.memref_slice %arg16[%dma_wait3A_367, %dma_wait3A_368] : memref<32x64xf32, #tpu.memory_space<vmem>> -> memref<1x64xf32, #tpu.memory_space<vmem>>
              %dma_wait3A_370 = tpu.memref_squeeze %dma_wait3A_369 : memref<1x64xf32, #tpu.memory_space<vmem>> -> memref<64xf32, #tpu.memory_space<vmem>>
              %dma_wait3A_371 = arith.constant 0 : i32
              %dma_wait3A_372 = tpu.memref_slice %arg6[%dma_wait3A_366, %dma_wait3A_371] : memref<16384x64xf32, #tpu.memory_space<hbm>> -> memref<1x64xf32, #tpu.memory_space<hbm>>
              %dma_wait3A_373 = tpu.memref_squeeze %dma_wait3A_372 : memref<1x64xf32, #tpu.memory_space<hbm>> -> memref<64xf32, #tpu.memory_space<hbm>>
              %dma_wait3A_374 = arith.constant 0 : i32
              %dma_wait3A_375 = tpu.memref_slice %arg16[%dma_wait3A_367, %dma_wait3A_374] : memref<32x64xf32, #tpu.memory_space<vmem>> -> memref<1x64xf32, #tpu.memory_space<vmem>>
              %dma_wait3A_376 = tpu.memref_squeeze %dma_wait3A_375 : memref<1x64xf32, #tpu.memory_space<vmem>> -> memref<64xf32, #tpu.memory_space<vmem>>
              %dma_wait3A_377 = arith.constant 0 : i32
              %dma_wait3A_378 = tpu.memref_slice %arg6[%dma_wait3A_366, %dma_wait3A_377] : memref<16384x64xf32, #tpu.memory_space<hbm>> -> memref<1x64xf32, #tpu.memory_space<hbm>>
              %dma_wait3A_379 = tpu.memref_squeeze %dma_wait3A_378 : memref<1x64xf32, #tpu.memory_space<hbm>> -> memref<64xf32, #tpu.memory_space<hbm>>
              tpu.wait_dma2 semaphore(%arg18 : memref<!tpu.dma_semaphore, #tpu.memory_space<semaphore_mem>>) src(%dma_wait3A_379 : memref<64xf32, #tpu.memory_space<hbm>>) dst(%dma_wait3A_376 : memref<64xf32, #tpu.memory_space<vmem>>)
            } else {
            }
            %broadcast_in_dim3A_318 = vector.broadcast %rem3A_184 : i32 to vector<16xi32>
            %add3A_319 = arith.constant 0 : i32
            %add3A_320 = vector.broadcast %add3A_319 : i32 to vector<16xi32>
            %add3A_321 = arith.addi %iota3A, %add3A_320 : vector<16xi32>
            %broadcast_in_dim3A_322 = vector.broadcast %and3A_311 : i32 to vector<16xi32>
            %gather3A = tpu.vector_load_idx %arg13[%broadcast_in_dim3A_318, %add3A_321, %broadcast_in_dim3A_322] : memref<3x64x512xf32, #tpu.memory_space<vmem>>[vector<16xi32>, vector<16xi32>, vector<16xi32>], vector<16xf32>,
            %swap3A = arith.index_cast %rem3A_313 : i32 to index
            %swap3A_323 = arith.constant 0 : index
            %swap3A_324 = tpu.vector_load %arg16[%swap3A, %swap3A_323] {strides = array<i32>} : memref<32x64xf32, #tpu.memory_space<vmem>>, vector<16xf32>,
            tpu.vector_store %arg16[%swap3A, %swap3A_323], %gather3A {strides = array<i32>} : memref<32x64xf32, #tpu.memory_space<vmem>>, vector<16xf32>,
            %broadcast_in_dim3A_325 = vector.broadcast %rem3A_184 : i32 to vector<16xi32>
            %add3A_326 = arith.constant 16 : i32
            %add3A_327 = vector.broadcast %add3A_326 : i32 to vector<16xi32>
            %add3A_328 = arith.addi %iota3A, %add3A_327 : vector<16xi32>
            %broadcast_in_dim3A_329 = vector.broadcast %and3A_311 : i32 to vector<16xi32>
            %gather3A_330 = tpu.vector_load_idx %arg13[%broadcast_in_dim3A_325, %add3A_328, %broadcast_in_dim3A_329] : memref<3x64x512xf32, #tpu.memory_space<vmem>>[vector<16xi32>, vector<16xi32>, vector<16xi32>], vector<16xf32>,
            %swap3A_331 = arith.index_cast %rem3A_313 : i32 to index
            %swap3A_332 = arith.constant 16 : index
            %swap3A_333 = tpu.vector_load %arg16[%swap3A_331, %swap3A_332] {strides = array<i32>} : memref<32x64xf32, #tpu.memory_space<vmem>>, vector<16xf32>,
            tpu.vector_store %arg16[%swap3A_331, %swap3A_332], %gather3A_330 {strides = array<i32>} : memref<32x64xf32, #tpu.memory_space<vmem>>, vector<16xf32>,
            %broadcast_in_dim3A_334 = vector.broadcast %rem3A_184 : i32 to vector<16xi32>
            %add3A_335 = arith.constant 32 : i32
            %add3A_336 = vector.broadcast %add3A_335 : i32 to vector<16xi32>
            %add3A_337 = arith.addi %iota3A, %add3A_336 : vector<16xi32>
            %broadcast_in_dim3A_338 = vector.broadcast %and3A_311 : i32 to vector<16xi32>
            %gather3A_339 = tpu.vector_load_idx %arg13[%broadcast_in_dim3A_334, %add3A_337, %broadcast_in_dim3A_338] : memref<3x64x512xf32, #tpu.memory_space<vmem>>[vector<16xi32>, vector<16xi32>, vector<16xi32>], vector<16xf32>,
            %swap3A_340 = arith.index_cast %rem3A_313 : i32 to index
            %swap3A_341 = arith.constant 32 : index
            %swap3A_342 = tpu.vector_load %arg16[%swap3A_340, %swap3A_341] {strides = array<i32>} : memref<32x64xf32, #tpu.memory_space<vmem>>, vector<16xf32>,
            tpu.vector_store %arg16[%swap3A_340, %swap3A_341], %gather3A_339 {strides = array<i32>} : memref<32x64xf32, #tpu.memory_space<vmem>>, vector<16xf32>,
            %broadcast_in_dim3A_343 = vector.broadcast %rem3A_184 : i32 to vector<16xi32>
            %add3A_344 = arith.constant 48 : i32
            %add3A_345 = vector.broadcast %add3A_344 : i32 to vector<16xi32>
            %add3A_346 = arith.addi %iota3A, %add3A_345 : vector<16xi32>
            %broadcast_in_dim3A_347 = vector.broadcast %and3A_311 : i32 to vector<16xi32>
            %gather3A_348 = tpu.vector_load_idx %arg13[%broadcast_in_dim3A_343, %add3A_346, %broadcast_in_dim3A_347] : memref<3x64x512xf32, #tpu.memory_space<vmem>>[vector<16xi32>, vector<16xi32>, vector<16xi32>], vector<16xf32>,
            %swap3A_349 = arith.index_cast %rem3A_313 : i32 to index
            %swap3A_350 = arith.constant 48 : index
            %swap3A_351 = tpu.vector_load %arg16[%swap3A_349, %swap3A_350] {strides = array<i32>} : memref<32x64xf32, #tpu.memory_space<vmem>>, vector<16xf32>,
            tpu.vector_store %arg16[%swap3A_349, %swap3A_350], %gather3A_348 {strides = array<i32>} : memref<32x64xf32, #tpu.memory_space<vmem>>, vector<16xf32>,
            %dma_start3A_352 = arith.constant 0 : i32
            %dma_start3A_353 = tpu.memref_slice %arg16[%rem3A_313, %dma_start3A_352] : memref<32x64xf32, #tpu.memory_space<vmem>> -> memref<1x64xf32, #tpu.memory_space<vmem>>
            %dma_start3A_354 = tpu.memref_squeeze %dma_start3A_353 : memref<1x64xf32, #tpu.memory_space<vmem>> -> memref<64xf32, #tpu.memory_space<vmem>>
            %dma_start3A_355 = arith.constant 0 : i32
            %dma_start3A_356 = tpu.memref_slice %arg6[%squeeze3A_305, %dma_start3A_355] : memref<16384x64xf32, #tpu.memory_space<hbm>> -> memref<1x64xf32, #tpu.memory_space<hbm>>
            %dma_start3A_357 = tpu.memref_squeeze %dma_start3A_356 : memref<1x64xf32, #tpu.memory_space<hbm>> -> memref<64xf32, #tpu.memory_space<hbm>>
            %dma_start3A_358 = arith.constant 0 : i32
            %dma_start3A_359 = tpu.memref_slice %arg6[%squeeze3A_305, %dma_start3A_358] : memref<16384x64xf32, #tpu.memory_space<hbm>> -> memref<1x64xf32, #tpu.memory_space<hbm>>
            %dma_start3A_360 = tpu.memref_squeeze %dma_start3A_359 : memref<1x64xf32, #tpu.memory_space<hbm>> -> memref<64xf32, #tpu.memory_space<hbm>>
            %dma_start3A_361 = arith.constant 0 : i32
            %dma_start3A_362 = tpu.memref_slice %arg16[%rem3A_313, %dma_start3A_361] : memref<32x64xf32, #tpu.memory_space<vmem>> -> memref<1x64xf32, #tpu.memory_space<vmem>>
            %dma_start3A_363 = tpu.memref_squeeze %dma_start3A_362 : memref<1x64xf32, #tpu.memory_space<vmem>> -> memref<64xf32, #tpu.memory_space<vmem>>
            tpu.enqueue_dma source(%dma_start3A_363 : memref<64xf32, #tpu.memory_space<vmem>>) target(%dma_start3A_360 : memref<64xf32, #tpu.memory_space<hbm>>) target_semaphore(%arg18 : memref<!tpu.dma_semaphore, #tpu.memory_space<semaphore_mem>>)
            %add3A_364 = arith.constant 1 : i32
            %add3A_365 = arith.addi %while3A_301, %add3A_364 : i32
            scf.yield %add3A_365 : i32
          }
          scf.yield %while3A_299 : i32
        } else {
          scf.yield %while3A_255 : i32
        }
        scf.yield %cond3A_288 : i32
      }
      scf.yield %while3A_253 : i32
    }
    %scan3A_79 = arith.constant 61 : i32
    "tpu.region"() ({
      %run_scoped3A = tpu.sem_alloc : memref<!tpu.dma_semaphore, #tpu.memory_space<semaphore_mem>>
      tpu.enqueue_dma source(%arg3 : memref<16384xi32, #tpu.memory_space<hbm>>) target(%arg8 : memref<16384xi32, #tpu.memory_space<vmem>>) target_semaphore(%run_scoped3A : memref<!tpu.dma_semaphore, #tpu.memory_space<semaphore_mem>>)
      tpu.wait_dma2 semaphore(%run_scoped3A : memref<!tpu.dma_semaphore, #tpu.memory_space<semaphore_mem>>) src(%arg3 : memref<16384xi32, #tpu.memory_space<hbm>>) dst(%arg8 : memref<16384xi32, #tpu.memory_space<vmem>>)
      tpu.yield
    }) : () -> ()
    %scan3A_80 = arith.constant 0 : i32
    %scan3A_81 = arith.constant 0 : i32
    %scan3A_82 = arith.constant 1024 : i32
    %scan3A_83 = arith.addi %scan3A_81, %scan3A_82 : i32
    %scan3A_84 = arith.constant 1 : i32
    %scan3A_85 = scf.for %scan3A_181 = %scan3A_81 to %scan3A_83 step %scan3A_84 iter_args(%scan3A_182 = %scan3A_80) -> (i32)  : i32 {
      %mul3A_183 = arith.constant 16 : i32
      %mul3A_184 = arith.muli %scan3A_181, %mul3A_183 : i32
      %get3A = arith.index_cast %mul3A_184 : i32 to index
      %get3A_185 = tpu.vector_load %arg8[%get3A] {strides = array<i32>} : memref<16384xi32, #tpu.memory_space<vmem>>, vector<16xi32>,
      %ge3A = arith.constant 999424 : i32
      %ge3A_186 = vector.broadcast %ge3A : i32 to vector<16xi32>
      %ge3A_187 = arith.cmpi sge, %get3A_185, %ge3A_186 : vector<16xi32>
      %jit3A_188 = arith.constant 0 : i32
      %broadcast_in_dim3A = vector.broadcast %jit3A_188 : i32 to vector<16xi32>
      %select_n3A_189 = arith.select %ge3A_187, %broadcast_in_dim3A, %get3A_185 : vector<16xi1>, vector<16xi32>
      %shift_right_arithmetic3A = arith.constant 9 : i32
      %shift_right_arithmetic3A_190 = vector.broadcast %shift_right_arithmetic3A : i32 to vector<16xi32>
      %shift_right_arithmetic3A_191 = arith.shrsi %select_n3A_189, %shift_right_arithmetic3A_190 : vector<16xi32>
      %and3A_192 = arith.constant 31 : i32
      %and3A_193 = vector.broadcast %and3A_192 : i32 to vector<16xi32>
      %and3A_194 = arith.andi %shift_right_arithmetic3A_191, %and3A_193 : vector<16xi32>
      %eq3A = vector.broadcast %add3A : i32 to vector<16xi32>
      %eq3A_195 = arith.cmpi eq, %and3A_194, %eq3A : vector<16xi32>
      %mul3A_196 = arith.constant 16 : i32
      %mul3A_197 = arith.muli %scan3A_181, %mul3A_196 : i32
      %add3A_198 = vector.broadcast %mul3A_197 : i32 to vector<16xi32>
      %add3A_199 = arith.addi %iota3A, %add3A_198 : vector<16xi32>
      %convert_element_type3A = arith.extui %eq3A_195 : vector<16xi1> to vector<16xi32>
      %broadcast_in_dim3A_200 = arith.constant true
      %broadcast_in_dim3A_201 = vector.broadcast %broadcast_in_dim3A_200 : i1 to vector<16xi1>
      %masked_cumsum3A = tpu.scan <sum>, %convert_element_type3A masked %broadcast_in_dim3A_201 : vector<16xi32>, vector<16xi1> -> vector<16xi32>
      %add3A_202 = vector.broadcast %scan3A_182 : i32 to vector<16xi32>
      %add3A_203 = arith.addi %add3A_202, %masked_cumsum3A : vector<16xi32>
      %sub3A_204 = arith.constant 1 : i32
      %sub3A_205 = vector.broadcast %sub3A_204 : i32 to vector<16xi32>
      %sub3A_206 = arith.subi %add3A_203, %sub3A_205 : vector<16xi32>
      tpu.vector_store_idx %arg9[%sub3A_206], %add3A_199 masked %eq3A_195 : memref<1040xi32, #tpu.memory_space<vmem>>[vector<16xi32>], vector<16xi32>, vector<16xi1>
      tpu.vector_store_idx %arg10[%sub3A_206], %select_n3A_189 masked %eq3A_195 : memref<1040xi32, #tpu.memory_space<vmem>>[vector<16xi32>], vector<16xi32>, vector<16xi1>
      %slice3A = vector.extract_strided_slice %masked_cumsum3A {offsets = [15], sizes = [1], strides = [1]} : vector<16xi32> to vector<1xi32>
      %squeeze3A = vector.extract %slice3A[0] : i32 from vector<1xi32>
      %add3A_207 = arith.addi %scan3A_182, %squeeze3A : i32
      scf.yield %add3A_207 : i32
    }
    %scan3A_86 = arith.constant 1024 : i32
    %add3A_87 = arith.constant 15 : i32
    %add3A_88 = arith.addi %scan3A_85, %add3A_87 : i32
    %jit3A_89 = arith.constant 16 : i32
    %div3A_90 = arith.divsi %add3A_88, %jit3A_89 : i32
    %sign3A_91 = arith.constant 0 : i32
    %sign3A_92 = arith.cmpi sgt, %add3A_88, %sign3A_91 : i32
    %sign3A_93 = arith.extui %sign3A_92 : i1 to i32
    %sign3A_94 = arith.constant 0 : i32
    %sign3A_95 = arith.cmpi slt, %add3A_88, %sign3A_94 : i32
    %sign3A_96 = arith.extui %sign3A_95 : i1 to i32
    %sign3A_97 = arith.subi %sign3A_93, %sign3A_96 : i32
    %sign3A_98 = arith.constant 0 : i32
    %sign3A_99 = arith.cmpi sgt, %jit3A_89, %sign3A_98 : i32
    %sign3A_100 = arith.extui %sign3A_99 : i1 to i32
    %sign3A_101 = arith.constant 0 : i32
    %sign3A_102 = arith.cmpi slt, %jit3A_89, %sign3A_101 : i32
    %sign3A_103 = arith.extui %sign3A_102 : i1 to i32
    %sign3A_104 = arith.subi %sign3A_100, %sign3A_103 : i32
    %ne3A_105 = arith.cmpi ne, %sign3A_97, %sign3A_104 : i32
    %rem3A_106 = arith.remsi %add3A_88, %jit3A_89 : i32
    %ne3A_107 = arith.constant 0 : i32
    %ne3A_108 = arith.cmpi ne, %rem3A_106, %ne3A_107 : i32
    %and3A_109 = arith.andi %ne3A_105, %ne3A_108 : i1
    %sub3A_110 = arith.constant 1 : i32
    %sub3A_111 = arith.subi %div3A_90, %sub3A_110 : i32
    %select_n3A_112 = arith.select %and3A_109, %sub3A_111, %div3A_90 : i32
    %while3A_113 = arith.constant 0 : i32
    %while3A_114 = arith.constant 0 : i32
    %while3A_115 = arith.constant 0 : i32
    %while3A_116 = arith.constant 0 : i32
    %while3A_117 = arith.constant 0 : i32
    %while3A_118 = arith.subi %select_n3A_112, %while3A_113 : i32
    %while3A_119 = arith.addi %while3A_113, %while3A_118 : i32
    %while3A_120 = arith.constant 1 : i32
    %while3A_121 = arith.divsi %while3A_118, %while3A_120 : i32
    %while3A_122 = arith.muli %while3A_121, %while3A_120 : i32
    %while3A_123 = arith.addi %while3A_113, %while3A_122 : i32
    %while3A_124 = arith.constant 1 : i32
    %while3A_125:4 = scf.for %while3A_181 = %while3A_113 to %while3A_123 step %while3A_124 iter_args(%while3A_182 = %while3A_114, %while3A_183 = %while3A_115, %while3A_184 = %while3A_116, %while3A_185 = %while3A_117) -> (i32, i32, i32, i32)  : i32 {
      %mul3A_186 = arith.constant 16 : i32
      %mul3A_187 = arith.muli %while3A_181, %mul3A_186 : i32
      %get3A = arith.index_cast %mul3A_187 : i32 to index
      %get3A_188 = tpu.vector_load %arg10[%get3A] {strides = array<i32>} : memref<1040xi32, #tpu.memory_space<vmem>>, vector<16xi32>,
      %mul3A_189 = arith.constant 16 : i32
      %mul3A_190 = arith.muli %while3A_181, %mul3A_189 : i32
      %get3A_191 = arith.index_cast %mul3A_190 : i32 to index
      %get3A_192 = tpu.vector_load %arg9[%get3A_191] {strides = array<i32>} : memref<1040xi32, #tpu.memory_space<vmem>>, vector<16xi32>,
      %mul3A_193 = arith.constant 16 : i32
      %mul3A_194 = arith.muli %while3A_181, %mul3A_193 : i32
      %add3A_195 = vector.broadcast %mul3A_194 : i32 to vector<16xi32>
      %add3A_196 = arith.addi %iota3A, %add3A_195 : vector<16xi32>
      %shift_right_arithmetic3A = arith.constant 9 : i32
      %shift_right_arithmetic3A_197 = vector.broadcast %shift_right_arithmetic3A : i32 to vector<16xi32>
      %shift_right_arithmetic3A_198 = arith.shrsi %get3A_188, %shift_right_arithmetic3A_197 : vector<16xi32>
      %sub3A_199 = vector.broadcast %add3A : i32 to vector<16xi32>
      %sub3A_200 = arith.subi %shift_right_arithmetic3A_198, %sub3A_199 : vector<16xi32>
      %shift_right_arithmetic3A_201 = arith.constant 9 : i32
      %shift_right_arithmetic3A_202 = vector.broadcast %shift_right_arithmetic3A_201 : i32 to vector<16xi32>
      %shift_right_arithmetic3A_203 = arith.shrsi %sub3A_200, %shift_right_arithmetic3A_202 : vector<16xi32>
      %lt3A = vector.broadcast %scan3A_85 : i32 to vector<16xi32>
      %lt3A_204 = arith.cmpi slt, %add3A_196, %lt3A : vector<16xi32>
      %eq3A = arith.constant 0 : i32
      %eq3A_205 = vector.broadcast %eq3A : i32 to vector<16xi32>
      %eq3A_206 = arith.cmpi eq, %shift_right_arithmetic3A_203, %eq3A_205 : vector<16xi32>
      %and3A_207 = arith.andi %eq3A_206, %lt3A_204 : vector<16xi1>
      %all_reduce_population_count3A = tpu.all_reduce %and3A_207 {dim = 0 : i64, kind = #tpu.reduction_kind<sum>} : vector<16xi1> -> vector<16xi32>
      %slice3A = vector.extract_strided_slice %all_reduce_population_count3A {offsets = [0], sizes = [1], strides = [1]} : vector<16xi32> to vector<1xi32>
      %squeeze3A = vector.extract %slice3A[0] : i32 from vector<1xi32>
      %jit3A_208 = arith.constant 0 : i32
      %jit3A_209 = arith.constant 1 : i32
      %broadcast_in_dim3A = vector.broadcast %jit3A_208 : i32 to vector<16xi32>
      %broadcast_in_dim3A_210 = vector.broadcast %jit3A_209 : i32 to vector<16xi32>
      %select_n3A_211 = arith.select %and3A_207, %broadcast_in_dim3A, %broadcast_in_dim3A_210 : vector<16xi1>, vector<16xi32>
      %masked_sort3A = arith.constant dense<true> : vector<16xi1>
      %masked_sort3A_212 = arith.constant -2147483648 : i32
      %masked_sort3A_213 = vector.broadcast %masked_sort3A_212 : i32 to vector<16xi32>
      %masked_sort3A_214 = arith.xori %select_n3A_211, %masked_sort3A_213 : vector<16xi32>
      %masked_sort3A_215, %masked_sort3A_216, %masked_sort3A_217 = tpu.sort %masked_sort3A_214, %get3A_192 masked %masked_sort3A : (vector<16xi32>, vector<16xi32>, vector<16xi1>) -> (vector<16xi1>, vector<16xi32>, vector<16xi32>)
      %masked_sort3A_218 = arith.xori %masked_sort3A_216, %masked_sort3A_213 : vector<16xi32>
      %masked_sort3A_219 = arith.constant dense<true> : vector<16xi1>
      %masked_sort3A_220 = arith.constant -2147483648 : i32
      %masked_sort3A_221 = vector.broadcast %masked_sort3A_220 : i32 to vector<16xi32>
      %masked_sort3A_222 = arith.xori %select_n3A_211, %masked_sort3A_221 : vector<16xi32>
      %masked_sort3A_223, %masked_sort3A_224, %masked_sort3A_225 = tpu.sort %masked_sort3A_222, %get3A_188 masked %masked_sort3A_219 : (vector<16xi32>, vector<16xi32>, vector<16xi1>) -> (vector<16xi1>, vector<16xi32>, vector<16xi32>)
      %masked_sort3A_226 = arith.xori %masked_sort3A_224, %masked_sort3A_221 : vector<16xi32>
      %add3A_227 = arith.constant 0 : i32
      %add3A_228 = arith.addi %add3A_227, %while3A_182 : i32
      %swap3A = arith.index_cast %add3A_228 : i32 to index
      %swap3A_229 = tpu.vector_load %arg11[%swap3A] {strides = array<i32>} : memref<1536xi32, #tpu.memory_space<vmem>>, vector<16xi32>,
      tpu.vector_store %arg11[%swap3A], %masked_sort3A_217 {strides = array<i32>} : memref<1536xi32, #tpu.memory_space<vmem>>, vector<16xi32>,
      %add3A_230 = arith.constant 0 : i32
      %add3A_231 = arith.addi %add3A_230, %while3A_182 : i32
      %swap3A_232 = arith.index_cast %add3A_231 : i32 to index
      %swap3A_233 = tpu.vector_load %arg12[%swap3A_232] {strides = array<i32>} : memref<1536xi32, #tpu.memory_space<vmem>>, vector<16xi32>,
      tpu.vector_store %arg12[%swap3A_232], %masked_sort3A_225 {strides = array<i32>} : memref<1536xi32, #tpu.memory_space<vmem>>, vector<16xi32>,
      %add3A_234 = arith.addi %while3A_182, %squeeze3A : i32
      %eq3A_235 = arith.constant 1 : i32
      %eq3A_236 = vector.broadcast %eq3A_235 : i32 to vector<16xi32>
      %eq3A_237 = arith.cmpi eq, %shift_right_arithmetic3A_203, %eq3A_236 : vector<16xi32>
      %and3A_238 = arith.andi %eq3A_237, %lt3A_204 : vector<16xi1>
      %all_reduce_population_count3A_239 = tpu.all_reduce %and3A_238 {dim = 0 : i64, kind = #tpu.reduction_kind<sum>} : vector<16xi1> -> vector<16xi32>
      %slice3A_240 = vector.extract_strided_slice %all_reduce_population_count3A_239 {offsets = [0], sizes = [1], strides = [1]} : vector<16xi32> to vector<1xi32>
      %squeeze3A_241 = vector.extract %slice3A_240[0] : i32 from vector<1xi32>
      %jit3A_242 = arith.constant 0 : i32
      %jit3A_243 = arith.constant 1 : i32
      %broadcast_in_dim3A_244 = vector.broadcast %jit3A_242 : i32 to vector<16xi32>
      %broadcast_in_dim3A_245 = vector.broadcast %jit3A_243 : i32 to vector<16xi32>
      %select_n3A_246 = arith.select %and3A_238, %broadcast_in_dim3A_244, %broadcast_in_dim3A_245 : vector<16xi1>, vector<16xi32>
      %masked_sort3A_247 = arith.constant dense<true> : vector<16xi1>
      %masked_sort3A_248 = arith.constant -2147483648 : i32
      %masked_sort3A_249 = vector.broadcast %masked_sort3A_248 : i32 to vector<16xi32>
      %masked_sort3A_250 = arith.xori %select_n3A_246, %masked_sort3A_249 : vector<16xi32>
      %masked_sort3A_251, %masked_sort3A_252, %masked_sort3A_253 = tpu.sort %masked_sort3A_250, %get3A_192 masked %masked_sort3A_247 : (vector<16xi32>, vector<16xi32>, vector<16xi1>) -> (vector<16xi1>, vector<16xi32>, vector<16xi32>)
      %masked_sort3A_254 = arith.xori %masked_sort3A_252, %masked_sort3A_249 : vector<16xi32>
      %masked_sort3A_255 = arith.constant dense<true> : vector<16xi1>
      %masked_sort3A_256 = arith.constant -2147483648 : i32
      %masked_sort3A_257 = vector.broadcast %masked_sort3A_256 : i32 to vector<16xi32>
      %masked_sort3A_258 = arith.xori %select_n3A_246, %masked_sort3A_257 : vector<16xi32>
      %masked_sort3A_259, %masked_sort3A_260, %masked_sort3A_261 = tpu.sort %masked_sort3A_258, %get3A_188 masked %masked_sort3A_255 : (vector<16xi32>, vector<16xi32>, vector<16xi1>) -> (vector<16xi1>, vector<16xi32>, vector<16xi32>)
      %masked_sort3A_262 = arith.xori %masked_sort3A_260, %masked_sort3A_257 : vector<16xi32>
      %add3A_263 = arith.constant 384 : i32
      %add3A_264 = arith.addi %add3A_263, %while3A_183 : i32
      %swap3A_265 = arith.index_cast %add3A_264 : i32 to index
      %swap3A_266 = tpu.vector_load %arg11[%swap3A_265] {strides = array<i32>} : memref<1536xi32, #tpu.memory_space<vmem>>, vector<16xi32>,
      tpu.vector_store %arg11[%swap3A_265], %masked_sort3A_253 {strides = array<i32>} : memref<1536xi32, #tpu.memory_space<vmem>>, vector<16xi32>,
      %add3A_267 = arith.constant 384 : i32
      %add3A_268 = arith.addi %add3A_267, %while3A_183 : i32
      %swap3A_269 = arith.index_cast %add3A_268 : i32 to index
      %swap3A_270 = tpu.vector_load %arg12[%swap3A_269] {strides = array<i32>} : memref<1536xi32, #tpu.memory_space<vmem>>, vector<16xi32>,
      tpu.vector_store %arg12[%swap3A_269], %masked_sort3A_261 {strides = array<i32>} : memref<1536xi32, #tpu.memory_space<vmem>>, vector<16xi32>,
      %add3A_271 = arith.addi %while3A_183, %squeeze3A_241 : i32
      %eq3A_272 = arith.constant 2 : i32
      %eq3A_273 = vector.broadcast %eq3A_272 : i32 to vector<16xi32>
      %eq3A_274 = arith.cmpi eq, %shift_right_arithmetic3A_203, %eq3A_273 : vector<16xi32>
      %and3A_275 = arith.andi %eq3A_274, %lt3A_204 : vector<16xi1>
      %all_reduce_population_count3A_276 = tpu.all_reduce %and3A_275 {dim = 0 : i64, kind = #tpu.reduction_kind<sum>} : vector<16xi1> -> vector<16xi32>
      %slice3A_277 = vector.extract_strided_slice %all_reduce_population_count3A_276 {offsets = [0], sizes = [1], strides = [1]} : vector<16xi32> to vector<1xi32>
      %squeeze3A_278 = vector.extract %slice3A_277[0] : i32 from vector<1xi32>
      %jit3A_279 = arith.constant 0 : i32
      %jit3A_280 = arith.constant 1 : i32
      %broadcast_in_dim3A_281 = vector.broadcast %jit3A_279 : i32 to vector<16xi32>
      %broadcast_in_dim3A_282 = vector.broadcast %jit3A_280 : i32 to vector<16xi32>
      %select_n3A_283 = arith.select %and3A_275, %broadcast_in_dim3A_281, %broadcast_in_dim3A_282 : vector<16xi1>, vector<16xi32>
      %masked_sort3A_284 = arith.constant dense<true> : vector<16xi1>
      %masked_sort3A_285 = arith.constant -2147483648 : i32
      %masked_sort3A_286 = vector.broadcast %masked_sort3A_285 : i32 to vector<16xi32>
      %masked_sort3A_287 = arith.xori %select_n3A_283, %masked_sort3A_286 : vector<16xi32>
      %masked_sort3A_288, %masked_sort3A_289, %masked_sort3A_290 = tpu.sort %masked_sort3A_287, %get3A_192 masked %masked_sort3A_284 : (vector<16xi32>, vector<16xi32>, vector<16xi1>) -> (vector<16xi1>, vector<16xi32>, vector<16xi32>)
      %masked_sort3A_291 = arith.xori %masked_sort3A_289, %masked_sort3A_286 : vector<16xi32>
      %masked_sort3A_292 = arith.constant dense<true> : vector<16xi1>
      %masked_sort3A_293 = arith.constant -2147483648 : i32
      %masked_sort3A_294 = vector.broadcast %masked_sort3A_293 : i32 to vector<16xi32>
      %masked_sort3A_295 = arith.xori %select_n3A_283, %masked_sort3A_294 : vector<16xi32>
      %masked_sort3A_296, %masked_sort3A_297, %masked_sort3A_298 = tpu.sort %masked_sort3A_295, %get3A_188 masked %masked_sort3A_292 : (vector<16xi32>, vector<16xi32>, vector<16xi1>) -> (vector<16xi1>, vector<16xi32>, vector<16xi32>)
      %masked_sort3A_299 = arith.xori %masked_sort3A_297, %masked_sort3A_294 : vector<16xi32>
      %add3A_300 = arith.constant 768 : i32
      %add3A_301 = arith.addi %add3A_300, %while3A_184 : i32
      %swap3A_302 = arith.index_cast %add3A_301 : i32 to index
      %swap3A_303 = tpu.vector_load %arg11[%swap3A_302] {strides = array<i32>} : memref<1536xi32, #tpu.memory_space<vmem>>, vector<16xi32>,
      tpu.vector_store %arg11[%swap3A_302], %masked_sort3A_290 {strides = array<i32>} : memref<1536xi32, #tpu.memory_space<vmem>>, vector<16xi32>,
      %add3A_304 = arith.constant 768 : i32
      %add3A_305 = arith.addi %add3A_304, %while3A_184 : i32
      %swap3A_306 = arith.index_cast %add3A_305 : i32 to index
      %swap3A_307 = tpu.vector_load %arg12[%swap3A_306] {strides = array<i32>} : memref<1536xi32, #tpu.memory_space<vmem>>, vector<16xi32>,
      tpu.vector_store %arg12[%swap3A_306], %masked_sort3A_298 {strides = array<i32>} : memref<1536xi32, #tpu.memory_space<vmem>>, vector<16xi32>,
      %add3A_308 = arith.addi %while3A_184, %squeeze3A_278 : i32
      %eq3A_309 = arith.constant 3 : i32
      %eq3A_310 = vector.broadcast %eq3A_309 : i32 to vector<16xi32>
      %eq3A_311 = arith.cmpi eq, %shift_right_arithmetic3A_203, %eq3A_310 : vector<16xi32>
      %and3A_312 = arith.andi %eq3A_311, %lt3A_204 : vector<16xi1>
      %all_reduce_population_count3A_313 = tpu.all_reduce %and3A_312 {dim = 0 : i64, kind = #tpu.reduction_kind<sum>} : vector<16xi1> -> vector<16xi32>
      %slice3A_314 = vector.extract_strided_slice %all_reduce_population_count3A_313 {offsets = [0], sizes = [1], strides = [1]} : vector<16xi32> to vector<1xi32>
      %squeeze3A_315 = vector.extract %slice3A_314[0] : i32 from vector<1xi32>
      %jit3A_316 = arith.constant 0 : i32
      %jit3A_317 = arith.constant 1 : i32
      %broadcast_in_dim3A_318 = vector.broadcast %jit3A_316 : i32 to vector<16xi32>
      %broadcast_in_dim3A_319 = vector.broadcast %jit3A_317 : i32 to vector<16xi32>
      %select_n3A_320 = arith.select %and3A_312, %broadcast_in_dim3A_318, %broadcast_in_dim3A_319 : vector<16xi1>, vector<16xi32>
      %masked_sort3A_321 = arith.constant dense<true> : vector<16xi1>
      %masked_sort3A_322 = arith.constant -2147483648 : i32
      %masked_sort3A_323 = vector.broadcast %masked_sort3A_322 : i32 to vector<16xi32>
      %masked_sort3A_324 = arith.xori %select_n3A_320, %masked_sort3A_323 : vector<16xi32>
      %masked_sort3A_325, %masked_sort3A_326, %masked_sort3A_327 = tpu.sort %masked_sort3A_324, %get3A_192 masked %masked_sort3A_321 : (vector<16xi32>, vector<16xi32>, vector<16xi1>) -> (vector<16xi1>, vector<16xi32>, vector<16xi32>)
      %masked_sort3A_328 = arith.xori %masked_sort3A_326, %masked_sort3A_323 : vector<16xi32>
      %masked_sort3A_329 = arith.constant dense<true> : vector<16xi1>
      %masked_sort3A_330 = arith.constant -2147483648 : i32
      %masked_sort3A_331 = vector.broadcast %masked_sort3A_330 : i32 to vector<16xi32>
      %masked_sort3A_332 = arith.xori %select_n3A_320, %masked_sort3A_331 : vector<16xi32>
      %masked_sort3A_333, %masked_sort3A_334, %masked_sort3A_335 = tpu.sort %masked_sort3A_332, %get3A_188 masked %masked_sort3A_329 : (vector<16xi32>, vector<16xi32>, vector<16xi1>) -> (vector<16xi1>, vector<16xi32>, vector<16xi32>)
      %masked_sort3A_336 = arith.xori %masked_sort3A_334, %masked_sort3A_331 : vector<16xi32>
      %add3A_337 = arith.constant 1152 : i32
      %add3A_338 = arith.addi %add3A_337, %while3A_185 : i32
      %swap3A_339 = arith.index_cast %add3A_338 : i32 to index
      %swap3A_340 = tpu.vector_load %arg11[%swap3A_339] {strides = array<i32>} : memref<1536xi32, #tpu.memory_space<vmem>>, vector<16xi32>,
      tpu.vector_store %arg11[%swap3A_339], %masked_sort3A_327 {strides = array<i32>} : memref<1536xi32, #tpu.memory_space<vmem>>, vector<16xi32>,
      %add3A_341 = arith.constant 1152 : i32
      %add3A_342 = arith.addi %add3A_341, %while3A_185 : i32
      %swap3A_343 = arith.index_cast %add3A_342 : i32 to index
      %swap3A_344 = tpu.vector_load %arg12[%swap3A_343] {strides = array<i32>} : memref<1536xi32, #tpu.memory_space<vmem>>, vector<16xi32>,
      tpu.vector_store %arg12[%swap3A_343], %masked_sort3A_335 {strides = array<i32>} : memref<1536xi32, #tpu.memory_space<vmem>>, vector<16xi32>,
      %add3A_345 = arith.addi %while3A_185, %squeeze3A_315 : i32
      scf.yield %add3A_234, %add3A_271, %add3A_308, %add3A_345 : i32, i32, i32, i32
    }
    %while3A_126 = arith.constant 1 : i32
    %while3A_127:4 = scf.for %while3A_181 = %while3A_123 to %while3A_119 step %while3A_126 iter_args(%while3A_182 = %while3A_125#0, %while3A_183 = %while3A_125#1, %while3A_184 = %while3A_125#2, %while3A_185 = %while3A_125#3) -> (i32, i32, i32, i32)  : i32 {
      %mul3A_186 = arith.constant 16 : i32
      %mul3A_187 = arith.muli %while3A_181, %mul3A_186 : i32
      %get3A = arith.index_cast %mul3A_187 : i32 to index
      %get3A_188 = tpu.vector_load %arg10[%get3A] {strides = array<i32>} : memref<1040xi32, #tpu.memory_space<vmem>>, vector<16xi32>,
      %mul3A_189 = arith.constant 16 : i32
      %mul3A_190 = arith.muli %while3A_181, %mul3A_189 : i32
      %get3A_191 = arith.index_cast %mul3A_190 : i32 to index
      %get3A_192 = tpu.vector_load %arg9[%get3A_191] {strides = array<i32>} : memref<1040xi32, #tpu.memory_space<vmem>>, vector<16xi32>,
      %mul3A_193 = arith.constant 16 : i32
      %mul3A_194 = arith.muli %while3A_181, %mul3A_193 : i32
      %add3A_195 = vector.broadcast %mul3A_194 : i32 to vector<16xi32>
      %add3A_196 = arith.addi %iota3A, %add3A_195 : vector<16xi32>
      %shift_right_arithmetic3A = arith.constant 9 : i32
      %shift_right_arithmetic3A_197 = vector.broadcast %shift_right_arithmetic3A : i32 to vector<16xi32>
      %shift_right_arithmetic3A_198 = arith.shrsi %get3A_188, %shift_right_arithmetic3A_197 : vector<16xi32>
      %sub3A_199 = vector.broadcast %add3A : i32 to vector<16xi32>
      %sub3A_200 = arith.subi %shift_right_arithmetic3A_198, %sub3A_199 : vector<16xi32>
      %shift_right_arithmetic3A_201 = arith.constant 9 : i32
      %shift_right_arithmetic3A_202 = vector.broadcast %shift_right_arithmetic3A_201 : i32 to vector<16xi32>
      %shift_right_arithmetic3A_203 = arith.shrsi %sub3A_200, %shift_right_arithmetic3A_202 : vector<16xi32>
      %lt3A = vector.broadcast %scan3A_85 : i32 to vector<16xi32>
      %lt3A_204 = arith.cmpi slt, %add3A_196, %lt3A : vector<16xi32>
      %eq3A = arith.constant 0 : i32
      %eq3A_205 = vector.broadcast %eq3A : i32 to vector<16xi32>
      %eq3A_206 = arith.cmpi eq, %shift_right_arithmetic3A_203, %eq3A_205 : vector<16xi32>
      %and3A_207 = arith.andi %eq3A_206, %lt3A_204 : vector<16xi1>
      %all_reduce_population_count3A = tpu.all_reduce %and3A_207 {dim = 0 : i64, kind = #tpu.reduction_kind<sum>} : vector<16xi1> -> vector<16xi32>
      %slice3A = vector.extract_strided_slice %all_reduce_population_count3A {offsets = [0], sizes = [1], strides = [1]} : vector<16xi32> to vector<1xi32>
      %squeeze3A = vector.extract %slice3A[0] : i32 from vector<1xi32>
      %jit3A_208 = arith.constant 0 : i32
      %jit3A_209 = arith.constant 1 : i32
      %broadcast_in_dim3A = vector.broadcast %jit3A_208 : i32 to vector<16xi32>
      %broadcast_in_dim3A_210 = vector.broadcast %jit3A_209 : i32 to vector<16xi32>
      %select_n3A_211 = arith.select %and3A_207, %broadcast_in_dim3A, %broadcast_in_dim3A_210 : vector<16xi1>, vector<16xi32>
      %masked_sort3A = arith.constant dense<true> : vector<16xi1>
      %masked_sort3A_212 = arith.constant -2147483648 : i32
      %masked_sort3A_213 = vector.broadcast %masked_sort3A_212 : i32 to vector<16xi32>
      %masked_sort3A_214 = arith.xori %select_n3A_211, %masked_sort3A_213 : vector<16xi32>
      %masked_sort3A_215, %masked_sort3A_216, %masked_sort3A_217 = tpu.sort %masked_sort3A_214, %get3A_192 masked %masked_sort3A : (vector<16xi32>, vector<16xi32>, vector<16xi1>) -> (vector<16xi1>, vector<16xi32>, vector<16xi32>)
      %masked_sort3A_218 = arith.xori %masked_sort3A_216, %masked_sort3A_213 : vector<16xi32>
      %masked_sort3A_219 = arith.constant dense<true> : vector<16xi1>
      %masked_sort3A_220 = arith.constant -2147483648 : i32
      %masked_sort3A_221 = vector.broadcast %masked_sort3A_220 : i32 to vector<16xi32>
      %masked_sort3A_222 = arith.xori %select_n3A_211, %masked_sort3A_221 : vector<16xi32>
      %masked_sort3A_223, %masked_sort3A_224, %masked_sort3A_225 = tpu.sort %masked_sort3A_222, %get3A_188 masked %masked_sort3A_219 : (vector<16xi32>, vector<16xi32>, vector<16xi1>) -> (vector<16xi1>, vector<16xi32>, vector<16xi32>)
      %masked_sort3A_226 = arith.xori %masked_sort3A_224, %masked_sort3A_221 : vector<16xi32>
      %add3A_227 = arith.constant 0 : i32
      %add3A_228 = arith.addi %add3A_227, %while3A_182 : i32
      %swap3A = arith.index_cast %add3A_228 : i32 to index
      %swap3A_229 = tpu.vector_load %arg11[%swap3A] {strides = array<i32>} : memref<1536xi32, #tpu.memory_space<vmem>>, vector<16xi32>,
      tpu.vector_store %arg11[%swap3A], %masked_sort3A_217 {strides = array<i32>} : memref<1536xi32, #tpu.memory_space<vmem>>, vector<16xi32>,
      %add3A_230 = arith.constant 0 : i32
      %add3A_231 = arith.addi %add3A_230, %while3A_182 : i32
      %swap3A_232 = arith.index_cast %add3A_231 : i32 to index
      %swap3A_233 = tpu.vector_load %arg12[%swap3A_232] {strides = array<i32>} : memref<1536xi32, #tpu.memory_space<vmem>>, vector<16xi32>,
      tpu.vector_store %arg12[%swap3A_232], %masked_sort3A_225 {strides = array<i32>} : memref<1536xi32, #tpu.memory_space<vmem>>, vector<16xi32>,
      %add3A_234 = arith.addi %while3A_182, %squeeze3A : i32
      %eq3A_235 = arith.constant 1 : i32
      %eq3A_236 = vector.broadcast %eq3A_235 : i32 to vector<16xi32>
      %eq3A_237 = arith.cmpi eq, %shift_right_arithmetic3A_203, %eq3A_236 : vector<16xi32>
      %and3A_238 = arith.andi %eq3A_237, %lt3A_204 : vector<16xi1>
      %all_reduce_population_count3A_239 = tpu.all_reduce %and3A_238 {dim = 0 : i64, kind = #tpu.reduction_kind<sum>} : vector<16xi1> -> vector<16xi32>
      %slice3A_240 = vector.extract_strided_slice %all_reduce_population_count3A_239 {offsets = [0], sizes = [1], strides = [1]} : vector<16xi32> to vector<1xi32>
      %squeeze3A_241 = vector.extract %slice3A_240[0] : i32 from vector<1xi32>
      %jit3A_242 = arith.constant 0 : i32
      %jit3A_243 = arith.constant 1 : i32
      %broadcast_in_dim3A_244 = vector.broadcast %jit3A_242 : i32 to vector<16xi32>
      %broadcast_in_dim3A_245 = vector.broadcast %jit3A_243 : i32 to vector<16xi32>
      %select_n3A_246 = arith.select %and3A_238, %broadcast_in_dim3A_244, %broadcast_in_dim3A_245 : vector<16xi1>, vector<16xi32>
      %masked_sort3A_247 = arith.constant dense<true> : vector<16xi1>
      %masked_sort3A_248 = arith.constant -2147483648 : i32
      %masked_sort3A_249 = vector.broadcast %masked_sort3A_248 : i32 to vector<16xi32>
      %masked_sort3A_250 = arith.xori %select_n3A_246, %masked_sort3A_249 : vector<16xi32>
      %masked_sort3A_251, %masked_sort3A_252, %masked_sort3A_253 = tpu.sort %masked_sort3A_250, %get3A_192 masked %masked_sort3A_247 : (vector<16xi32>, vector<16xi32>, vector<16xi1>) -> (vector<16xi1>, vector<16xi32>, vector<16xi32>)
      %masked_sort3A_254 = arith.xori %masked_sort3A_252, %masked_sort3A_249 : vector<16xi32>
      %masked_sort3A_255 = arith.constant dense<true> : vector<16xi1>
      %masked_sort3A_256 = arith.constant -2147483648 : i32
      %masked_sort3A_257 = vector.broadcast %masked_sort3A_256 : i32 to vector<16xi32>
      %masked_sort3A_258 = arith.xori %select_n3A_246, %masked_sort3A_257 : vector<16xi32>
      %masked_sort3A_259, %masked_sort3A_260, %masked_sort3A_261 = tpu.sort %masked_sort3A_258, %get3A_188 masked %masked_sort3A_255 : (vector<16xi32>, vector<16xi32>, vector<16xi1>) -> (vector<16xi1>, vector<16xi32>, vector<16xi32>)
      %masked_sort3A_262 = arith.xori %masked_sort3A_260, %masked_sort3A_257 : vector<16xi32>
      %add3A_263 = arith.constant 384 : i32
      %add3A_264 = arith.addi %add3A_263, %while3A_183 : i32
      %swap3A_265 = arith.index_cast %add3A_264 : i32 to index
      %swap3A_266 = tpu.vector_load %arg11[%swap3A_265] {strides = array<i32>} : memref<1536xi32, #tpu.memory_space<vmem>>, vector<16xi32>,
      tpu.vector_store %arg11[%swap3A_265], %masked_sort3A_253 {strides = array<i32>} : memref<1536xi32, #tpu.memory_space<vmem>>, vector<16xi32>,
      %add3A_267 = arith.constant 384 : i32
      %add3A_268 = arith.addi %add3A_267, %while3A_183 : i32
      %swap3A_269 = arith.index_cast %add3A_268 : i32 to index
      %swap3A_270 = tpu.vector_load %arg12[%swap3A_269] {strides = array<i32>} : memref<1536xi32, #tpu.memory_space<vmem>>, vector<16xi32>,
      tpu.vector_store %arg12[%swap3A_269], %masked_sort3A_261 {strides = array<i32>} : memref<1536xi32, #tpu.memory_space<vmem>>, vector<16xi32>,
      %add3A_271 = arith.addi %while3A_183, %squeeze3A_241 : i32
      %eq3A_272 = arith.constant 2 : i32
      %eq3A_273 = vector.broadcast %eq3A_272 : i32 to vector<16xi32>
      %eq3A_274 = arith.cmpi eq, %shift_right_arithmetic3A_203, %eq3A_273 : vector<16xi32>
      %and3A_275 = arith.andi %eq3A_274, %lt3A_204 : vector<16xi1>
      %all_reduce_population_count3A_276 = tpu.all_reduce %and3A_275 {dim = 0 : i64, kind = #tpu.reduction_kind<sum>} : vector<16xi1> -> vector<16xi32>
      %slice3A_277 = vector.extract_strided_slice %all_reduce_population_count3A_276 {offsets = [0], sizes = [1], strides = [1]} : vector<16xi32> to vector<1xi32>
      %squeeze3A_278 = vector.extract %slice3A_277[0] : i32 from vector<1xi32>
      %jit3A_279 = arith.constant 0 : i32
      %jit3A_280 = arith.constant 1 : i32
      %broadcast_in_dim3A_281 = vector.broadcast %jit3A_279 : i32 to vector<16xi32>
      %broadcast_in_dim3A_282 = vector.broadcast %jit3A_280 : i32 to vector<16xi32>
      %select_n3A_283 = arith.select %and3A_275, %broadcast_in_dim3A_281, %broadcast_in_dim3A_282 : vector<16xi1>, vector<16xi32>
      %masked_sort3A_284 = arith.constant dense<true> : vector<16xi1>
      %masked_sort3A_285 = arith.constant -2147483648 : i32
      %masked_sort3A_286 = vector.broadcast %masked_sort3A_285 : i32 to vector<16xi32>
      %masked_sort3A_287 = arith.xori %select_n3A_283, %masked_sort3A_286 : vector<16xi32>
      %masked_sort3A_288, %masked_sort3A_289, %masked_sort3A_290 = tpu.sort %masked_sort3A_287, %get3A_192 masked %masked_sort3A_284 : (vector<16xi32>, vector<16xi32>, vector<16xi1>) -> (vector<16xi1>, vector<16xi32>, vector<16xi32>)
      %masked_sort3A_291 = arith.xori %masked_sort3A_289, %masked_sort3A_286 : vector<16xi32>
      %masked_sort3A_292 = arith.constant dense<true> : vector<16xi1>
      %masked_sort3A_293 = arith.constant -2147483648 : i32
      %masked_sort3A_294 = vector.broadcast %masked_sort3A_293 : i32 to vector<16xi32>
      %masked_sort3A_295 = arith.xori %select_n3A_283, %masked_sort3A_294 : vector<16xi32>
      %masked_sort3A_296, %masked_sort3A_297, %masked_sort3A_298 = tpu.sort %masked_sort3A_295, %get3A_188 masked %masked_sort3A_292 : (vector<16xi32>, vector<16xi32>, vector<16xi1>) -> (vector<16xi1>, vector<16xi32>, vector<16xi32>)
      %masked_sort3A_299 = arith.xori %masked_sort3A_297, %masked_sort3A_294 : vector<16xi32>
      %add3A_300 = arith.constant 768 : i32
      %add3A_301 = arith.addi %add3A_300, %while3A_184 : i32
      %swap3A_302 = arith.index_cast %add3A_301 : i32 to index
      %swap3A_303 = tpu.vector_load %arg11[%swap3A_302] {strides = array<i32>} : memref<1536xi32, #tpu.memory_space<vmem>>, vector<16xi32>,
      tpu.vector_store %arg11[%swap3A_302], %masked_sort3A_290 {strides = array<i32>} : memref<1536xi32, #tpu.memory_space<vmem>>, vector<16xi32>,
      %add3A_304 = arith.constant 768 : i32
      %add3A_305 = arith.addi %add3A_304, %while3A_184 : i32
      %swap3A_306 = arith.index_cast %add3A_305 : i32 to index
      %swap3A_307 = tpu.vector_load %arg12[%swap3A_306] {strides = array<i32>} : memref<1536xi32, #tpu.memory_space<vmem>>, vector<16xi32>,
      tpu.vector_store %arg12[%swap3A_306], %masked_sort3A_298 {strides = array<i32>} : memref<1536xi32, #tpu.memory_space<vmem>>, vector<16xi32>,
      %add3A_308 = arith.addi %while3A_184, %squeeze3A_278 : i32
      %eq3A_309 = arith.constant 3 : i32
      %eq3A_310 = vector.broadcast %eq3A_309 : i32 to vector<16xi32>
      %eq3A_311 = arith.cmpi eq, %shift_right_arithmetic3A_203, %eq3A_310 : vector<16xi32>
      %and3A_312 = arith.andi %eq3A_311, %lt3A_204 : vector<16xi1>
      %all_reduce_population_count3A_313 = tpu.all_reduce %and3A_312 {dim = 0 : i64, kind = #tpu.reduction_kind<sum>} : vector<16xi1> -> vector<16xi32>
      %slice3A_314 = vector.extract_strided_slice %all_reduce_population_count3A_313 {offsets = [0], sizes = [1], strides = [1]} : vector<16xi32> to vector<1xi32>
      %squeeze3A_315 = vector.extract %slice3A_314[0] : i32 from vector<1xi32>
      %jit3A_316 = arith.constant 0 : i32
      %jit3A_317 = arith.constant 1 : i32
      %broadcast_in_dim3A_318 = vector.broadcast %jit3A_316 : i32 to vector<16xi32>
      %broadcast_in_dim3A_319 = vector.broadcast %jit3A_317 : i32 to vector<16xi32>
      %select_n3A_320 = arith.select %and3A_312, %broadcast_in_dim3A_318, %broadcast_in_dim3A_319 : vector<16xi1>, vector<16xi32>
      %masked_sort3A_321 = arith.constant dense<true> : vector<16xi1>
      %masked_sort3A_322 = arith.constant -2147483648 : i32
      %masked_sort3A_323 = vector.broadcast %masked_sort3A_322 : i32 to vector<16xi32>
      %masked_sort3A_324 = arith.xori %select_n3A_320, %masked_sort3A_323 : vector<16xi32>
      %masked_sort3A_325, %masked_sort3A_326, %masked_sort3A_327 = tpu.sort %masked_sort3A_324, %get3A_192 masked %masked_sort3A_321 : (vector<16xi32>, vector<16xi32>, vector<16xi1>) -> (vector<16xi1>, vector<16xi32>, vector<16xi32>)
      %masked_sort3A_328 = arith.xori %masked_sort3A_326, %masked_sort3A_323 : vector<16xi32>
      %masked_sort3A_329 = arith.constant dense<true> : vector<16xi1>
      %masked_sort3A_330 = arith.constant -2147483648 : i32
      %masked_sort3A_331 = vector.broadcast %masked_sort3A_330 : i32 to vector<16xi32>
      %masked_sort3A_332 = arith.xori %select_n3A_320, %masked_sort3A_331 : vector<16xi32>
      %masked_sort3A_333, %masked_sort3A_334, %masked_sort3A_335 = tpu.sort %masked_sort3A_332, %get3A_188 masked %masked_sort3A_329 : (vector<16xi32>, vector<16xi32>, vector<16xi1>) -> (vector<16xi1>, vector<16xi32>, vector<16xi32>)
      %masked_sort3A_336 = arith.xori %masked_sort3A_334, %masked_sort3A_331 : vector<16xi32>
      %add3A_337 = arith.constant 1152 : i32
      %add3A_338 = arith.addi %add3A_337, %while3A_185 : i32
      %swap3A_339 = arith.index_cast %add3A_338 : i32 to index
      %swap3A_340 = tpu.vector_load %arg11[%swap3A_339] {strides = array<i32>} : memref<1536xi32, #tpu.memory_space<vmem>>, vector<16xi32>,
      tpu.vector_store %arg11[%swap3A_339], %masked_sort3A_327 {strides = array<i32>} : memref<1536xi32, #tpu.memory_space<vmem>>, vector<16xi32>,
      %add3A_341 = arith.constant 1152 : i32
      %add3A_342 = arith.addi %add3A_341, %while3A_185 : i32
      %swap3A_343 = arith.index_cast %add3A_342 : i32 to index
      %swap3A_344 = tpu.vector_load %arg12[%swap3A_343] {strides = array<i32>} : memref<1536xi32, #tpu.memory_space<vmem>>, vector<16xi32>,
      tpu.vector_store %arg12[%swap3A_343], %masked_sort3A_335 {strides = array<i32>} : memref<1536xi32, #tpu.memory_space<vmem>>, vector<16xi32>,
      %add3A_345 = arith.addi %while3A_185, %squeeze3A_315 : i32
      scf.yield %add3A_234, %add3A_271, %add3A_308, %add3A_345 : i32, i32, i32, i32
    }
    %add3A_128 = arith.constant 0 : i32
    %add3A_129 = arith.addi %add3A, %add3A_128 : i32
    %mul3A_130 = arith.constant 512 : i32
    %mul3A_131 = arith.muli %add3A_129, %mul3A_130 : i32
    %multiple_of3A_132 = tpu.assume_multiple %mul3A_131, 128 : i32
    %dma_start3A_133 = arith.constant 0 : i32
    %dma_start3A_134 = arith.constant 0 : i32
    %dma_start3A_135 = arith.constant 0 : i32
    %dma_start3A_136 = tpu.memref_slice %arg13[%dma_start3A_133, %dma_start3A_134, %dma_start3A_135] : memref<3x64x512xf32, #tpu.memory_space<vmem>> -> memref<1x64x512xf32, #tpu.memory_space<vmem>>
    %dma_start3A_137 = tpu.memref_squeeze %dma_start3A_136 : memref<1x64x512xf32, #tpu.memory_space<vmem>> -> memref<64x512xf32, #tpu.memory_space<vmem>>
    %dma_start3A_138 = arith.constant 0 : i32
    %dma_start3A_139 = tpu.memref_slice %arg5[%dma_start3A_138, %multiple_of3A_132] : memref<64x1000000xf32, #tpu.memory_space<hbm>> -> memref<64x512xf32, #tpu.memory_space<hbm>>
    %dma_start3A_140 = arith.constant 0 : i32
    %dma_start3A_141 = arith.constant 0 : i32
    %dma_start3A_142 = tpu.memref_slice %arg13[%dma_start3A_133, %dma_start3A_140, %dma_start3A_141] : memref<3x64x512xf32, #tpu.memory_space<vmem>> -> memref<1x64x512xf32, #tpu.memory_space<vmem>>
    %dma_start3A_143 = tpu.memref_squeeze %dma_start3A_142 : memref<1x64x512xf32, #tpu.memory_space<vmem>> -> memref<64x512xf32, #tpu.memory_space<vmem>>
    %dma_start3A_144 = arith.constant 0 : i32
    %dma_start3A_145 = tpu.memref_slice %arg5[%dma_start3A_144, %multiple_of3A_132] : memref<64x1000000xf32, #tpu.memory_space<hbm>> -> memref<64x512xf32, #tpu.memory_space<hbm>>
    tpu.enqueue_dma source(%dma_start3A_145 : memref<64x512xf32, #tpu.memory_space<hbm>>) target(%dma_start3A_143 : memref<64x512xf32, #tpu.memory_space<vmem>>) target_semaphore(%arg17 : memref<!tpu.dma_semaphore, #tpu.memory_space<semaphore_mem>>)
    %add3A_146 = arith.constant 32 : i32
    %add3A_147 = arith.addi %add3A, %add3A_146 : i32
    %mul3A_148 = arith.constant 512 : i32
    %mul3A_149 = arith.muli %add3A_147, %mul3A_148 : i32
    %multiple_of3A_150 = tpu.assume_multiple %mul3A_149, 128 : i32
    %dma_start3A_151 = arith.constant 1 : i32
    %dma_start3A_152 = arith.constant 0 : i32
    %dma_start3A_153 = arith.constant 0 : i32
    %dma_start3A_154 = tpu.memref_slice %arg13[%dma_start3A_151, %dma_start3A_152, %dma_start3A_153] : memref<3x64x512xf32, #tpu.memory_space<vmem>> -> memref<1x64x512xf32, #tpu.memory_space<vmem>>
    %dma_start3A_155 = tpu.memref_squeeze %dma_start3A_154 : memref<1x64x512xf32, #tpu.memory_space<vmem>> -> memref<64x512xf32, #tpu.memory_space<vmem>>
    %dma_start3A_156 = arith.constant 0 : i32
    %dma_start3A_157 = tpu.memref_slice %arg5[%dma_start3A_156, %multiple_of3A_150] : memref<64x1000000xf32, #tpu.memory_space<hbm>> -> memref<64x512xf32, #tpu.memory_space<hbm>>
    %dma_start3A_158 = arith.constant 0 : i32
    %dma_start3A_159 = arith.constant 0 : i32
    %dma_start3A_160 = tpu.memref_slice %arg13[%dma_start3A_151, %dma_start3A_158, %dma_start3A_159] : memref<3x64x512xf32, #tpu.memory_space<vmem>> -> memref<1x64x512xf32, #tpu.memory_space<vmem>>
    %dma_start3A_161 = tpu.memref_squeeze %dma_start3A_160 : memref<1x64x512xf32, #tpu.memory_space<vmem>> -> memref<64x512xf32, #tpu.memory_space<vmem>>
    %dma_start3A_162 = arith.constant 0 : i32
    %dma_start3A_163 = tpu.memref_slice %arg5[%dma_start3A_162, %multiple_of3A_150] : memref<64x1000000xf32, #tpu.memory_space<hbm>> -> memref<64x512xf32, #tpu.memory_space<hbm>>
    tpu.enqueue_dma source(%dma_start3A_163 : memref<64x512xf32, #tpu.memory_space<hbm>>) target(%dma_start3A_161 : memref<64x512xf32, #tpu.memory_space<vmem>>) target_semaphore(%arg17 : memref<!tpu.dma_semaphore, #tpu.memory_space<semaphore_mem>>)
    %scan3A_164 = arith.constant 0 : i32
    %scan3A_165 = arith.constant 61 : i32
    %scan3A_166 = arith.addi %scan3A_164, %scan3A_165 : i32
    %scan3A_167 = arith.constant 1 : i32
    %scan3A_168 = scf.for %scan3A_181 = %scan3A_164 to %scan3A_166 step %scan3A_167 iter_args(%scan3A_182 = %scan3A_78) -> (i32)  : i32 {
      %rem3A_183 = arith.constant 3 : i32
      %rem3A_184 = arith.remsi %scan3A_181, %rem3A_183 : i32
      %add3A_185 = arith.constant 2 : i32
      %add3A_186 = arith.addi %scan3A_181, %add3A_185 : i32
      %lt3A = arith.constant 61 : i32
      %lt3A_187 = arith.cmpi slt, %add3A_186, %lt3A : i32
      %convert_element_type3A = arith.extui %lt3A_187 : i1 to i32
      %cond3A = arith.constant 0 : i32
      %cond3A_188 = arith.cmpi ne, %convert_element_type3A, %cond3A : i32
      scf.if %cond3A_188 {
        %add3A_254 = arith.constant 2 : i32
        %add3A_255 = arith.addi %scan3A_181, %add3A_254 : i32
        %add3A_256 = arith.constant 2 : i32
        %add3A_257 = arith.addi %scan3A_181, %add3A_256 : i32
        %rem3A_258 = arith.constant 3 : i32
        %rem3A_259 = arith.remsi %add3A_257, %rem3A_258 : i32
        %mul3A_260 = arith.constant 32 : i32
        %mul3A_261 = arith.muli %add3A_255, %mul3A_260 : i32
        %add3A_262 = arith.addi %add3A, %mul3A_261 : i32
        %mul3A_263 = arith.constant 512 : i32
        %mul3A_264 = arith.muli %add3A_262, %mul3A_263 : i32
        %multiple_of3A_265 = tpu.assume_multiple %mul3A_264, 128 : i32
        %dma_start3A_266 = arith.constant 0 : i32
        %dma_start3A_267 = arith.constant 0 : i32
        %dma_start3A_268 = tpu.memref_slice %arg13[%rem3A_259, %dma_start3A_266, %dma_start3A_267] : memref<3x64x512xf32, #tpu.memory_space<vmem>> -> memref<1x64x512xf32, #tpu.memory_space<vmem>>
        %dma_start3A_269 = tpu.memref_squeeze %dma_start3A_268 : memref<1x64x512xf32, #tpu.memory_space<vmem>> -> memref<64x512xf32, #tpu.memory_space<vmem>>
        %dma_start3A_270 = arith.constant 0 : i32
        %dma_start3A_271 = tpu.memref_slice %arg5[%dma_start3A_270, %multiple_of3A_265] : memref<64x1000000xf32, #tpu.memory_space<hbm>> -> memref<64x512xf32, #tpu.memory_space<hbm>>
        %dma_start3A_272 = arith.constant 0 : i32
        %dma_start3A_273 = arith.constant 0 : i32
        %dma_start3A_274 = tpu.memref_slice %arg13[%rem3A_259, %dma_start3A_272, %dma_start3A_273] : memref<3x64x512xf32, #tpu.memory_space<vmem>> -> memref<1x64x512xf32, #tpu.memory_space<vmem>>
        %dma_start3A_275 = tpu.memref_squeeze %dma_start3A_274 : memref<1x64x512xf32, #tpu.memory_space<vmem>> -> memref<64x512xf32, #tpu.memory_space<vmem>>
        %dma_start3A_276 = arith.constant 0 : i32
        %dma_start3A_277 = tpu.memref_slice %arg5[%dma_start3A_276, %multiple_of3A_265] : memref<64x1000000xf32, #tpu.memory_space<hbm>> -> memref<64x512xf32, #tpu.memory_space<hbm>>
        tpu.enqueue_dma source(%dma_start3A_277 : memref<64x512xf32, #tpu.memory_space<hbm>>) target(%dma_start3A_275 : memref<64x512xf32, #tpu.memory_space<vmem>>) target_semaphore(%arg17 : memref<!tpu.dma_semaphore, #tpu.memory_space<semaphore_mem>>)
      } else {
      }
      %dma_wait3A = arith.constant 0 : i32
      %dma_wait3A_189 = arith.constant 0 : i32
      %dma_wait3A_190 = arith.constant 0 : i32
      %dma_wait3A_191 = tpu.memref_slice %arg13[%dma_wait3A, %dma_wait3A_189, %dma_wait3A_190] : memref<3x64x512xf32, #tpu.memory_space<vmem>> -> memref<1x64x512xf32, #tpu.memory_space<vmem>>
      %dma_wait3A_192 = tpu.memref_squeeze %dma_wait3A_191 : memref<1x64x512xf32, #tpu.memory_space<vmem>> -> memref<64x512xf32, #tpu.memory_space<vmem>>
      %dma_wait3A_193 = arith.constant 0 : i32
      %dma_wait3A_194 = arith.constant 0 : i32
      %dma_wait3A_195 = tpu.memref_slice %arg5[%dma_wait3A_193, %dma_wait3A_194] : memref<64x1000000xf32, #tpu.memory_space<hbm>> -> memref<64x512xf32, #tpu.memory_space<hbm>>
      %dma_wait3A_196 = arith.constant 0 : i32
      %dma_wait3A_197 = arith.constant 0 : i32
      %dma_wait3A_198 = tpu.memref_slice %arg13[%dma_wait3A, %dma_wait3A_196, %dma_wait3A_197] : memref<3x64x512xf32, #tpu.memory_space<vmem>> -> memref<1x64x512xf32, #tpu.memory_space<vmem>>
      %dma_wait3A_199 = tpu.memref_squeeze %dma_wait3A_198 : memref<1x64x512xf32, #tpu.memory_space<vmem>> -> memref<64x512xf32, #tpu.memory_space<vmem>>
      %dma_wait3A_200 = arith.constant 0 : i32
      %dma_wait3A_201 = arith.constant 0 : i32
      %dma_wait3A_202 = tpu.memref_slice %arg5[%dma_wait3A_200, %dma_wait3A_201] : memref<64x1000000xf32, #tpu.memory_space<hbm>> -> memref<64x512xf32, #tpu.memory_space<hbm>>
      tpu.wait_dma2 semaphore(%arg17 : memref<!tpu.dma_semaphore, #tpu.memory_space<semaphore_mem>>) src(%dma_wait3A_202 : memref<64x512xf32, #tpu.memory_space<hbm>>) dst(%dma_wait3A_199 : memref<64x512xf32, #tpu.memory_space<vmem>>)
      %mul3A_203 = arith.constant 32 : i32
      %mul3A_204 = arith.muli %scan3A_181, %mul3A_203 : i32
      %add3A_205 = arith.addi %add3A, %mul3A_204 : i32
      %shift_right_arithmetic3A = arith.constant 4 : i32
      %shift_right_arithmetic3A_206 = arith.shrsi %scan3A_181, %shift_right_arithmetic3A : i32
      %mul3A_207 = arith.constant 384 : i32
      %mul3A_208 = arith.muli %shift_right_arithmetic3A_206, %mul3A_207 : i32
      %eq3A = arith.constant 0 : i32
      %eq3A_209 = arith.cmpi eq, %shift_right_arithmetic3A_206, %eq3A : i32
      %eq3A_210 = arith.constant 1 : i32
      %eq3A_211 = arith.cmpi eq, %shift_right_arithmetic3A_206, %eq3A_210 : i32
      %eq3A_212 = arith.constant 2 : i32
      %eq3A_213 = arith.cmpi eq, %shift_right_arithmetic3A_206, %eq3A_212 : i32
      %select_n3A_214 = arith.select %eq3A_213, %while3A_127#2, %while3A_127#3 : i32
      %select_n3A_215 = arith.select %eq3A_211, %while3A_127#1, %select_n3A_214 : i32
      %select_n3A_216 = arith.select %eq3A_209, %while3A_127#0, %select_n3A_215 : i32
      %add3A_217 = arith.constant 15 : i32
      %add3A_218 = arith.addi %select_n3A_216, %add3A_217 : i32
      %jit3A_219 = arith.constant 16 : i32
      %div3A_220 = arith.divsi %add3A_218, %jit3A_219 : i32
      %sign3A_221 = arith.constant 0 : i32
      %sign3A_222 = arith.cmpi sgt, %add3A_218, %sign3A_221 : i32
      %sign3A_223 = arith.extui %sign3A_222 : i1 to i32
      %sign3A_224 = arith.constant 0 : i32
      %sign3A_225 = arith.cmpi slt, %add3A_218, %sign3A_224 : i32
      %sign3A_226 = arith.extui %sign3A_225 : i1 to i32
      %sign3A_227 = arith.subi %sign3A_223, %sign3A_226 : i32
      %sign3A_228 = arith.constant 0 : i32
      %sign3A_229 = arith.cmpi sgt, %jit3A_219, %sign3A_228 : i32
      %sign3A_230 = arith.extui %sign3A_229 : i1 to i32
      %sign3A_231 = arith.constant 0 : i32
      %sign3A_232 = arith.cmpi slt, %jit3A_219, %sign3A_231 : i32
      %sign3A_233 = arith.extui %sign3A_232 : i1 to i32
      %sign3A_234 = arith.subi %sign3A_230, %sign3A_233 : i32
      %ne3A_235 = arith.cmpi ne, %sign3A_227, %sign3A_234 : i32
      %rem3A_236 = arith.remsi %add3A_218, %jit3A_219 : i32
      %ne3A_237 = arith.constant 0 : i32
      %ne3A_238 = arith.cmpi ne, %rem3A_236, %ne3A_237 : i32
      %and3A_239 = arith.andi %ne3A_235, %ne3A_238 : i1
      %sub3A_240 = arith.constant 1 : i32
      %sub3A_241 = arith.subi %div3A_220, %sub3A_240 : i32
      %select_n3A_242 = arith.select %and3A_239, %sub3A_241, %div3A_220 : i32
      %while3A_243 = arith.constant 0 : i32
      %while3A_244 = arith.subi %select_n3A_242, %while3A_243 : i32
      %while3A_245 = arith.addi %while3A_243, %while3A_244 : i32
      %while3A_246 = arith.constant 1 : i32
      %while3A_247 = arith.divsi %while3A_244, %while3A_246 : i32
      %while3A_248 = arith.muli %while3A_247, %while3A_246 : i32
      %while3A_249 = arith.addi %while3A_243, %while3A_248 : i32
      %while3A_250 = arith.constant 1 : i32
      %while3A_251 = scf.for %while3A_254 = %while3A_243 to %while3A_249 step %while3A_250 iter_args(%while3A_255 = %scan3A_182) -> (i32)  : i32 {
        %mul3A_256 = arith.constant 16 : i32
        %mul3A_257 = arith.muli %while3A_254, %mul3A_256 : i32
        %add3A_258 = arith.addi %mul3A_208, %mul3A_257 : i32
        %get3A = arith.index_cast %add3A_258 : i32 to index
        %get3A_259 = tpu.vector_load %arg12[%get3A] {strides = array<i32>} : memref<1536xi32, #tpu.memory_space<vmem>>, vector<16xi32>,
        %mul3A_260 = arith.constant 16 : i32
        %mul3A_261 = arith.muli %while3A_254, %mul3A_260 : i32
        %add3A_262 = arith.addi %mul3A_208, %mul3A_261 : i32
        %get3A_263 = arith.index_cast %add3A_262 : i32 to index
        %get3A_264 = tpu.vector_load %arg11[%get3A_263] {strides = array<i32>} : memref<1536xi32, #tpu.memory_space<vmem>>, vector<16xi32>,
        %mul3A_265 = arith.constant 16 : i32
        %mul3A_266 = arith.muli %while3A_254, %mul3A_265 : i32
        %add3A_267 = vector.broadcast %mul3A_266 : i32 to vector<16xi32>
        %add3A_268 = arith.addi %iota3A, %add3A_267 : vector<16xi32>
        %shift_right_arithmetic3A_269 = arith.constant 9 : i32
        %shift_right_arithmetic3A_270 = vector.broadcast %shift_right_arithmetic3A_269 : i32 to vector<16xi32>
        %shift_right_arithmetic3A_271 = arith.shrsi %get3A_259, %shift_right_arithmetic3A_270 : vector<16xi32>
        %eq3A_272 = vector.broadcast %add3A_205 : i32 to vector<16xi32>
        %eq3A_273 = arith.cmpi eq, %shift_right_arithmetic3A_271, %eq3A_272 : vector<16xi32>
        %lt3A_274 = vector.broadcast %select_n3A_216 : i32 to vector<16xi32>
        %lt3A_275 = arith.cmpi slt, %add3A_268, %lt3A_274 : vector<16xi32>
        %and3A_276 = arith.andi %eq3A_273, %lt3A_275 : vector<16xi1>
        %convert_element_type3A_277 = arith.extui %and3A_276 : vector<16xi1> to vector<16xi32>
        %broadcast_in_dim3A = arith.constant true
        %broadcast_in_dim3A_278 = vector.broadcast %broadcast_in_dim3A : i1 to vector<16xi1>
        %masked_cumsum3A = tpu.scan <sum>, %convert_element_type3A_277 masked %broadcast_in_dim3A_278 : vector<16xi32>, vector<16xi1> -> vector<16xi32>
        %slice3A = vector.extract_strided_slice %masked_cumsum3A {offsets = [15], sizes = [1], strides = [1]} : vector<16xi32> to vector<1xi32>
        %squeeze3A = vector.extract %slice3A[0] : i32 from vector<1xi32>
        %gt3A = arith.constant 0 : i32
        %gt3A_279 = arith.cmpi sgt, %squeeze3A, %gt3A : i32
        %convert_element_type3A_280 = arith.extui %gt3A_279 : i1 to i32
        %cond3A_281 = arith.constant 0 : i32
        %cond3A_282 = arith.cmpi ne, %convert_element_type3A_280, %cond3A_281 : i32
        scf.if %cond3A_282 {
          %sub3A_289 = arith.constant 1 : i32
          %sub3A_290 = vector.broadcast %sub3A_289 : i32 to vector<16xi32>
          %sub3A_291 = arith.subi %masked_cumsum3A, %sub3A_290 : vector<16xi32>
          tpu.vector_store_idx %arg14[%sub3A_291], %get3A_264 masked %and3A_276 : memref<32xi32, #tpu.memory_space<vmem>>[vector<16xi32>], vector<16xi32>, vector<16xi1>
          tpu.vector_store_idx %arg15[%sub3A_291], %get3A_259 masked %and3A_276 : memref<32xi32, #tpu.memory_space<vmem>>[vector<16xi32>], vector<16xi32>, vector<16xi1>
        } else {
        }
        %gt3A_283 = arith.constant 0 : i32
        %gt3A_284 = arith.cmpi sgt, %squeeze3A, %gt3A_283 : i32
        %convert_element_type3A_285 = arith.extui %gt3A_284 : i1 to i32
        %cond3A_286 = arith.constant 0 : i32
        %cond3A_287 = arith.cmpi ne, %convert_element_type3A_285, %cond3A_286 : i32
        %cond3A_288 = scf.if %cond3A_287 -> (i32) {
          %while3A_289 = arith.constant 0 : i32
          %while3A_290 = arith.subi %squeeze3A, %while3A_289 : i32
          %while3A_291 = arith.addi %while3A_289, %while3A_290 : i32
          %while3A_292 = arith.constant 1 : i32
          %while3A_293 = arith.divsi %while3A_290, %while3A_292 : i32
          %while3A_294 = arith.muli %while3A_293, %while3A_292 : i32
          %while3A_295 = arith.addi %while3A_289, %while3A_294 : i32
          %while3A_296 = arith.constant 1 : i32
          %while3A_297 = scf.for %while3A_300 = %while3A_289 to %while3A_295 step %while3A_296 iter_args(%while3A_301 = %while3A_255) -> (i32)  : i32 {
            %get3A_302 = arith.index_cast %while3A_300 : i32 to index
            %get3A_303 = tpu.vector_load %arg14[%get3A_302] {strides = array<i32>} : memref<32xi32, #tpu.memory_space<vmem>>, vector<16xi32>,
            %slice3A_304 = vector.extract_strided_slice %get3A_303 {offsets = [0], sizes = [1], strides = [1]} : vector<16xi32> to vector<1xi32>
            %squeeze3A_305 = vector.extract %slice3A_304[0] : i32 from vector<1xi32>
            %get3A_306 = arith.index_cast %while3A_300 : i32 to index
            %get3A_307 = tpu.vector_load %arg15[%get3A_306] {strides = array<i32>} : memref<32xi32, #tpu.memory_space<vmem>>, vector<16xi32>,
            %slice3A_308 = vector.extract_strided_slice %get3A_307 {offsets = [0], sizes = [1], strides = [1]} : vector<16xi32> to vector<1xi32>
            %squeeze3A_309 = vector.extract %slice3A_308[0] : i32 from vector<1xi32>
            %and3A_310 = arith.constant 511 : i32
            %and3A_311 = arith.andi %squeeze3A_309, %and3A_310 : i32
            %rem3A_312 = arith.constant 32 : i32
            %rem3A_313 = arith.remsi %while3A_301, %rem3A_312 : i32
            %ge3A = arith.constant 32 : i32
            %ge3A_314 = arith.cmpi sge, %while3A_301, %ge3A : i32
            %convert_element_type3A_315 = arith.extui %ge3A_314 : i1 to i32
            %cond3A_316 = arith.constant 0 : i32
            %cond3A_317 = arith.cmpi ne, %convert_element_type3A_315, %cond3A_316 : i32
            scf.if %cond3A_317 {
              %dma_wait3A_366 = arith.constant 0 : i32
              %dma_wait3A_367 = arith.constant 0 : i32
              %dma_wait3A_368 = arith.constant 0 : i32
              %dma_wait3A_369 = tpu.memref_slice %arg16[%dma_wait3A_367, %dma_wait3A_368] : memref<32x64xf32, #tpu.memory_space<vmem>> -> memref<1x64xf32, #tpu.memory_space<vmem>>
              %dma_wait3A_370 = tpu.memref_squeeze %dma_wait3A_369 : memref<1x64xf32, #tpu.memory_space<vmem>> -> memref<64xf32, #tpu.memory_space<vmem>>
              %dma_wait3A_371 = arith.constant 0 : i32
              %dma_wait3A_372 = tpu.memref_slice %arg7[%dma_wait3A_366, %dma_wait3A_371] : memref<16384x64xf32, #tpu.memory_space<hbm>> -> memref<1x64xf32, #tpu.memory_space<hbm>>
              %dma_wait3A_373 = tpu.memref_squeeze %dma_wait3A_372 : memref<1x64xf32, #tpu.memory_space<hbm>> -> memref<64xf32, #tpu.memory_space<hbm>>
              %dma_wait3A_374 = arith.constant 0 : i32
              %dma_wait3A_375 = tpu.memref_slice %arg16[%dma_wait3A_367, %dma_wait3A_374] : memref<32x64xf32, #tpu.memory_space<vmem>> -> memref<1x64xf32, #tpu.memory_space<vmem>>
              %dma_wait3A_376 = tpu.memref_squeeze %dma_wait3A_375 : memref<1x64xf32, #tpu.memory_space<vmem>> -> memref<64xf32, #tpu.memory_space<vmem>>
              %dma_wait3A_377 = arith.constant 0 : i32
              %dma_wait3A_378 = tpu.memref_slice %arg7[%dma_wait3A_366, %dma_wait3A_377] : memref<16384x64xf32, #tpu.memory_space<hbm>> -> memref<1x64xf32, #tpu.memory_space<hbm>>
              %dma_wait3A_379 = tpu.memref_squeeze %dma_wait3A_378 : memref<1x64xf32, #tpu.memory_space<hbm>> -> memref<64xf32, #tpu.memory_space<hbm>>
              tpu.wait_dma2 semaphore(%arg18 : memref<!tpu.dma_semaphore, #tpu.memory_space<semaphore_mem>>) src(%dma_wait3A_379 : memref<64xf32, #tpu.memory_space<hbm>>) dst(%dma_wait3A_376 : memref<64xf32, #tpu.memory_space<vmem>>)
            } else {
            }
            %broadcast_in_dim3A_318 = vector.broadcast %rem3A_184 : i32 to vector<16xi32>
            %add3A_319 = arith.constant 0 : i32
            %add3A_320 = vector.broadcast %add3A_319 : i32 to vector<16xi32>
            %add3A_321 = arith.addi %iota3A, %add3A_320 : vector<16xi32>
            %broadcast_in_dim3A_322 = vector.broadcast %and3A_311 : i32 to vector<16xi32>
            %gather3A = tpu.vector_load_idx %arg13[%broadcast_in_dim3A_318, %add3A_321, %broadcast_in_dim3A_322] : memref<3x64x512xf32, #tpu.memory_space<vmem>>[vector<16xi32>, vector<16xi32>, vector<16xi32>], vector<16xf32>,
            %swap3A = arith.index_cast %rem3A_313 : i32 to index
            %swap3A_323 = arith.constant 0 : index
            %swap3A_324 = tpu.vector_load %arg16[%swap3A, %swap3A_323] {strides = array<i32>} : memref<32x64xf32, #tpu.memory_space<vmem>>, vector<16xf32>,
            tpu.vector_store %arg16[%swap3A, %swap3A_323], %gather3A {strides = array<i32>} : memref<32x64xf32, #tpu.memory_space<vmem>>, vector<16xf32>,
            %broadcast_in_dim3A_325 = vector.broadcast %rem3A_184 : i32 to vector<16xi32>
            %add3A_326 = arith.constant 16 : i32
            %add3A_327 = vector.broadcast %add3A_326 : i32 to vector<16xi32>
            %add3A_328 = arith.addi %iota3A, %add3A_327 : vector<16xi32>
            %broadcast_in_dim3A_329 = vector.broadcast %and3A_311 : i32 to vector<16xi32>
            %gather3A_330 = tpu.vector_load_idx %arg13[%broadcast_in_dim3A_325, %add3A_328, %broadcast_in_dim3A_329] : memref<3x64x512xf32, #tpu.memory_space<vmem>>[vector<16xi32>, vector<16xi32>, vector<16xi32>], vector<16xf32>,
            %swap3A_331 = arith.index_cast %rem3A_313 : i32 to index
            %swap3A_332 = arith.constant 16 : index
            %swap3A_333 = tpu.vector_load %arg16[%swap3A_331, %swap3A_332] {strides = array<i32>} : memref<32x64xf32, #tpu.memory_space<vmem>>, vector<16xf32>,
            tpu.vector_store %arg16[%swap3A_331, %swap3A_332], %gather3A_330 {strides = array<i32>} : memref<32x64xf32, #tpu.memory_space<vmem>>, vector<16xf32>,
            %broadcast_in_dim3A_334 = vector.broadcast %rem3A_184 : i32 to vector<16xi32>
            %add3A_335 = arith.constant 32 : i32
            %add3A_336 = vector.broadcast %add3A_335 : i32 to vector<16xi32>
            %add3A_337 = arith.addi %iota3A, %add3A_336 : vector<16xi32>
            %broadcast_in_dim3A_338 = vector.broadcast %and3A_311 : i32 to vector<16xi32>
            %gather3A_339 = tpu.vector_load_idx %arg13[%broadcast_in_dim3A_334, %add3A_337, %broadcast_in_dim3A_338] : memref<3x64x512xf32, #tpu.memory_space<vmem>>[vector<16xi32>, vector<16xi32>, vector<16xi32>], vector<16xf32>,
            %swap3A_340 = arith.index_cast %rem3A_313 : i32 to index
            %swap3A_341 = arith.constant 32 : index
            %swap3A_342 = tpu.vector_load %arg16[%swap3A_340, %swap3A_341] {strides = array<i32>} : memref<32x64xf32, #tpu.memory_space<vmem>>, vector<16xf32>,
            tpu.vector_store %arg16[%swap3A_340, %swap3A_341], %gather3A_339 {strides = array<i32>} : memref<32x64xf32, #tpu.memory_space<vmem>>, vector<16xf32>,
            %broadcast_in_dim3A_343 = vector.broadcast %rem3A_184 : i32 to vector<16xi32>
            %add3A_344 = arith.constant 48 : i32
            %add3A_345 = vector.broadcast %add3A_344 : i32 to vector<16xi32>
            %add3A_346 = arith.addi %iota3A, %add3A_345 : vector<16xi32>
            %broadcast_in_dim3A_347 = vector.broadcast %and3A_311 : i32 to vector<16xi32>
            %gather3A_348 = tpu.vector_load_idx %arg13[%broadcast_in_dim3A_343, %add3A_346, %broadcast_in_dim3A_347] : memref<3x64x512xf32, #tpu.memory_space<vmem>>[vector<16xi32>, vector<16xi32>, vector<16xi32>], vector<16xf32>,
            %swap3A_349 = arith.index_cast %rem3A_313 : i32 to index
            %swap3A_350 = arith.constant 48 : index
            %swap3A_351 = tpu.vector_load %arg16[%swap3A_349, %swap3A_350] {strides = array<i32>} : memref<32x64xf32, #tpu.memory_space<vmem>>, vector<16xf32>,
            tpu.vector_store %arg16[%swap3A_349, %swap3A_350], %gather3A_348 {strides = array<i32>} : memref<32x64xf32, #tpu.memory_space<vmem>>, vector<16xf32>,
            %dma_start3A_352 = arith.constant 0 : i32
            %dma_start3A_353 = tpu.memref_slice %arg16[%rem3A_313, %dma_start3A_352] : memref<32x64xf32, #tpu.memory_space<vmem>> -> memref<1x64xf32, #tpu.memory_space<vmem>>
            %dma_start3A_354 = tpu.memref_squeeze %dma_start3A_353 : memref<1x64xf32, #tpu.memory_space<vmem>> -> memref<64xf32, #tpu.memory_space<vmem>>
            %dma_start3A_355 = arith.constant 0 : i32
            %dma_start3A_356 = tpu.memref_slice %arg7[%squeeze3A_305, %dma_start3A_355] : memref<16384x64xf32, #tpu.memory_space<hbm>> -> memref<1x64xf32, #tpu.memory_space<hbm>>
            %dma_start3A_357 = tpu.memref_squeeze %dma_start3A_356 : memref<1x64xf32, #tpu.memory_space<hbm>> -> memref<64xf32, #tpu.memory_space<hbm>>
            %dma_start3A_358 = arith.constant 0 : i32
            %dma_start3A_359 = tpu.memref_slice %arg7[%squeeze3A_305, %dma_start3A_358] : memref<16384x64xf32, #tpu.memory_space<hbm>> -> memref<1x64xf32, #tpu.memory_space<hbm>>
            %dma_start3A_360 = tpu.memref_squeeze %dma_start3A_359 : memref<1x64xf32, #tpu.memory_space<hbm>> -> memref<64xf32, #tpu.memory_space<hbm>>
            %dma_start3A_361 = arith.constant 0 : i32
            %dma_start3A_362 = tpu.memref_slice %arg16[%rem3A_313, %dma_start3A_361] : memref<32x64xf32, #tpu.memory_space<vmem>> -> memref<1x64xf32, #tpu.memory_space<vmem>>
            %dma_start3A_363 = tpu.memref_squeeze %dma_start3A_362 : memref<1x64xf32, #tpu.memory_space<vmem>> -> memref<64xf32, #tpu.memory_space<vmem>>
            tpu.enqueue_dma source(%dma_start3A_363 : memref<64xf32, #tpu.memory_space<vmem>>) target(%dma_start3A_360 : memref<64xf32, #tpu.memory_space<hbm>>) target_semaphore(%arg18 : memref<!tpu.dma_semaphore, #tpu.memory_space<semaphore_mem>>)
            %add3A_364 = arith.constant 1 : i32
            %add3A_365 = arith.addi %while3A_301, %add3A_364 : i32
            scf.yield %add3A_365 : i32
          }
          %while3A_298 = arith.constant 1 : i32
          %while3A_299 = scf.for %while3A_300 = %while3A_295 to %while3A_291 step %while3A_298 iter_args(%while3A_301 = %while3A_297) -> (i32)  : i32 {
            %get3A_302 = arith.index_cast %while3A_300 : i32 to index
            %get3A_303 = tpu.vector_load %arg14[%get3A_302] {strides = array<i32>} : memref<32xi32, #tpu.memory_space<vmem>>, vector<16xi32>,
            %slice3A_304 = vector.extract_strided_slice %get3A_303 {offsets = [0], sizes = [1], strides = [1]} : vector<16xi32> to vector<1xi32>
            %squeeze3A_305 = vector.extract %slice3A_304[0] : i32 from vector<1xi32>
            %get3A_306 = arith.index_cast %while3A_300 : i32 to index
            %get3A_307 = tpu.vector_load %arg15[%get3A_306] {strides = array<i32>} : memref<32xi32, #tpu.memory_space<vmem>>, vector<16xi32>,
            %slice3A_308 = vector.extract_strided_slice %get3A_307 {offsets = [0], sizes = [1], strides = [1]} : vector<16xi32> to vector<1xi32>
            %squeeze3A_309 = vector.extract %slice3A_308[0] : i32 from vector<1xi32>
            %and3A_310 = arith.constant 511 : i32
            %and3A_311 = arith.andi %squeeze3A_309, %and3A_310 : i32
            %rem3A_312 = arith.constant 32 : i32
            %rem3A_313 = arith.remsi %while3A_301, %rem3A_312 : i32
            %ge3A = arith.constant 32 : i32
            %ge3A_314 = arith.cmpi sge, %while3A_301, %ge3A : i32
            %convert_element_type3A_315 = arith.extui %ge3A_314 : i1 to i32
            %cond3A_316 = arith.constant 0 : i32
            %cond3A_317 = arith.cmpi ne, %convert_element_type3A_315, %cond3A_316 : i32
            scf.if %cond3A_317 {
              %dma_wait3A_366 = arith.constant 0 : i32
              %dma_wait3A_367 = arith.constant 0 : i32
              %dma_wait3A_368 = arith.constant 0 : i32
              %dma_wait3A_369 = tpu.memref_slice %arg16[%dma_wait3A_367, %dma_wait3A_368] : memref<32x64xf32, #tpu.memory_space<vmem>> -> memref<1x64xf32, #tpu.memory_space<vmem>>
              %dma_wait3A_370 = tpu.memref_squeeze %dma_wait3A_369 : memref<1x64xf32, #tpu.memory_space<vmem>> -> memref<64xf32, #tpu.memory_space<vmem>>
              %dma_wait3A_371 = arith.constant 0 : i32
              %dma_wait3A_372 = tpu.memref_slice %arg7[%dma_wait3A_366, %dma_wait3A_371] : memref<16384x64xf32, #tpu.memory_space<hbm>> -> memref<1x64xf32, #tpu.memory_space<hbm>>
              %dma_wait3A_373 = tpu.memref_squeeze %dma_wait3A_372 : memref<1x64xf32, #tpu.memory_space<hbm>> -> memref<64xf32, #tpu.memory_space<hbm>>
              %dma_wait3A_374 = arith.constant 0 : i32
              %dma_wait3A_375 = tpu.memref_slice %arg16[%dma_wait3A_367, %dma_wait3A_374] : memref<32x64xf32, #tpu.memory_space<vmem>> -> memref<1x64xf32, #tpu.memory_space<vmem>>
              %dma_wait3A_376 = tpu.memref_squeeze %dma_wait3A_375 : memref<1x64xf32, #tpu.memory_space<vmem>> -> memref<64xf32, #tpu.memory_space<vmem>>
              %dma_wait3A_377 = arith.constant 0 : i32
              %dma_wait3A_378 = tpu.memref_slice %arg7[%dma_wait3A_366, %dma_wait3A_377] : memref<16384x64xf32, #tpu.memory_space<hbm>> -> memref<1x64xf32, #tpu.memory_space<hbm>>
              %dma_wait3A_379 = tpu.memref_squeeze %dma_wait3A_378 : memref<1x64xf32, #tpu.memory_space<hbm>> -> memref<64xf32, #tpu.memory_space<hbm>>
              tpu.wait_dma2 semaphore(%arg18 : memref<!tpu.dma_semaphore, #tpu.memory_space<semaphore_mem>>) src(%dma_wait3A_379 : memref<64xf32, #tpu.memory_space<hbm>>) dst(%dma_wait3A_376 : memref<64xf32, #tpu.memory_space<vmem>>)
            } else {
            }
            %broadcast_in_dim3A_318 = vector.broadcast %rem3A_184 : i32 to vector<16xi32>
            %add3A_319 = arith.constant 0 : i32
            %add3A_320 = vector.broadcast %add3A_319 : i32 to vector<16xi32>
            %add3A_321 = arith.addi %iota3A, %add3A_320 : vector<16xi32>
            %broadcast_in_dim3A_322 = vector.broadcast %and3A_311 : i32 to vector<16xi32>
            %gather3A = tpu.vector_load_idx %arg13[%broadcast_in_dim3A_318, %add3A_321, %broadcast_in_dim3A_322] : memref<3x64x512xf32, #tpu.memory_space<vmem>>[vector<16xi32>, vector<16xi32>, vector<16xi32>], vector<16xf32>,
            %swap3A = arith.index_cast %rem3A_313 : i32 to index
            %swap3A_323 = arith.constant 0 : index
            %swap3A_324 = tpu.vector_load %arg16[%swap3A, %swap3A_323] {strides = array<i32>} : memref<32x64xf32, #tpu.memory_space<vmem>>, vector<16xf32>,
            tpu.vector_store %arg16[%swap3A, %swap3A_323], %gather3A {strides = array<i32>} : memref<32x64xf32, #tpu.memory_space<vmem>>, vector<16xf32>,
            %broadcast_in_dim3A_325 = vector.broadcast %rem3A_184 : i32 to vector<16xi32>
            %add3A_326 = arith.constant 16 : i32
            %add3A_327 = vector.broadcast %add3A_326 : i32 to vector<16xi32>
            %add3A_328 = arith.addi %iota3A, %add3A_327 : vector<16xi32>
            %broadcast_in_dim3A_329 = vector.broadcast %and3A_311 : i32 to vector<16xi32>
            %gather3A_330 = tpu.vector_load_idx %arg13[%broadcast_in_dim3A_325, %add3A_328, %broadcast_in_dim3A_329] : memref<3x64x512xf32, #tpu.memory_space<vmem>>[vector<16xi32>, vector<16xi32>, vector<16xi32>], vector<16xf32>,
            %swap3A_331 = arith.index_cast %rem3A_313 : i32 to index
            %swap3A_332 = arith.constant 16 : index
            %swap3A_333 = tpu.vector_load %arg16[%swap3A_331, %swap3A_332] {strides = array<i32>} : memref<32x64xf32, #tpu.memory_space<vmem>>, vector<16xf32>,
            tpu.vector_store %arg16[%swap3A_331, %swap3A_332], %gather3A_330 {strides = array<i32>} : memref<32x64xf32, #tpu.memory_space<vmem>>, vector<16xf32>,
            %broadcast_in_dim3A_334 = vector.broadcast %rem3A_184 : i32 to vector<16xi32>
            %add3A_335 = arith.constant 32 : i32
            %add3A_336 = vector.broadcast %add3A_335 : i32 to vector<16xi32>
            %add3A_337 = arith.addi %iota3A, %add3A_336 : vector<16xi32>
            %broadcast_in_dim3A_338 = vector.broadcast %and3A_311 : i32 to vector<16xi32>
            %gather3A_339 = tpu.vector_load_idx %arg13[%broadcast_in_dim3A_334, %add3A_337, %broadcast_in_dim3A_338] : memref<3x64x512xf32, #tpu.memory_space<vmem>>[vector<16xi32>, vector<16xi32>, vector<16xi32>], vector<16xf32>,
            %swap3A_340 = arith.index_cast %rem3A_313 : i32 to index
            %swap3A_341 = arith.constant 32 : index
            %swap3A_342 = tpu.vector_load %arg16[%swap3A_340, %swap3A_341] {strides = array<i32>} : memref<32x64xf32, #tpu.memory_space<vmem>>, vector<16xf32>,
            tpu.vector_store %arg16[%swap3A_340, %swap3A_341], %gather3A_339 {strides = array<i32>} : memref<32x64xf32, #tpu.memory_space<vmem>>, vector<16xf32>,
            %broadcast_in_dim3A_343 = vector.broadcast %rem3A_184 : i32 to vector<16xi32>
            %add3A_344 = arith.constant 48 : i32
            %add3A_345 = vector.broadcast %add3A_344 : i32 to vector<16xi32>
            %add3A_346 = arith.addi %iota3A, %add3A_345 : vector<16xi32>
            %broadcast_in_dim3A_347 = vector.broadcast %and3A_311 : i32 to vector<16xi32>
            %gather3A_348 = tpu.vector_load_idx %arg13[%broadcast_in_dim3A_343, %add3A_346, %broadcast_in_dim3A_347] : memref<3x64x512xf32, #tpu.memory_space<vmem>>[vector<16xi32>, vector<16xi32>, vector<16xi32>], vector<16xf32>,
            %swap3A_349 = arith.index_cast %rem3A_313 : i32 to index
            %swap3A_350 = arith.constant 48 : index
            %swap3A_351 = tpu.vector_load %arg16[%swap3A_349, %swap3A_350] {strides = array<i32>} : memref<32x64xf32, #tpu.memory_space<vmem>>, vector<16xf32>,
            tpu.vector_store %arg16[%swap3A_349, %swap3A_350], %gather3A_348 {strides = array<i32>} : memref<32x64xf32, #tpu.memory_space<vmem>>, vector<16xf32>,
            %dma_start3A_352 = arith.constant 0 : i32
            %dma_start3A_353 = tpu.memref_slice %arg16[%rem3A_313, %dma_start3A_352] : memref<32x64xf32, #tpu.memory_space<vmem>> -> memref<1x64xf32, #tpu.memory_space<vmem>>
            %dma_start3A_354 = tpu.memref_squeeze %dma_start3A_353 : memref<1x64xf32, #tpu.memory_space<vmem>> -> memref<64xf32, #tpu.memory_space<vmem>>
            %dma_start3A_355 = arith.constant 0 : i32
            %dma_start3A_356 = tpu.memref_slice %arg7[%squeeze3A_305, %dma_start3A_355] : memref<16384x64xf32, #tpu.memory_space<hbm>> -> memref<1x64xf32, #tpu.memory_space<hbm>>
            %dma_start3A_357 = tpu.memref_squeeze %dma_start3A_356 : memref<1x64xf32, #tpu.memory_space<hbm>> -> memref<64xf32, #tpu.memory_space<hbm>>
            %dma_start3A_358 = arith.constant 0 : i32
            %dma_start3A_359 = tpu.memref_slice %arg7[%squeeze3A_305, %dma_start3A_358] : memref<16384x64xf32, #tpu.memory_space<hbm>> -> memref<1x64xf32, #tpu.memory_space<hbm>>
            %dma_start3A_360 = tpu.memref_squeeze %dma_start3A_359 : memref<1x64xf32, #tpu.memory_space<hbm>> -> memref<64xf32, #tpu.memory_space<hbm>>
            %dma_start3A_361 = arith.constant 0 : i32
            %dma_start3A_362 = tpu.memref_slice %arg16[%rem3A_313, %dma_start3A_361] : memref<32x64xf32, #tpu.memory_space<vmem>> -> memref<1x64xf32, #tpu.memory_space<vmem>>
            %dma_start3A_363 = tpu.memref_squeeze %dma_start3A_362 : memref<1x64xf32, #tpu.memory_space<vmem>> -> memref<64xf32, #tpu.memory_space<vmem>>
            tpu.enqueue_dma source(%dma_start3A_363 : memref<64xf32, #tpu.memory_space<vmem>>) target(%dma_start3A_360 : memref<64xf32, #tpu.memory_space<hbm>>) target_semaphore(%arg18 : memref<!tpu.dma_semaphore, #tpu.memory_space<semaphore_mem>>)
            %add3A_364 = arith.constant 1 : i32
            %add3A_365 = arith.addi %while3A_301, %add3A_364 : i32
            scf.yield %add3A_365 : i32
          }
          scf.yield %while3A_299 : i32
        } else {
          scf.yield %while3A_255 : i32
        }
        scf.yield %cond3A_288 : i32
      }
      %while3A_252 = arith.constant 1 : i32
      %while3A_253 = scf.for %while3A_254 = %while3A_249 to %while3A_245 step %while3A_252 iter_args(%while3A_255 = %while3A_251) -> (i32)  : i32 {
        %mul3A_256 = arith.constant 16 : i32
        %mul3A_257 = arith.muli %while3A_254, %mul3A_256 : i32
        %add3A_258 = arith.addi %mul3A_208, %mul3A_257 : i32
        %get3A = arith.index_cast %add3A_258 : i32 to index
        %get3A_259 = tpu.vector_load %arg12[%get3A] {strides = array<i32>} : memref<1536xi32, #tpu.memory_space<vmem>>, vector<16xi32>,
        %mul3A_260 = arith.constant 16 : i32
        %mul3A_261 = arith.muli %while3A_254, %mul3A_260 : i32
        %add3A_262 = arith.addi %mul3A_208, %mul3A_261 : i32
        %get3A_263 = arith.index_cast %add3A_262 : i32 to index
        %get3A_264 = tpu.vector_load %arg11[%get3A_263] {strides = array<i32>} : memref<1536xi32, #tpu.memory_space<vmem>>, vector<16xi32>,
        %mul3A_265 = arith.constant 16 : i32
        %mul3A_266 = arith.muli %while3A_254, %mul3A_265 : i32
        %add3A_267 = vector.broadcast %mul3A_266 : i32 to vector<16xi32>
        %add3A_268 = arith.addi %iota3A, %add3A_267 : vector<16xi32>
        %shift_right_arithmetic3A_269 = arith.constant 9 : i32
        %shift_right_arithmetic3A_270 = vector.broadcast %shift_right_arithmetic3A_269 : i32 to vector<16xi32>
        %shift_right_arithmetic3A_271 = arith.shrsi %get3A_259, %shift_right_arithmetic3A_270 : vector<16xi32>
        %eq3A_272 = vector.broadcast %add3A_205 : i32 to vector<16xi32>
        %eq3A_273 = arith.cmpi eq, %shift_right_arithmetic3A_271, %eq3A_272 : vector<16xi32>
        %lt3A_274 = vector.broadcast %select_n3A_216 : i32 to vector<16xi32>
        %lt3A_275 = arith.cmpi slt, %add3A_268, %lt3A_274 : vector<16xi32>
        %and3A_276 = arith.andi %eq3A_273, %lt3A_275 : vector<16xi1>
        %convert_element_type3A_277 = arith.extui %and3A_276 : vector<16xi1> to vector<16xi32>
        %broadcast_in_dim3A = arith.constant true
        %broadcast_in_dim3A_278 = vector.broadcast %broadcast_in_dim3A : i1 to vector<16xi1>
        %masked_cumsum3A = tpu.scan <sum>, %convert_element_type3A_277 masked %broadcast_in_dim3A_278 : vector<16xi32>, vector<16xi1> -> vector<16xi32>
        %slice3A = vector.extract_strided_slice %masked_cumsum3A {offsets = [15], sizes = [1], strides = [1]} : vector<16xi32> to vector<1xi32>
        %squeeze3A = vector.extract %slice3A[0] : i32 from vector<1xi32>
        %gt3A = arith.constant 0 : i32
        %gt3A_279 = arith.cmpi sgt, %squeeze3A, %gt3A : i32
        %convert_element_type3A_280 = arith.extui %gt3A_279 : i1 to i32
        %cond3A_281 = arith.constant 0 : i32
        %cond3A_282 = arith.cmpi ne, %convert_element_type3A_280, %cond3A_281 : i32
        scf.if %cond3A_282 {
          %sub3A_289 = arith.constant 1 : i32
          %sub3A_290 = vector.broadcast %sub3A_289 : i32 to vector<16xi32>
          %sub3A_291 = arith.subi %masked_cumsum3A, %sub3A_290 : vector<16xi32>
          tpu.vector_store_idx %arg14[%sub3A_291], %get3A_264 masked %and3A_276 : memref<32xi32, #tpu.memory_space<vmem>>[vector<16xi32>], vector<16xi32>, vector<16xi1>
          tpu.vector_store_idx %arg15[%sub3A_291], %get3A_259 masked %and3A_276 : memref<32xi32, #tpu.memory_space<vmem>>[vector<16xi32>], vector<16xi32>, vector<16xi1>
        } else {
        }
        %gt3A_283 = arith.constant 0 : i32
        %gt3A_284 = arith.cmpi sgt, %squeeze3A, %gt3A_283 : i32
        %convert_element_type3A_285 = arith.extui %gt3A_284 : i1 to i32
        %cond3A_286 = arith.constant 0 : i32
        %cond3A_287 = arith.cmpi ne, %convert_element_type3A_285, %cond3A_286 : i32
        %cond3A_288 = scf.if %cond3A_287 -> (i32) {
          %while3A_289 = arith.constant 0 : i32
          %while3A_290 = arith.subi %squeeze3A, %while3A_289 : i32
          %while3A_291 = arith.addi %while3A_289, %while3A_290 : i32
          %while3A_292 = arith.constant 1 : i32
          %while3A_293 = arith.divsi %while3A_290, %while3A_292 : i32
          %while3A_294 = arith.muli %while3A_293, %while3A_292 : i32
          %while3A_295 = arith.addi %while3A_289, %while3A_294 : i32
          %while3A_296 = arith.constant 1 : i32
          %while3A_297 = scf.for %while3A_300 = %while3A_289 to %while3A_295 step %while3A_296 iter_args(%while3A_301 = %while3A_255) -> (i32)  : i32 {
            %get3A_302 = arith.index_cast %while3A_300 : i32 to index
            %get3A_303 = tpu.vector_load %arg14[%get3A_302] {strides = array<i32>} : memref<32xi32, #tpu.memory_space<vmem>>, vector<16xi32>,
            %slice3A_304 = vector.extract_strided_slice %get3A_303 {offsets = [0], sizes = [1], strides = [1]} : vector<16xi32> to vector<1xi32>
            %squeeze3A_305 = vector.extract %slice3A_304[0] : i32 from vector<1xi32>
            %get3A_306 = arith.index_cast %while3A_300 : i32 to index
            %get3A_307 = tpu.vector_load %arg15[%get3A_306] {strides = array<i32>} : memref<32xi32, #tpu.memory_space<vmem>>, vector<16xi32>,
            %slice3A_308 = vector.extract_strided_slice %get3A_307 {offsets = [0], sizes = [1], strides = [1]} : vector<16xi32> to vector<1xi32>
            %squeeze3A_309 = vector.extract %slice3A_308[0] : i32 from vector<1xi32>
            %and3A_310 = arith.constant 511 : i32
            %and3A_311 = arith.andi %squeeze3A_309, %and3A_310 : i32
            %rem3A_312 = arith.constant 32 : i32
            %rem3A_313 = arith.remsi %while3A_301, %rem3A_312 : i32
            %ge3A = arith.constant 32 : i32
            %ge3A_314 = arith.cmpi sge, %while3A_301, %ge3A : i32
            %convert_element_type3A_315 = arith.extui %ge3A_314 : i1 to i32
            %cond3A_316 = arith.constant 0 : i32
            %cond3A_317 = arith.cmpi ne, %convert_element_type3A_315, %cond3A_316 : i32
            scf.if %cond3A_317 {
              %dma_wait3A_366 = arith.constant 0 : i32
              %dma_wait3A_367 = arith.constant 0 : i32
              %dma_wait3A_368 = arith.constant 0 : i32
              %dma_wait3A_369 = tpu.memref_slice %arg16[%dma_wait3A_367, %dma_wait3A_368] : memref<32x64xf32, #tpu.memory_space<vmem>> -> memref<1x64xf32, #tpu.memory_space<vmem>>
              %dma_wait3A_370 = tpu.memref_squeeze %dma_wait3A_369 : memref<1x64xf32, #tpu.memory_space<vmem>> -> memref<64xf32, #tpu.memory_space<vmem>>
              %dma_wait3A_371 = arith.constant 0 : i32
              %dma_wait3A_372 = tpu.memref_slice %arg7[%dma_wait3A_366, %dma_wait3A_371] : memref<16384x64xf32, #tpu.memory_space<hbm>> -> memref<1x64xf32, #tpu.memory_space<hbm>>
              %dma_wait3A_373 = tpu.memref_squeeze %dma_wait3A_372 : memref<1x64xf32, #tpu.memory_space<hbm>> -> memref<64xf32, #tpu.memory_space<hbm>>
              %dma_wait3A_374 = arith.constant 0 : i32
              %dma_wait3A_375 = tpu.memref_slice %arg16[%dma_wait3A_367, %dma_wait3A_374] : memref<32x64xf32, #tpu.memory_space<vmem>> -> memref<1x64xf32, #tpu.memory_space<vmem>>
              %dma_wait3A_376 = tpu.memref_squeeze %dma_wait3A_375 : memref<1x64xf32, #tpu.memory_space<vmem>> -> memref<64xf32, #tpu.memory_space<vmem>>
              %dma_wait3A_377 = arith.constant 0 : i32
              %dma_wait3A_378 = tpu.memref_slice %arg7[%dma_wait3A_366, %dma_wait3A_377] : memref<16384x64xf32, #tpu.memory_space<hbm>> -> memref<1x64xf32, #tpu.memory_space<hbm>>
              %dma_wait3A_379 = tpu.memref_squeeze %dma_wait3A_378 : memref<1x64xf32, #tpu.memory_space<hbm>> -> memref<64xf32, #tpu.memory_space<hbm>>
              tpu.wait_dma2 semaphore(%arg18 : memref<!tpu.dma_semaphore, #tpu.memory_space<semaphore_mem>>) src(%dma_wait3A_379 : memref<64xf32, #tpu.memory_space<hbm>>) dst(%dma_wait3A_376 : memref<64xf32, #tpu.memory_space<vmem>>)
            } else {
            }
            %broadcast_in_dim3A_318 = vector.broadcast %rem3A_184 : i32 to vector<16xi32>
            %add3A_319 = arith.constant 0 : i32
            %add3A_320 = vector.broadcast %add3A_319 : i32 to vector<16xi32>
            %add3A_321 = arith.addi %iota3A, %add3A_320 : vector<16xi32>
            %broadcast_in_dim3A_322 = vector.broadcast %and3A_311 : i32 to vector<16xi32>
            %gather3A = tpu.vector_load_idx %arg13[%broadcast_in_dim3A_318, %add3A_321, %broadcast_in_dim3A_322] : memref<3x64x512xf32, #tpu.memory_space<vmem>>[vector<16xi32>, vector<16xi32>, vector<16xi32>], vector<16xf32>,
            %swap3A = arith.index_cast %rem3A_313 : i32 to index
            %swap3A_323 = arith.constant 0 : index
            %swap3A_324 = tpu.vector_load %arg16[%swap3A, %swap3A_323] {strides = array<i32>} : memref<32x64xf32, #tpu.memory_space<vmem>>, vector<16xf32>,
            tpu.vector_store %arg16[%swap3A, %swap3A_323], %gather3A {strides = array<i32>} : memref<32x64xf32, #tpu.memory_space<vmem>>, vector<16xf32>,
            %broadcast_in_dim3A_325 = vector.broadcast %rem3A_184 : i32 to vector<16xi32>
            %add3A_326 = arith.constant 16 : i32
            %add3A_327 = vector.broadcast %add3A_326 : i32 to vector<16xi32>
            %add3A_328 = arith.addi %iota3A, %add3A_327 : vector<16xi32>
            %broadcast_in_dim3A_329 = vector.broadcast %and3A_311 : i32 to vector<16xi32>
            %gather3A_330 = tpu.vector_load_idx %arg13[%broadcast_in_dim3A_325, %add3A_328, %broadcast_in_dim3A_329] : memref<3x64x512xf32, #tpu.memory_space<vmem>>[vector<16xi32>, vector<16xi32>, vector<16xi32>], vector<16xf32>,
            %swap3A_331 = arith.index_cast %rem3A_313 : i32 to index
            %swap3A_332 = arith.constant 16 : index
            %swap3A_333 = tpu.vector_load %arg16[%swap3A_331, %swap3A_332] {strides = array<i32>} : memref<32x64xf32, #tpu.memory_space<vmem>>, vector<16xf32>,
            tpu.vector_store %arg16[%swap3A_331, %swap3A_332], %gather3A_330 {strides = array<i32>} : memref<32x64xf32, #tpu.memory_space<vmem>>, vector<16xf32>,
            %broadcast_in_dim3A_334 = vector.broadcast %rem3A_184 : i32 to vector<16xi32>
            %add3A_335 = arith.constant 32 : i32
            %add3A_336 = vector.broadcast %add3A_335 : i32 to vector<16xi32>
            %add3A_337 = arith.addi %iota3A, %add3A_336 : vector<16xi32>
            %broadcast_in_dim3A_338 = vector.broadcast %and3A_311 : i32 to vector<16xi32>
            %gather3A_339 = tpu.vector_load_idx %arg13[%broadcast_in_dim3A_334, %add3A_337, %broadcast_in_dim3A_338] : memref<3x64x512xf32, #tpu.memory_space<vmem>>[vector<16xi32>, vector<16xi32>, vector<16xi32>], vector<16xf32>,
            %swap3A_340 = arith.index_cast %rem3A_313 : i32 to index
            %swap3A_341 = arith.constant 32 : index
            %swap3A_342 = tpu.vector_load %arg16[%swap3A_340, %swap3A_341] {strides = array<i32>} : memref<32x64xf32, #tpu.memory_space<vmem>>, vector<16xf32>,
            tpu.vector_store %arg16[%swap3A_340, %swap3A_341], %gather3A_339 {strides = array<i32>} : memref<32x64xf32, #tpu.memory_space<vmem>>, vector<16xf32>,
            %broadcast_in_dim3A_343 = vector.broadcast %rem3A_184 : i32 to vector<16xi32>
            %add3A_344 = arith.constant 48 : i32
            %add3A_345 = vector.broadcast %add3A_344 : i32 to vector<16xi32>
            %add3A_346 = arith.addi %iota3A, %add3A_345 : vector<16xi32>
            %broadcast_in_dim3A_347 = vector.broadcast %and3A_311 : i32 to vector<16xi32>
            %gather3A_348 = tpu.vector_load_idx %arg13[%broadcast_in_dim3A_343, %add3A_346, %broadcast_in_dim3A_347] : memref<3x64x512xf32, #tpu.memory_space<vmem>>[vector<16xi32>, vector<16xi32>, vector<16xi32>], vector<16xf32>,
            %swap3A_349 = arith.index_cast %rem3A_313 : i32 to index
            %swap3A_350 = arith.constant 48 : index
            %swap3A_351 = tpu.vector_load %arg16[%swap3A_349, %swap3A_350] {strides = array<i32>} : memref<32x64xf32, #tpu.memory_space<vmem>>, vector<16xf32>,
            tpu.vector_store %arg16[%swap3A_349, %swap3A_350], %gather3A_348 {strides = array<i32>} : memref<32x64xf32, #tpu.memory_space<vmem>>, vector<16xf32>,
            %dma_start3A_352 = arith.constant 0 : i32
            %dma_start3A_353 = tpu.memref_slice %arg16[%rem3A_313, %dma_start3A_352] : memref<32x64xf32, #tpu.memory_space<vmem>> -> memref<1x64xf32, #tpu.memory_space<vmem>>
            %dma_start3A_354 = tpu.memref_squeeze %dma_start3A_353 : memref<1x64xf32, #tpu.memory_space<vmem>> -> memref<64xf32, #tpu.memory_space<vmem>>
            %dma_start3A_355 = arith.constant 0 : i32
            %dma_start3A_356 = tpu.memref_slice %arg7[%squeeze3A_305, %dma_start3A_355] : memref<16384x64xf32, #tpu.memory_space<hbm>> -> memref<1x64xf32, #tpu.memory_space<hbm>>
            %dma_start3A_357 = tpu.memref_squeeze %dma_start3A_356 : memref<1x64xf32, #tpu.memory_space<hbm>> -> memref<64xf32, #tpu.memory_space<hbm>>
            %dma_start3A_358 = arith.constant 0 : i32
            %dma_start3A_359 = tpu.memref_slice %arg7[%squeeze3A_305, %dma_start3A_358] : memref<16384x64xf32, #tpu.memory_space<hbm>> -> memref<1x64xf32, #tpu.memory_space<hbm>>
            %dma_start3A_360 = tpu.memref_squeeze %dma_start3A_359 : memref<1x64xf32, #tpu.memory_space<hbm>> -> memref<64xf32, #tpu.memory_space<hbm>>
            %dma_start3A_361 = arith.constant 0 : i32
            %dma_start3A_362 = tpu.memref_slice %arg16[%rem3A_313, %dma_start3A_361] : memref<32x64xf32, #tpu.memory_space<vmem>> -> memref<1x64xf32, #tpu.memory_space<vmem>>
            %dma_start3A_363 = tpu.memref_squeeze %dma_start3A_362 : memref<1x64xf32, #tpu.memory_space<vmem>> -> memref<64xf32, #tpu.memory_space<vmem>>
            tpu.enqueue_dma source(%dma_start3A_363 : memref<64xf32, #tpu.memory_space<vmem>>) target(%dma_start3A_360 : memref<64xf32, #tpu.memory_space<hbm>>) target_semaphore(%arg18 : memref<!tpu.dma_semaphore, #tpu.memory_space<semaphore_mem>>)
            %add3A_364 = arith.constant 1 : i32
            %add3A_365 = arith.addi %while3A_301, %add3A_364 : i32
            scf.yield %add3A_365 : i32
          }
          %while3A_298 = arith.constant 1 : i32
          %while3A_299 = scf.for %while3A_300 = %while3A_295 to %while3A_291 step %while3A_298 iter_args(%while3A_301 = %while3A_297) -> (i32)  : i32 {
            %get3A_302 = arith.index_cast %while3A_300 : i32 to index
            %get3A_303 = tpu.vector_load %arg14[%get3A_302] {strides = array<i32>} : memref<32xi32, #tpu.memory_space<vmem>>, vector<16xi32>,
            %slice3A_304 = vector.extract_strided_slice %get3A_303 {offsets = [0], sizes = [1], strides = [1]} : vector<16xi32> to vector<1xi32>
            %squeeze3A_305 = vector.extract %slice3A_304[0] : i32 from vector<1xi32>
            %get3A_306 = arith.index_cast %while3A_300 : i32 to index
            %get3A_307 = tpu.vector_load %arg15[%get3A_306] {strides = array<i32>} : memref<32xi32, #tpu.memory_space<vmem>>, vector<16xi32>,
            %slice3A_308 = vector.extract_strided_slice %get3A_307 {offsets = [0], sizes = [1], strides = [1]} : vector<16xi32> to vector<1xi32>
            %squeeze3A_309 = vector.extract %slice3A_308[0] : i32 from vector<1xi32>
            %and3A_310 = arith.constant 511 : i32
            %and3A_311 = arith.andi %squeeze3A_309, %and3A_310 : i32
            %rem3A_312 = arith.constant 32 : i32
            %rem3A_313 = arith.remsi %while3A_301, %rem3A_312 : i32
            %ge3A = arith.constant 32 : i32
            %ge3A_314 = arith.cmpi sge, %while3A_301, %ge3A : i32
            %convert_element_type3A_315 = arith.extui %ge3A_314 : i1 to i32
            %cond3A_316 = arith.constant 0 : i32
            %cond3A_317 = arith.cmpi ne, %convert_element_type3A_315, %cond3A_316 : i32
            scf.if %cond3A_317 {
              %dma_wait3A_366 = arith.constant 0 : i32
              %dma_wait3A_367 = arith.constant 0 : i32
              %dma_wait3A_368 = arith.constant 0 : i32
              %dma_wait3A_369 = tpu.memref_slice %arg16[%dma_wait3A_367, %dma_wait3A_368] : memref<32x64xf32, #tpu.memory_space<vmem>> -> memref<1x64xf32, #tpu.memory_space<vmem>>
              %dma_wait3A_370 = tpu.memref_squeeze %dma_wait3A_369 : memref<1x64xf32, #tpu.memory_space<vmem>> -> memref<64xf32, #tpu.memory_space<vmem>>
              %dma_wait3A_371 = arith.constant 0 : i32
              %dma_wait3A_372 = tpu.memref_slice %arg7[%dma_wait3A_366, %dma_wait3A_371] : memref<16384x64xf32, #tpu.memory_space<hbm>> -> memref<1x64xf32, #tpu.memory_space<hbm>>
              %dma_wait3A_373 = tpu.memref_squeeze %dma_wait3A_372 : memref<1x64xf32, #tpu.memory_space<hbm>> -> memref<64xf32, #tpu.memory_space<hbm>>
              %dma_wait3A_374 = arith.constant 0 : i32
              %dma_wait3A_375 = tpu.memref_slice %arg16[%dma_wait3A_367, %dma_wait3A_374] : memref<32x64xf32, #tpu.memory_space<vmem>> -> memref<1x64xf32, #tpu.memory_space<vmem>>
              %dma_wait3A_376 = tpu.memref_squeeze %dma_wait3A_375 : memref<1x64xf32, #tpu.memory_space<vmem>> -> memref<64xf32, #tpu.memory_space<vmem>>
              %dma_wait3A_377 = arith.constant 0 : i32
              %dma_wait3A_378 = tpu.memref_slice %arg7[%dma_wait3A_366, %dma_wait3A_377] : memref<16384x64xf32, #tpu.memory_space<hbm>> -> memref<1x64xf32, #tpu.memory_space<hbm>>
              %dma_wait3A_379 = tpu.memref_squeeze %dma_wait3A_378 : memref<1x64xf32, #tpu.memory_space<hbm>> -> memref<64xf32, #tpu.memory_space<hbm>>
              tpu.wait_dma2 semaphore(%arg18 : memref<!tpu.dma_semaphore, #tpu.memory_space<semaphore_mem>>) src(%dma_wait3A_379 : memref<64xf32, #tpu.memory_space<hbm>>) dst(%dma_wait3A_376 : memref<64xf32, #tpu.memory_space<vmem>>)
            } else {
            }
            %broadcast_in_dim3A_318 = vector.broadcast %rem3A_184 : i32 to vector<16xi32>
            %add3A_319 = arith.constant 0 : i32
            %add3A_320 = vector.broadcast %add3A_319 : i32 to vector<16xi32>
            %add3A_321 = arith.addi %iota3A, %add3A_320 : vector<16xi32>
            %broadcast_in_dim3A_322 = vector.broadcast %and3A_311 : i32 to vector<16xi32>
            %gather3A = tpu.vector_load_idx %arg13[%broadcast_in_dim3A_318, %add3A_321, %broadcast_in_dim3A_322] : memref<3x64x512xf32, #tpu.memory_space<vmem>>[vector<16xi32>, vector<16xi32>, vector<16xi32>], vector<16xf32>,
            %swap3A = arith.index_cast %rem3A_313 : i32 to index
            %swap3A_323 = arith.constant 0 : index
            %swap3A_324 = tpu.vector_load %arg16[%swap3A, %swap3A_323] {strides = array<i32>} : memref<32x64xf32, #tpu.memory_space<vmem>>, vector<16xf32>,
            tpu.vector_store %arg16[%swap3A, %swap3A_323], %gather3A {strides = array<i32>} : memref<32x64xf32, #tpu.memory_space<vmem>>, vector<16xf32>,
            %broadcast_in_dim3A_325 = vector.broadcast %rem3A_184 : i32 to vector<16xi32>
            %add3A_326 = arith.constant 16 : i32
            %add3A_327 = vector.broadcast %add3A_326 : i32 to vector<16xi32>
            %add3A_328 = arith.addi %iota3A, %add3A_327 : vector<16xi32>
            %broadcast_in_dim3A_329 = vector.broadcast %and3A_311 : i32 to vector<16xi32>
            %gather3A_330 = tpu.vector_load_idx %arg13[%broadcast_in_dim3A_325, %add3A_328, %broadcast_in_dim3A_329] : memref<3x64x512xf32, #tpu.memory_space<vmem>>[vector<16xi32>, vector<16xi32>, vector<16xi32>], vector<16xf32>,
            %swap3A_331 = arith.index_cast %rem3A_313 : i32 to index
            %swap3A_332 = arith.constant 16 : index
            %swap3A_333 = tpu.vector_load %arg16[%swap3A_331, %swap3A_332] {strides = array<i32>} : memref<32x64xf32, #tpu.memory_space<vmem>>, vector<16xf32>,
            tpu.vector_store %arg16[%swap3A_331, %swap3A_332], %gather3A_330 {strides = array<i32>} : memref<32x64xf32, #tpu.memory_space<vmem>>, vector<16xf32>,
            %broadcast_in_dim3A_334 = vector.broadcast %rem3A_184 : i32 to vector<16xi32>
            %add3A_335 = arith.constant 32 : i32
            %add3A_336 = vector.broadcast %add3A_335 : i32 to vector<16xi32>
            %add3A_337 = arith.addi %iota3A, %add3A_336 : vector<16xi32>
            %broadcast_in_dim3A_338 = vector.broadcast %and3A_311 : i32 to vector<16xi32>
            %gather3A_339 = tpu.vector_load_idx %arg13[%broadcast_in_dim3A_334, %add3A_337, %broadcast_in_dim3A_338] : memref<3x64x512xf32, #tpu.memory_space<vmem>>[vector<16xi32>, vector<16xi32>, vector<16xi32>], vector<16xf32>,
            %swap3A_340 = arith.index_cast %rem3A_313 : i32 to index
            %swap3A_341 = arith.constant 32 : index
            %swap3A_342 = tpu.vector_load %arg16[%swap3A_340, %swap3A_341] {strides = array<i32>} : memref<32x64xf32, #tpu.memory_space<vmem>>, vector<16xf32>,
            tpu.vector_store %arg16[%swap3A_340, %swap3A_341], %gather3A_339 {strides = array<i32>} : memref<32x64xf32, #tpu.memory_space<vmem>>, vector<16xf32>,
            %broadcast_in_dim3A_343 = vector.broadcast %rem3A_184 : i32 to vector<16xi32>
            %add3A_344 = arith.constant 48 : i32
            %add3A_345 = vector.broadcast %add3A_344 : i32 to vector<16xi32>
            %add3A_346 = arith.addi %iota3A, %add3A_345 : vector<16xi32>
            %broadcast_in_dim3A_347 = vector.broadcast %and3A_311 : i32 to vector<16xi32>
            %gather3A_348 = tpu.vector_load_idx %arg13[%broadcast_in_dim3A_343, %add3A_346, %broadcast_in_dim3A_347] : memref<3x64x512xf32, #tpu.memory_space<vmem>>[vector<16xi32>, vector<16xi32>, vector<16xi32>], vector<16xf32>,
            %swap3A_349 = arith.index_cast %rem3A_313 : i32 to index
            %swap3A_350 = arith.constant 48 : index
            %swap3A_351 = tpu.vector_load %arg16[%swap3A_349, %swap3A_350] {strides = array<i32>} : memref<32x64xf32, #tpu.memory_space<vmem>>, vector<16xf32>,
            tpu.vector_store %arg16[%swap3A_349, %swap3A_350], %gather3A_348 {strides = array<i32>} : memref<32x64xf32, #tpu.memory_space<vmem>>, vector<16xf32>,
            %dma_start3A_352 = arith.constant 0 : i32
            %dma_start3A_353 = tpu.memref_slice %arg16[%rem3A_313, %dma_start3A_352] : memref<32x64xf32, #tpu.memory_space<vmem>> -> memref<1x64xf32, #tpu.memory_space<vmem>>
            %dma_start3A_354 = tpu.memref_squeeze %dma_start3A_353 : memref<1x64xf32, #tpu.memory_space<vmem>> -> memref<64xf32, #tpu.memory_space<vmem>>
            %dma_start3A_355 = arith.constant 0 : i32
            %dma_start3A_356 = tpu.memref_slice %arg7[%squeeze3A_305, %dma_start3A_355] : memref<16384x64xf32, #tpu.memory_space<hbm>> -> memref<1x64xf32, #tpu.memory_space<hbm>>
            %dma_start3A_357 = tpu.memref_squeeze %dma_start3A_356 : memref<1x64xf32, #tpu.memory_space<hbm>> -> memref<64xf32, #tpu.memory_space<hbm>>
            %dma_start3A_358 = arith.constant 0 : i32
            %dma_start3A_359 = tpu.memref_slice %arg7[%squeeze3A_305, %dma_start3A_358] : memref<16384x64xf32, #tpu.memory_space<hbm>> -> memref<1x64xf32, #tpu.memory_space<hbm>>
            %dma_start3A_360 = tpu.memref_squeeze %dma_start3A_359 : memref<1x64xf32, #tpu.memory_space<hbm>> -> memref<64xf32, #tpu.memory_space<hbm>>
            %dma_start3A_361 = arith.constant 0 : i32
            %dma_start3A_362 = tpu.memref_slice %arg16[%rem3A_313, %dma_start3A_361] : memref<32x64xf32, #tpu.memory_space<vmem>> -> memref<1x64xf32, #tpu.memory_space<vmem>>
            %dma_start3A_363 = tpu.memref_squeeze %dma_start3A_362 : memref<1x64xf32, #tpu.memory_space<vmem>> -> memref<64xf32, #tpu.memory_space<vmem>>
            tpu.enqueue_dma source(%dma_start3A_363 : memref<64xf32, #tpu.memory_space<vmem>>) target(%dma_start3A_360 : memref<64xf32, #tpu.memory_space<hbm>>) target_semaphore(%arg18 : memref<!tpu.dma_semaphore, #tpu.memory_space<semaphore_mem>>)
            %add3A_364 = arith.constant 1 : i32
            %add3A_365 = arith.addi %while3A_301, %add3A_364 : i32
            scf.yield %add3A_365 : i32
          }
          scf.yield %while3A_299 : i32
        } else {
          scf.yield %while3A_255 : i32
        }
        scf.yield %cond3A_288 : i32
      }
      scf.yield %while3A_253 : i32
    }
    %scan3A_169 = arith.constant 61 : i32
    %min3A = arith.constant 32 : i32
    %min3A_170 = arith.minsi %scan3A_168, %min3A : i32
    %while3A_171 = arith.constant 0 : i32
    %while3A_172 = arith.constant 0 : i32
    %while3A_173 = arith.subi %min3A_170, %while3A_172 : i32
    %while3A_174 = arith.addi %while3A_172, %while3A_173 : i32
    %while3A_175 = arith.constant 1 : i32
    %while3A_176 = arith.divsi %while3A_173, %while3A_175 : i32
    %while3A_177 = arith.muli %while3A_176, %while3A_175 : i32
    %while3A_178 = arith.addi %while3A_172, %while3A_177 : i32
    %while3A_179 = arith.constant 1 : i32
    scf.for %while3A_181 = %while3A_172 to %while3A_178 step %while3A_179  : i32 {
      %dma_wait3A = arith.constant 0 : i32
      %dma_wait3A_182 = arith.constant 0 : i32
      %dma_wait3A_183 = arith.constant 0 : i32
      %dma_wait3A_184 = tpu.memref_slice %arg16[%dma_wait3A_182, %dma_wait3A_183] : memref<32x64xf32, #tpu.memory_space<vmem>> -> memref<1x64xf32, #tpu.memory_space<vmem>>
      %dma_wait3A_185 = tpu.memref_squeeze %dma_wait3A_184 : memref<1x64xf32, #tpu.memory_space<vmem>> -> memref<64xf32, #tpu.memory_space<vmem>>
      %dma_wait3A_186 = arith.constant 0 : i32
      %dma_wait3A_187 = tpu.memref_slice %arg6[%dma_wait3A, %dma_wait3A_186] : memref<16384x64xf32, #tpu.memory_space<hbm>> -> memref<1x64xf32, #tpu.memory_space<hbm>>
      %dma_wait3A_188 = tpu.memref_squeeze %dma_wait3A_187 : memref<1x64xf32, #tpu.memory_space<hbm>> -> memref<64xf32, #tpu.memory_space<hbm>>
      %dma_wait3A_189 = arith.constant 0 : i32
      %dma_wait3A_190 = tpu.memref_slice %arg16[%dma_wait3A_182, %dma_wait3A_189] : memref<32x64xf32, #tpu.memory_space<vmem>> -> memref<1x64xf32, #tpu.memory_space<vmem>>
      %dma_wait3A_191 = tpu.memref_squeeze %dma_wait3A_190 : memref<1x64xf32, #tpu.memory_space<vmem>> -> memref<64xf32, #tpu.memory_space<vmem>>
      %dma_wait3A_192 = arith.constant 0 : i32
      %dma_wait3A_193 = tpu.memref_slice %arg6[%dma_wait3A, %dma_wait3A_192] : memref<16384x64xf32, #tpu.memory_space<hbm>> -> memref<1x64xf32, #tpu.memory_space<hbm>>
      %dma_wait3A_194 = tpu.memref_squeeze %dma_wait3A_193 : memref<1x64xf32, #tpu.memory_space<hbm>> -> memref<64xf32, #tpu.memory_space<hbm>>
      tpu.wait_dma2 semaphore(%arg18 : memref<!tpu.dma_semaphore, #tpu.memory_space<semaphore_mem>>) src(%dma_wait3A_194 : memref<64xf32, #tpu.memory_space<hbm>>) dst(%dma_wait3A_191 : memref<64xf32, #tpu.memory_space<vmem>>)
    }
    %while3A_180 = arith.constant 1 : i32
    scf.for %while3A_181 = %while3A_178 to %while3A_174 step %while3A_180  : i32 {
      %dma_wait3A = arith.constant 0 : i32
      %dma_wait3A_182 = arith.constant 0 : i32
      %dma_wait3A_183 = arith.constant 0 : i32
      %dma_wait3A_184 = tpu.memref_slice %arg16[%dma_wait3A_182, %dma_wait3A_183] : memref<32x64xf32, #tpu.memory_space<vmem>> -> memref<1x64xf32, #tpu.memory_space<vmem>>
      %dma_wait3A_185 = tpu.memref_squeeze %dma_wait3A_184 : memref<1x64xf32, #tpu.memory_space<vmem>> -> memref<64xf32, #tpu.memory_space<vmem>>
      %dma_wait3A_186 = arith.constant 0 : i32
      %dma_wait3A_187 = tpu.memref_slice %arg6[%dma_wait3A, %dma_wait3A_186] : memref<16384x64xf32, #tpu.memory_space<hbm>> -> memref<1x64xf32, #tpu.memory_space<hbm>>
      %dma_wait3A_188 = tpu.memref_squeeze %dma_wait3A_187 : memref<1x64xf32, #tpu.memory_space<hbm>> -> memref<64xf32, #tpu.memory_space<hbm>>
      %dma_wait3A_189 = arith.constant 0 : i32
      %dma_wait3A_190 = tpu.memref_slice %arg16[%dma_wait3A_182, %dma_wait3A_189] : memref<32x64xf32, #tpu.memory_space<vmem>> -> memref<1x64xf32, #tpu.memory_space<vmem>>
      %dma_wait3A_191 = tpu.memref_squeeze %dma_wait3A_190 : memref<1x64xf32, #tpu.memory_space<vmem>> -> memref<64xf32, #tpu.memory_space<vmem>>
      %dma_wait3A_192 = arith.constant 0 : i32
      %dma_wait3A_193 = tpu.memref_slice %arg6[%dma_wait3A, %dma_wait3A_192] : memref<16384x64xf32, #tpu.memory_space<hbm>> -> memref<1x64xf32, #tpu.memory_space<hbm>>
      %dma_wait3A_194 = tpu.memref_squeeze %dma_wait3A_193 : memref<1x64xf32, #tpu.memory_space<hbm>> -> memref<64xf32, #tpu.memory_space<hbm>>
      tpu.wait_dma2 semaphore(%arg18 : memref<!tpu.dma_semaphore, #tpu.memory_space<semaphore_mem>>) src(%dma_wait3A_194 : memref<64xf32, #tpu.memory_space<hbm>>) dst(%dma_wait3A_191 : memref<64xf32, #tpu.memory_space<vmem>>)
    }
    return
  }
}

module attributes {stable_mosaic.version = 14 : i64} {
  func.func @_mlp_body(%arg0: i32, %arg1: memref<2048xi32, #tpu.memory_space<vmem>>, %arg2: memref<2048xi32, #tpu.memory_space<vmem>>, %arg3: memref<2048x64xf32, #tpu.memory_space<vmem>>, %arg4: memref<2048x64xf32, #tpu.memory_space<vmem>>, %arg5: memref<576x64xf32, #tpu.memory_space<vmem>>, %arg6: memref<576x64xf32, #tpu.memory_space<vmem>>, %arg7: memref<128x1xf32, #tpu.memory_space<vmem>>, %arg8: memref<128x64xf32, #tpu.memory_space<vmem>>, %arg9: memref<64x32xf32, #tpu.memory_space<vmem>>, %arg10: memref<32x1xf32, #tpu.memory_space<vmem>>, %arg11: memref<1x64xf32, #tpu.memory_space<vmem>>, %arg12: memref<1x32xf32, #tpu.memory_space<vmem>>, %arg13: memref<1x3xf32, #tpu.memory_space<vmem>>, %arg14: memref<2048x1xf32, #tpu.memory_space<vmem>>) attributes {dimension_semantics = [#tpu.dimension_semantics<arbitrary>], iteration_bounds = array<i64: 8>, scalar_prefetch = 0 : i64, scratch_operands = 0 : i64, tpu.core_type = #tpu.core_type<tc>, window_params = [{transform_indices = @transform_0, window_bounds = array<i64: 2048>}, {transform_indices = @transform_1, window_bounds = array<i64: 2048>}, {transform_indices = @transform_2, window_bounds = array<i64: 2048, 64>}, {transform_indices = @transform_3, window_bounds = array<i64: 2048, 64>}, {pipeline_mode = #tpu.pipeline_mode<synchronous>, transform_indices = @transform_4, window_bounds = array<i64: 576, 64>}, {pipeline_mode = #tpu.pipeline_mode<synchronous>, transform_indices = @transform_5, window_bounds = array<i64: 576, 64>}, {pipeline_mode = #tpu.pipeline_mode<synchronous>, transform_indices = @transform_6, window_bounds = array<i64: 128, 1>}, {pipeline_mode = #tpu.pipeline_mode<synchronous>, transform_indices = @transform_7, window_bounds = array<i64: 128, 64>}, {pipeline_mode = #tpu.pipeline_mode<synchronous>, transform_indices = @transform_8, window_bounds = array<i64: 64, 32>}, {pipeline_mode = #tpu.pipeline_mode<synchronous>, transform_indices = @transform_9, window_bounds = array<i64: 32, 1>}, {pipeline_mode = #tpu.pipeline_mode<synchronous>, transform_indices = @transform_10, window_bounds = array<i64: 1, 64>}, {pipeline_mode = #tpu.pipeline_mode<synchronous>, transform_indices = @transform_11, window_bounds = array<i64: 1, 32>}, {pipeline_mode = #tpu.pipeline_mode<synchronous>, transform_indices = @transform_12, window_bounds = array<i64: 1, 3>}, {transform_indices = @transform_13, window_bounds = array<i64: 2048, 1>}]} {
    %get3A = arith.constant 0 : index
    %get3A_0 = vector.load %arg1[%get3A] : memref<2048xi32, #tpu.memory_space<vmem>>, vector<2048xi32>
    %reshape3A = vector.shape_cast %get3A_0 : vector<2048xi32> to vector<2048x1xi32>
    %get3A_1 = arith.constant 0 : index
    %get3A_2 = vector.load %arg2[%get3A_1] : memref<2048xi32, #tpu.memory_space<vmem>>, vector<2048xi32>
    %reshape3A_3 = vector.shape_cast %get3A_2 : vector<2048xi32> to vector<2048x1xi32>
    %iota3A = tpu.iota {dimensions = array<i32: 1>} : vector<2048x576xi32>
    %sub3A = arith.constant 999424 : i32
    %sub3A_4 = vector.broadcast %sub3A : i32 to vector<2048x1xi32>
    %sub3A_5 = arith.subi %reshape3A, %sub3A_4 : vector<2048x1xi32>
    %eq3A = vector.broadcast %sub3A_5 : vector<2048x1xi32> to vector<2048x576xi32>
    %eq3A_6 = arith.cmpi eq, %eq3A, %iota3A : vector<2048x576xi32>
    %convert_element_type3A = arith.extui %eq3A_6 : vector<2048x576xi1> to vector<2048x576xi32>
    %convert_element_type3A_7 = arith.sitofp %convert_element_type3A : vector<2048x576xi32> to vector<2048x576xf32>
    %sub3A_8 = arith.constant 999424 : i32
    %sub3A_9 = vector.broadcast %sub3A_8 : i32 to vector<2048x1xi32>
    %sub3A_10 = arith.subi %reshape3A_3, %sub3A_9 : vector<2048x1xi32>
    %eq3A_11 = vector.broadcast %sub3A_10 : vector<2048x1xi32> to vector<2048x576xi32>
    %eq3A_12 = arith.cmpi eq, %eq3A_11, %iota3A : vector<2048x576xi32>
    %convert_element_type3A_13 = arith.extui %eq3A_12 : vector<2048x576xi1> to vector<2048x576xi32>
    %convert_element_type3A_14 = arith.sitofp %convert_element_type3A_13 : vector<2048x576xi32> to vector<2048x576xf32>
    %ge3A = arith.constant 999424 : i32
    %ge3A_15 = vector.broadcast %ge3A : i32 to vector<2048x1xi32>
    %ge3A_16 = arith.cmpi sge, %reshape3A, %ge3A_15 : vector<2048x1xi32>
    %convert_element_type3A_17 = arith.extui %ge3A_16 : vector<2048x1xi1> to vector<2048x1xi32>
    %convert_element_type3A_18 = arith.sitofp %convert_element_type3A_17 : vector<2048x1xi32> to vector<2048x1xf32>
    %ge3A_19 = arith.constant 999424 : i32
    %ge3A_20 = vector.broadcast %ge3A_19 : i32 to vector<2048x1xi32>
    %ge3A_21 = arith.cmpi sge, %reshape3A_3, %ge3A_20 : vector<2048x1xi32>
    %convert_element_type3A_22 = arith.extui %ge3A_21 : vector<2048x1xi1> to vector<2048x1xi32>
    %convert_element_type3A_23 = arith.sitofp %convert_element_type3A_22 : vector<2048x1xi32> to vector<2048x1xf32>
    %get3A_24 = arith.constant 0 : index
    %get3A_25 = arith.constant 0 : index
    %get3A_26 = vector.load %arg3[%get3A_24, %get3A_25] : memref<2048x64xf32, #tpu.memory_space<vmem>>, vector<2048x64xf32>
    %sub3A_27 = arith.constant 1.000000e+00 : f32
    %sub3A_28 = vector.broadcast %sub3A_27 : f32 to vector<2048x1xf32>
    %sub3A_29 = arith.subf %sub3A_28, %convert_element_type3A_18 : vector<2048x1xf32>
    %mul3A = vector.broadcast %sub3A_29 : vector<2048x1xf32> to vector<2048x64xf32>
    %mul3A_30 = arith.mulf %get3A_26, %mul3A : vector<2048x64xf32>
    %get3A_31 = arith.constant 0 : index
    %get3A_32 = arith.constant 0 : index
    %get3A_33 = vector.load %arg5[%get3A_31, %get3A_32] : memref<576x64xf32, #tpu.memory_space<vmem>>, vector<576x64xf32>
    %dot_general3A = arith.constant dense<0.000000e+00> : vector<2048x64xf32>
    %dot_general3A_34 = tpu.matmul %convert_element_type3A_7, %get3A_33, %dot_general3A {dimension_numbers = #tpu.dot_dimension_numbers<[1], [0], [0], [1], [0, 0, 1, 1], [], []>, transpose_lhs_hint = false} : vector<2048x576xf32>, vector<576x64xf32>, vector<2048x64xf32> -> vector<2048x64xf32>
    %add3A = arith.addf %mul3A_30, %dot_general3A_34 : vector<2048x64xf32>
    %get3A_35 = arith.constant 0 : index
    %get3A_36 = arith.constant 0 : index
    %get3A_37 = vector.load %arg4[%get3A_35, %get3A_36] : memref<2048x64xf32, #tpu.memory_space<vmem>>, vector<2048x64xf32>
    %sub3A_38 = arith.constant 1.000000e+00 : f32
    %sub3A_39 = vector.broadcast %sub3A_38 : f32 to vector<2048x1xf32>
    %sub3A_40 = arith.subf %sub3A_39, %convert_element_type3A_23 : vector<2048x1xf32>
    %mul3A_41 = vector.broadcast %sub3A_40 : vector<2048x1xf32> to vector<2048x64xf32>
    %mul3A_42 = arith.mulf %get3A_37, %mul3A_41 : vector<2048x64xf32>
    %get3A_43 = arith.constant 0 : index
    %get3A_44 = arith.constant 0 : index
    %get3A_45 = vector.load %arg6[%get3A_43, %get3A_44] : memref<576x64xf32, #tpu.memory_space<vmem>>, vector<576x64xf32>
    %dot_general3A_46 = arith.constant dense<0.000000e+00> : vector<2048x64xf32>
    %dot_general3A_47 = tpu.matmul %convert_element_type3A_14, %get3A_45, %dot_general3A_46 {dimension_numbers = #tpu.dot_dimension_numbers<[1], [0], [0], [1], [0, 0, 1, 1], [], []>, transpose_lhs_hint = false} : vector<2048x576xf32>, vector<576x64xf32>, vector<2048x64xf32> -> vector<2048x64xf32>
    %add3A_48 = arith.addf %mul3A_42, %dot_general3A_47 : vector<2048x64xf32>
    %get3A_49 = arith.constant 0 : index
    %get3A_50 = arith.constant 0 : index
    %get3A_51 = vector.load %arg8[%get3A_49, %get3A_50] : memref<128x64xf32, #tpu.memory_space<vmem>>, vector<128x64xf32>
    %slice3A = vector.extract_strided_slice %get3A_51 {offsets = [0, 0], sizes = [64, 64], strides = [1, 1]} : vector<128x64xf32> to vector<64x64xf32>
    %dot_general3A_52 = arith.constant dense<0.000000e+00> : vector<2048x64xf32>
    %dot_general3A_53 = tpu.matmul %add3A, %slice3A, %dot_general3A_52 {dimension_numbers = #tpu.dot_dimension_numbers<[1], [0], [0], [1], [0, 0, 1, 1], [], []>, transpose_lhs_hint = false} : vector<2048x64xf32>, vector<64x64xf32>, vector<2048x64xf32> -> vector<2048x64xf32>
    %slice3A_54 = vector.extract_strided_slice %get3A_51 {offsets = [64, 0], sizes = [64, 64], strides = [1, 1]} : vector<128x64xf32> to vector<64x64xf32>
    %dot_general3A_55 = arith.constant dense<0.000000e+00> : vector<2048x64xf32>
    %dot_general3A_56 = tpu.matmul %add3A_48, %slice3A_54, %dot_general3A_55 {dimension_numbers = #tpu.dot_dimension_numbers<[1], [0], [0], [1], [0, 0, 1, 1], [], []>, transpose_lhs_hint = false} : vector<2048x64xf32>, vector<64x64xf32>, vector<2048x64xf32> -> vector<2048x64xf32>
    %add3A_57 = arith.addf %dot_general3A_53, %dot_general3A_56 : vector<2048x64xf32>
    %get3A_58 = arith.constant 0 : index
    %get3A_59 = arith.constant 0 : index
    %get3A_60 = vector.load %arg11[%get3A_58, %get3A_59] : memref<1x64xf32, #tpu.memory_space<vmem>>, vector<1x64xf32>
    %add3A_61 = vector.broadcast %get3A_60 : vector<1x64xf32> to vector<2048x64xf32>
    %add3A_62 = arith.addf %add3A_57, %add3A_61 : vector<2048x64xf32>
    %max3A = arith.constant 0.000000e+00 : f32
    %max3A_63 = vector.broadcast %max3A : f32 to vector<2048x64xf32>
    %max3A_64 = arith.maximumf %add3A_62, %max3A_63 : vector<2048x64xf32>
    %get3A_65 = arith.constant 0 : index
    %get3A_66 = arith.constant 0 : index
    %get3A_67 = vector.load %arg9[%get3A_65, %get3A_66] : memref<64x32xf32, #tpu.memory_space<vmem>>, vector<64x32xf32>
    %dot_general3A_68 = arith.constant dense<0.000000e+00> : vector<2048x32xf32>
    %dot_general3A_69 = tpu.matmul %max3A_64, %get3A_67, %dot_general3A_68 {dimension_numbers = #tpu.dot_dimension_numbers<[1], [0], [0], [1], [0, 0, 1, 1], [], []>, transpose_lhs_hint = false} : vector<2048x64xf32>, vector<64x32xf32>, vector<2048x32xf32> -> vector<2048x32xf32>
    %get3A_70 = arith.constant 0 : index
    %get3A_71 = arith.constant 0 : index
    %get3A_72 = vector.load %arg12[%get3A_70, %get3A_71] : memref<1x32xf32, #tpu.memory_space<vmem>>, vector<1x32xf32>
    %add3A_73 = vector.broadcast %get3A_72 : vector<1x32xf32> to vector<2048x32xf32>
    %add3A_74 = arith.addf %dot_general3A_69, %add3A_73 : vector<2048x32xf32>
    %max3A_75 = arith.constant 0.000000e+00 : f32
    %max3A_76 = vector.broadcast %max3A_75 : f32 to vector<2048x32xf32>
    %max3A_77 = arith.maximumf %add3A_74, %max3A_76 : vector<2048x32xf32>
    %get3A_78 = arith.constant 0 : index
    %get3A_79 = arith.constant 0 : index
    %get3A_80 = vector.load %arg10[%get3A_78, %get3A_79] : memref<32x1xf32, #tpu.memory_space<vmem>>, vector<32x1xf32>
    %dot_general3A_81 = arith.constant dense<0.000000e+00> : vector<2048x1xf32>
    %dot_general3A_82 = tpu.matmul %max3A_77, %get3A_80, %dot_general3A_81 {dimension_numbers = #tpu.dot_dimension_numbers<[1], [0], [0], [1], [0, 0, 1, 1], [], []>, transpose_lhs_hint = false} : vector<2048x32xf32>, vector<32x1xf32>, vector<2048x1xf32> -> vector<2048x1xf32>
    %get3A_83 = arith.constant 0 : index
    %get3A_84 = arith.constant 0 : index
    %get3A_85 = vector.load %arg7[%get3A_83, %get3A_84] : memref<128x1xf32, #tpu.memory_space<vmem>>, vector<128x1xf32>
    %slice3A_86 = vector.extract_strided_slice %get3A_85 {offsets = [0, 0], sizes = [64, 1], strides = [1, 1]} : vector<128x1xf32> to vector<64x1xf32>
    %dot_general3A_87 = arith.constant dense<0.000000e+00> : vector<2048x1xf32>
    %dot_general3A_88 = tpu.matmul %add3A, %slice3A_86, %dot_general3A_87 {dimension_numbers = #tpu.dot_dimension_numbers<[1], [0], [0], [1], [0, 0, 1, 1], [], []>, transpose_lhs_hint = false} : vector<2048x64xf32>, vector<64x1xf32>, vector<2048x1xf32> -> vector<2048x1xf32>
    %slice3A_89 = vector.extract_strided_slice %get3A_85 {offsets = [64, 0], sizes = [64, 1], strides = [1, 1]} : vector<128x1xf32> to vector<64x1xf32>
    %dot_general3A_90 = arith.constant dense<0.000000e+00> : vector<2048x1xf32>
    %dot_general3A_91 = tpu.matmul %add3A_48, %slice3A_89, %dot_general3A_90 {dimension_numbers = #tpu.dot_dimension_numbers<[1], [0], [0], [1], [0, 0, 1, 1], [], []>, transpose_lhs_hint = false} : vector<2048x64xf32>, vector<64x1xf32>, vector<2048x1xf32> -> vector<2048x1xf32>
    %add3A_92 = arith.addf %dot_general3A_88, %dot_general3A_91 : vector<2048x1xf32>
    %get3A_93 = arith.constant 0 : index
    %get3A_94 = arith.constant 0 : index
    %get3A_95 = vector.load %arg13[%get3A_93, %get3A_94] : memref<1x3xf32, #tpu.memory_space<vmem>>, vector<1x1xf32>
    %get3A_96 = vector.extract %get3A_95[0, 0] : f32 from vector<1x1xf32>
    %get3A_97 = arith.constant 0 : index
    %get3A_98 = arith.constant 1 : index
    %get3A_99 = vector.load %arg13[%get3A_97, %get3A_98] : memref<1x3xf32, #tpu.memory_space<vmem>>, vector<1x1xf32>
    %get3A_100 = vector.extract %get3A_99[0, 0] : f32 from vector<1x1xf32>
    %get3A_101 = arith.constant 0 : index
    %get3A_102 = arith.constant 2 : index
    %get3A_103 = vector.load %arg13[%get3A_101, %get3A_102] : memref<1x3xf32, #tpu.memory_space<vmem>>, vector<1x1xf32>
    %get3A_104 = vector.extract %get3A_103[0, 0] : f32 from vector<1x1xf32>
    %logistic3A = arith.negf %get3A_104 : f32
    %logistic3A_105 = math.exp %logistic3A : f32
    %logistic3A_106 = arith.constant 1.000000e+00 : f32
    %logistic3A_107 = arith.addf %logistic3A_106, %logistic3A_105 : f32
    %logistic3A_108 = arith.divf %logistic3A_106, %logistic3A_107 : f32
    %add3A_109 = vector.broadcast %get3A_96 : f32 to vector<2048x1xf32>
    %add3A_110 = arith.addf %add3A_92, %add3A_109 : vector<2048x1xf32>
    %mul3A_111 = vector.broadcast %logistic3A_108 : f32 to vector<2048x1xf32>
    %mul3A_112 = arith.mulf %mul3A_111, %add3A_110 : vector<2048x1xf32>
    %sub3A_113 = arith.constant 1.000000e+00 : f32
    %sub3A_114 = arith.subf %sub3A_113, %logistic3A_108 : f32
    %add3A_115 = vector.broadcast %get3A_100 : f32 to vector<2048x1xf32>
    %add3A_116 = arith.addf %dot_general3A_82, %add3A_115 : vector<2048x1xf32>
    %mul3A_117 = vector.broadcast %sub3A_114 : f32 to vector<2048x1xf32>
    %mul3A_118 = arith.mulf %mul3A_117, %add3A_116 : vector<2048x1xf32>
    %add3A_119 = arith.addf %mul3A_112, %mul3A_118 : vector<2048x1xf32>
    %swap3A = arith.constant 0 : index
    %swap3A_120 = arith.constant 0 : index
    %swap3A_121 = vector.load %arg14[%swap3A, %swap3A_120] : memref<2048x1xf32, #tpu.memory_space<vmem>>, vector<2048x1xf32>
    tpu.vector_store %arg14[%swap3A, %swap3A_120], %add3A_119 {strides = array<i32>} : memref<2048x1xf32, #tpu.memory_space<vmem>>, vector<2048x1xf32>,
    return
  }
  func.func @transform_0(%arg0: i32) -> i32 {
    %c0_i32 = arith.constant 0 : i32
    return %arg0 : i32
  }
  func.func @transform_1(%arg0: i32) -> i32 {
    %c0_i32 = arith.constant 0 : i32
    return %arg0 : i32
  }
  func.func @transform_2(%arg0: i32) -> (i32, i32) {
    %c0_i32 = arith.constant 0 : i32
    %c0_i32_0 = arith.constant 0 : i32
    return %arg0, %c0_i32 : i32, i32
  }
  func.func @transform_3(%arg0: i32) -> (i32, i32) {
    %c0_i32 = arith.constant 0 : i32
    %c0_i32_0 = arith.constant 0 : i32
    return %arg0, %c0_i32 : i32, i32
  }
  func.func @transform_4(%arg0: i32) -> (i32, i32) {
    %c0_i32 = arith.constant 0 : i32
    %c0_i32_0 = arith.constant 0 : i32
    %c0_i32_1 = arith.constant 0 : i32
    return %c0_i32, %c0_i32_0 : i32, i32
  }
  func.func @transform_5(%arg0: i32) -> (i32, i32) {
    %c0_i32 = arith.constant 0 : i32
    %c0_i32_0 = arith.constant 0 : i32
    %c0_i32_1 = arith.constant 0 : i32
    return %c0_i32, %c0_i32_0 : i32, i32
  }
  func.func @transform_6(%arg0: i32) -> (i32, i32) {
    %c0_i32 = arith.constant 0 : i32
    %c0_i32_0 = arith.constant 0 : i32
    %c0_i32_1 = arith.constant 0 : i32
    return %c0_i32, %c0_i32_0 : i32, i32
  }
  func.func @transform_7(%arg0: i32) -> (i32, i32) {
    %c0_i32 = arith.constant 0 : i32
    %c0_i32_0 = arith.constant 0 : i32
    %c0_i32_1 = arith.constant 0 : i32
    return %c0_i32, %c0_i32_0 : i32, i32
  }
  func.func @transform_8(%arg0: i32) -> (i32, i32) {
    %c0_i32 = arith.constant 0 : i32
    %c0_i32_0 = arith.constant 0 : i32
    %c0_i32_1 = arith.constant 0 : i32
    return %c0_i32, %c0_i32_0 : i32, i32
  }
  func.func @transform_9(%arg0: i32) -> (i32, i32) {
    %c0_i32 = arith.constant 0 : i32
    %c0_i32_0 = arith.constant 0 : i32
    %c0_i32_1 = arith.constant 0 : i32
    return %c0_i32, %c0_i32_0 : i32, i32
  }
  func.func @transform_10(%arg0: i32) -> (i32, i32) {
    %c0_i32 = arith.constant 0 : i32
    %c0_i32_0 = arith.constant 0 : i32
    %c0_i32_1 = arith.constant 0 : i32
    return %c0_i32, %c0_i32_0 : i32, i32
  }
  func.func @transform_11(%arg0: i32) -> (i32, i32) {
    %c0_i32 = arith.constant 0 : i32
    %c0_i32_0 = arith.constant 0 : i32
    %c0_i32_1 = arith.constant 0 : i32
    return %c0_i32, %c0_i32_0 : i32, i32
  }
  func.func @transform_12(%arg0: i32) -> (i32, i32) {
    %c0_i32 = arith.constant 0 : i32
    %c0_i32_0 = arith.constant 0 : i32
    %c0_i32_1 = arith.constant 0 : i32
    return %c0_i32, %c0_i32_0 : i32, i32
  }
  func.func @transform_13(%arg0: i32) -> (i32, i32) {
    %c0_i32 = arith.constant 0 : i32
    %c0_i32_0 = arith.constant 0 : i32
    return %arg0, %c0_i32 : i32, i32
  }
}

</mosaic_0001>

<sc_bundles>
// kernel: kernel.4.cloned.1.call-start
scs
__scs_entry_jumppad:
0x0: {  	(pc) =	sbr.rel $0x88, $3  }
0x1: {  	(tag) =	ssettag $0x0;
	lr =	simm.s32 $0x1  }
0x2: {  	[smem:$0x3F94] =	sst lr;
	_ =	strace $0xD0000000  }
0x3: {  	_ = 	snop  }
0x4: {  	_ = 	snop  }
0x5: {  	_ = 	snop  }
0x6: {  	_ = 	snop  }
0x7: {  	_ = 	snop  }
__scs_overlays_trampoline_lowered:
0x8: {  	[smem:$0x3FA3] =	sst s0  }
0x9: {  	[smem:$0x3FA4] =	sst s1  }
0xa: {  	[smem:$0x3FA5] =	sst s2  }
0xb: {  	[smem:$0x3FA6] =	sst s3  }
0xc: {  	[smem:$0x3FA7] =	sst s4  }
0xd: {  	[smem:$0x3FA8] =	sst s5  }
0xe: {  	[smem:$0x3FA9] =	sst s6  }
0xf: {  	[smem:$0x3FAA] =	sst s7  }
0x10: {  	[smem:$0x3FAB] =	sst s8  }
0x11: {  	[smem:$0x3FAC] =	sst s9;
	s0 =	simm.s32 @!p0 $0x0  }
0x12: {  	s1 =	sld [smem:$0x3F92];
	s0 =	simm.s32 @p0 $0x1  }
0x13: {  	[smem:$0x3FAD] =	sst s0;
	s0 =	simm.s32 @!p1 $0x0  }
0x14: {  	s2 =	sld [smem:$0x3F91];
	s0 =	simm.s32 @p1 $0x1  }
0x15: {  	[smem:$0x3FAE] =	sst s0;
	s0 =	simm.s32 @!p2 $0x0  }
0x16: {  	s3 =	sld [smem:$0x3FDB];
	s0 =	simm.s32 @p2 $0x1  }
0x17: {  	s4 =	simm.s32 $0x1BF5;
	[smem:$0x3FB0] =	sst s0  }
0x18: {  	s0 =	sld [smem:$0x3F93];
	_ =	swait.ge [sflag:s4], $0x0  }
0x19: {  	s7 =	sld [smem:$0x3F94]  }
0x1a: {  	s8 =	sadd.s32 $0xFFFFE003, lr  }
0x1b: {  	s9 =	sadd.s32 $0xFFFFFEF7, lr;
	s5 =	simm.s32 $0xFFFFFFFF;
	p2 =	slt.u32 s8, $0xFFFFF086  }
0x1c: {  	p1 =	slt.u32 s9, $0xF7A;
	s5 =	simm.s32 @!p2 $0x0  }
0x1d: {  	s5 =	simm.s32 @p1 $0x1;
	p0 =	seq.s32 s7, s2  }
0x1e: {  	s7 =	smul.u32 @!p0 $0xF7A, s2;
	p2 =	seq.s32 @!p0 s5, $0x0  }
0x1f: {  	s9 =	smul.u32 $0xF7A, s1;
	s8 =	simm.s32 @!p0 $0x1BF5;
	p2 =	por !p2, p0  }
0x20: {  	[sflag:s8] =	ssyncset.s32 @!p0 $0xFFFFF086;
	s6 =	sadd.s32 @!p0 s3, s7;
	s7 =	simm.s32 @!p0 $0x108  }
0x21: {  	s3 =	sadd.s32 s3, s9;
	s6 =	sadd.s32 @!p0 $0x88, s6;
	s7 =	simm.s32 @p2 $0x1082  }
0x22: {  	[simem:s7], [sflag:s8] =	dma.local @!p0 [hbm:s6], $0xF7A  }
0x23: {  	s9 =	sor.u32 $0xD0000000, s2;
	s6 =	simm.s32 $0x108;
	_ =	swait.ge @!p0 [sflag:s8], $0x0  }
0x24: {  	s3 =	sadd.s32 $0x88, s3;
	s6 =	simm.s32 @!p1 $0x1082;
	[sflag:s4] =	ssyncset.s32 $0xFFFFF086  }
0x25: {  	[simem:s6], [sflag:s4] =	dma.local [hbm:s3], $0xF7A  }
0x26: {  	[smem:$0x3F94] =	sst s1;
	(tag) =	ssettag s2;
	_ =	strace s9  }
0x27: {  	s1 =	sld [smem:$0x3FA4]  }
0x28: {  	s2 =	sld [smem:$0x3FA5]  }
0x29: {  	s4 =	sld [smem:$0x3FA7]  }
0x2a: {  	p0 =	seq.s32 s5, $0x0;
	s5 =	sld [smem:$0x3FA8]  }
0x2b: {  	s6 =	sld [smem:$0x3FA9]  }
0x2c: {  	s7 =	sld [smem:$0x3FAA]  }
0x2d: {  	s3 =	simm.s32 $0x108;
	s8 =	sld [smem:$0x3FAB]  }
0x2e: {  	s3 =	simm.s32 @!p0 $0x1082;
	s9 =	sld [smem:$0x3FAC]  }
0x2f: {  	lr =	sadd.s32 s0, s3;
	s0 =	sld [smem:$0x3FA3]  }
0x30: {  	s3 =	sld [smem:$0x3FA6]  }
0x31: {  	[smem:$0x3FAF] =	sst s10  }
0x32: {  	s10 =	sld [smem:$0x3FAD];
	_ =	sdelay $0x3  }
0x33: {  	p0 =	seq.s32 s10, $0x1;
	s10 =	sld [smem:$0x3FAF];
	_ =	sdelay $0x3  }
0x34: {  	[smem:$0x3FAF] =	sst s10  }
0x35: {  	s10 =	sld [smem:$0x3FAE];
	_ =	sdelay $0x3  }
0x36: {  	p1 =	seq.s32 s10, $0x1;
	s10 =	sld [smem:$0x3FAF];
	_ =	sdelay $0x3  }
0x37: {  	[smem:$0x3FAF] =	sst s10  }
0x38: {  	s10 =	sld [smem:$0x3FB0]  }
0x39: {  	_ = 	snop;
	(pc) =	sbr.ind lr, $3  }
0x3a: {  	_ = 	snop  }
0x3b: {  	_ = 	snop  }
0x3c: {  	p2 =	seq.s32 s10, $0x1;
	s10 =	sld [smem:$0x3FAF]  }
0x3d: {  	_ =	shalt  }
0x3e: {  	_ =	shalt  }
0x3f: {  	_ =	shalt  }
0x40: {  	_ =	shalt  }
0x41: {  	_ =	shalt  }
0x42: {  	_ =	shalt  }
0x43: {  	_ =	shalt  }
0x44: {  	_ =	shalt  }
0x45: {  	_ =	shalt  }
0x46: {  	_ =	shalt  }
0x47: {  	_ =	shalt  }
0x48: {  	_ =	shalt  }
0x49: {  	_ =	shalt  }
0x4a: {  	_ =	shalt  }
0x4b: {  	_ =	shalt  }
0x4c: {  	_ =	shalt  }
0x4d: {  	_ =	shalt  }
0x4e: {  	_ =	shalt  }
0x4f: {  	_ =	shalt  }
0x50: {  	_ =	shalt  }
0x51: {  	_ =	shalt  }
0x52: {  	_ =	shalt  }
0x53: {  	_ =	shalt  }
0x54: {  	_ =	shalt  }
0x55: {  	_ =	shalt  }
0x56: {  	_ =	shalt  }
0x57: {  	_ =	shalt  }
0x58: {  	_ =	shalt  }
0x59: {  	_ =	shalt  }
0x5a: {  	_ =	shalt  }
0x5b: {  	_ =	shalt  }
0x5c: {  	_ =	shalt  }
0x5d: {  	_ =	shalt  }
0x5e: {  	_ =	shalt  }
0x5f: {  	_ =	shalt  }
0x60: {  	_ =	shalt  }
0x61: {  	_ =	shalt  }
0x62: {  	_ =	shalt  }
0x63: {  	_ =	shalt  }
0x64: {  	_ =	shalt  }
0x65: {  	_ =	shalt  }
0x66: {  	_ =	shalt  }
0x67: {  	_ =	shalt  }
0x68: {  	_ =	shalt  }
0x69: {  	_ =	shalt  }
0x6a: {  	_ =	shalt  }
0x6b: {  	_ =	shalt  }
0x6c: {  	_ =	shalt  }
0x6d: {  	_ =	shalt  }
0x6e: {  	_ =	shalt  }
0x6f: {  	_ =	shalt  }
0x70: {  	_ =	shalt  }
0x71: {  	_ =	shalt  }
0x72: {  	_ =	shalt  }
0x73: {  	_ =	shalt  }
0x74: {  	_ =	shalt  }
0x75: {  	_ =	shalt  }
0x76: {  	_ =	shalt  }
0x77: {  	_ =	shalt  }
0x78: {  	_ =	shalt  }
0x79: {  	_ =	shalt  }
0x7a: {  	_ =	shalt  }
0x7b: {  	_ =	shalt  }
0x7c: {  	_ =	shalt  }
0x7d: {  	_ =	shalt  }
0x7e: {  	_ =	shalt  }
0x7f: {  	_ =	shalt  }
0x80: {  	_ =	shalt  }
0x81: {  	_ =	shalt  }
0x82: {  	_ =	shalt  }
0x83: {  	_ =	shalt  }
0x84: {  	_ =	shalt  }
0x85: {  	_ =	shalt  }
0x86: {  	_ =	shalt  }
0x87: {  	_ =	shalt  }
.Lfunc_end0:
.L_simem_size_0:
called_computation_lowered:
.L_overlay_start_0:
0x88: {  	s2 =	sld [smem:$0x3FD9]  }
0x89: {  	s3 =	sld [smem:$0x3FFE];
	_ =	sdelay $0x1  }
0x8a: {  	s1 =	srdreg.scid  }
0x8b: {  	s0 =	sand.u32 $0x1, s1  }
0x8c: {  	s17 =	sshll.u32 s0, $0xA;
	s2 =	sadd.s32 s3, s2  }
0x8d: {  	s2 =	sadd.s32 s2, s17  }
0x8e: {  	[smem:$0x3FBB] =	sst s2  }
0x8f: {  	_ = 	snop  }
0x90: {  	s2 =	sld [smem:$0x3FC9]  }
0x91: {  	s18 =	sld [smem:$0x3FC8]  }
0x92: {  	s4 =	sld [smem:$0x3FC7]  }
0x93: {  	s5 =	sld [smem:$0x3FC6];
	(tm) =	ssettm $0x1  }
0x94: {  	s6 =	sld [smem:$0x3FFB];
	_ =	sdelay $0x3  }
0x95: {  	_ =	strace s6  }
0x96: {  	s6 =	sld [smem:$0x3FFC];
	_ =	sdelay $0x3  }
0x97: {  	_ =	strace s6  }
0x98: {  	s6 =	sld [smem:$0x3FFD];
	_ =	sdelay $0x3  }
0x99: {  	_ =	strace s6  }
0x9a: {  	_ =	strace $0x8FFFFFFF  }
0x9b: {  	s19 =	sld [smem:$0x3FDB];
	_ =	sdelay $0x1  }
0x9c: {  	s7 =	simm.s32 $_scs_section_size  }
0x9d: {  	s8 =	simm.s32 $_size__tile_overlayer_lowered;
	s9 =	simm.s32 $_tile_overlayer_lowered  }
0x9e: {  	s22 =	simm.s32 $0x1BFF;
	s21 =	sshll.u32 s9, $0x1;
	s6 =	sadd.s32 s7, s19  }
0x9f: {  	s10 =	simm.s32 $0x0;
	s20 =	sshll.u32 s8, $0x1;
	s8 =	sadd.s32 s21, s6  }
0xa0: {  	[timem:s10], [sflag:s22] =	dma.local [hbm:s8], s20  }
0xa1: {  	_ =	swait.ge [sflag:s22], s20  }
0xa2: {  	s7 =	ssub.s32 $0x0, s20;
	[sflag:s22] =	ssyncset.done $0x0  }
0xa3: {  	[sflag:s22] =	ssyncadd.s32 s7;
	_ =	sdelay $0x1  }
0xa4: {  	s23 =	simm.s32 $0x1B8B  }
0xa5: {  	_ =	swait.ge [sflag:s23], $0x1  }
0xa6: {  	[sflag:s23] =	ssyncset.done $0x0  }
0xa7: {  	s25 =	simm.s32 $0x1B8E;
	s24 =	sld [smem:$0x3FFE];
	[sflag:s23] =	ssyncadd.s32 $0xFFFFFFFF  }
0xa8: {  	s26 =	simm.s32 $execute0_lowered;
	[smem:$0x3FD2] =	sst s25  }
0xa9: {  	s8 =	sshll.u32 s26, $0x1;
	_ =	strace $0x80000046;
	[dreg:$0x1] =	wrdreg $0xFFFFFFFF  }
0xaa: {  	s28 =	simm.s32 $_size_execute0_lowered;
	s6 =	sadd.s32 s6, s8;
	[dreg:$0x0] =	wrdreg $0x0  }
0xab: {  	s8 =	sshll.u32 s28, $0x1;
	[dreg:$0x2] =	wrdreg s6  }
0xac: {  	[dreg:$0x3] =	wrdreg s8  }
0xad: {  	[dreg:$0x4] =	wrdreg $0xC0  }
0xae: {  	_ =	task [dreg:s10], $0x5FFFF  }
0xaf: {  	[dreg:$0x1] =	wrdreg $0xFFFFFFFF  }
0xb0: {  	[dreg:$0x0] =	wrdreg $0x60  }
0xb1: {  	[dreg:$0x2] =	wrdreg s2  }
0xb2: {  	[dreg:$0x3] =	wrdreg s18  }
0xb3: {  	[dreg:$0x4] =	wrdreg s4  }
0xb4: {  	[dreg:$0x5] =	wrdreg s5  }
0xb5: {  	[dreg:$0x6] =	wrdreg s24  }
0xb6: {  	[dreg:$0x7] =	wrdreg $0x9  }
0xb7: {  	_ =	task.clear_ibuf [dreg:s10], $0x8FFFF;
	_ =	strace $0x90000046  }
0xb8: {  	s29 =	simm.s32 $0x9;
	_ =	strace $0x80000048  }
0xb9: {  	_ =	swait.ge [sflag:s29], $0x1  }
0xba: {  	[sflag:s29] =	ssyncadd.s32 $0xFFFFFFFF  }
0xbb: {  	_ =	strace $0x90000048  }
0xbc: {  	_ =	sfence  }
0xbd: {  	s30 =	sld [smem:$0x0];
	_ =	sdelay $0x2  }
0xbe: {  	s31 =	sshll.u32 s1, $0xD;
	s1 =	sshrl.u32 s1, $0x2  }
0xbf: {  	s3 =	sand.u32 $0x4000, s31;
	s1 =	sadd.s32 s1, s30  }
0xc0: {  	s0 =	sor.u32 s3, s0;
	s1 =	sshll.u32 s1, $0x11  }
0xc1: {  	s0 =	sor.u32 s1, s0  }
0xc2: {  	s0 =	sadd.s32 $0x8F2B, s0  }
0xc3: {  	[sflag:s0] =	ssyncadd.remote.s32 $0x1  }
0xc4: {  	_ =	sfence.sel $0xFFFF  }
0xc5: {  	[dreg:$0x0] =	wrdreg $0xFFFFFFFF;
	(pc) =	sbr.abs _section_cstart, $3  }
0xc6: {  	[dreg:$0x1] =	wrdreg $0xFFFFFFFF  }
0xc7: {  	_ =	task.clear_ibuf [dreg:s10], $0x2FFFF;
	_ =	strace $0x9FFFFFFF  }
0xc8: {  	(tm) =	ssettm $0x7FFFFFFF  }
0xc9: {  	_ =	shalt  }
tec
execute0_lowered:
.L_overlay_start_1:
0x0: {  	(tag) =	ssettag $0x1  }
0x1: {  	v0 =	vimm.s32 $0x1380  }
0x2: {  	vm14 =	vcmask $0x300;
	vm13 =	vcmask $0x704;
	vm12 =	vcmask $0xB08  }
0x3: {  	vm11 =	vcmask $0xF0C;
	vm10 =	vcmask $0x1310;
	vm9 =	vcmask $0x1714  }
0x4: {  	vm8 =	vcmask $0x1B18;
	vm7 =	vcmask $0x1F1C;
	vm6 =	vcmask $0x2320  }
0x5: {  	vm5 =	vcmask $0x2724;
	vm4 =	vcmask $0x2B28;
	vm3 =	vcmask $0x2F2C  }
0x6: {  	vm2 =	vcmask $0x3330;
	vm1 =	vcmask $0x3734;
	vm0 =	vcmask $0x3B38  }
0x7: {  	v2 =	vimm.s32 $0x0;
	v4 =	vimm.s32 $0x3380;
	v5 =	vimm.s32 $0x5380  }
0x8: {  	v6 =	vimm.s32 $0x7380;
	v0 =	vsel vm14, $0x0, v0;
	v4 =	vsel vm14, $0x2000, v4  }
0x9: {  	v5 =	vsel vm14, $0x4000, v5;
	v6 =	vsel vm14, $0x6000, v6;
	v0 =	vsel vm13, $0x80, v0  }
0xa: {  	v4 =	vsel vm13, $0x2080, v4;
	v5 =	vsel vm13, $0x4080, v5;
	v6 =	vsel vm13, $0x6080, v6  }
0xb: {  	v0 =	vsel vm12, $0x100, v0;
	v4 =	vsel vm12, $0x2100, v4;
	v5 =	vsel vm12, $0x4100, v5  }
0xc: {  	v6 =	vsel vm12, $0x6100, v6;
	v0 =	vsel vm11, $0x180, v0;
	v4 =	vsel vm11, $0x2180, v4  }
0xd: {  	v5 =	vsel vm11, $0x4180, v5;
	v6 =	vsel vm11, $0x6180, v6;
	v0 =	vsel vm10, $0x200, v0  }
0xe: {  	v4 =	vsel vm10, $0x2200, v4;
	v5 =	vsel vm10, $0x4200, v5;
	v6 =	vsel vm10, $0x6200, v6  }
0xf: {  	v0 =	vsel vm9, $0x280, v0;
	v4 =	vsel vm9, $0x2280, v4;
	v5 =	vsel vm9, $0x4280, v5  }
0x10: {  	s2 =	rddreg [dreg:$0x2];
	v6 =	vsel vm9, $0x6280, v6;
	v0 =	vsel vm8, $0x300, v0;
	v4 =	vsel vm8, $0x2300, v4  }
0x11: {  	s0 =	srdreg.scid;
	s3 =	rddreg [dreg:$0x3];
	v5 =	vsel vm8, $0x4300, v5;
	v6 =	vsel vm8, $0x6300, v6;
	v0 =	vsel vm7, $0x380, v0  }
0x12: {  	s1 =	stileid.u32;
	s4 =	rddreg [dreg:$0x4];
	s5 =	simm.s32 $0x0;
	v4 =	vsel vm7, $0x2380, v4;
	v5 =	vsel vm7, $0x4380, v5;
	v6 =	vsel vm7, $0x6380, v6  }
0x13: {  	s13 =	simm.s32 $0x3;
	s14 =	simm.s32 $0x4000;
	s15 =	simm.s32 $0x4480;
	v0 =	vsel vm6, $0x1000, v0;
	v4 =	vsel vm6, $0x3000, v4;
	v5 =	vsel vm6, $0x5000, v5  }
0x14: {  	s16 =	simm.s32 $0x1000;
	s17 =	simm.s32 $0x1;
	s18 =	simm.s32 $0x7A1400;
	v6 =	vsel vm6, $0x7000, v6;
	v0 =	vsel vm5, $0x1080, v0;
	v4 =	vsel vm5, $0x3080, v4  }
0x15: {  	s19 =	simm.s32 $0x5500;
	s0 =	sand.u32 $0x1, s0;
	s1 =	sshll.u32 s1, $0x1;
	v5 =	vsel vm5, $0x5080, v5;
	v6 =	vsel vm5, $0x7080, v6;
	v0 =	vsel vm4, $0x1100, v0  }
0x16: {  	s21 =	simm.s32 $0x2;
	s22 =	simm.s32 $0x0;
	s1 =	sor.u32 s0, s1;
	v4 =	vsel vm4, $0x3100, v4;
	v5 =	vsel vm4, $0x5100, v5;
	v6 =	vsel vm4, $0x7100, v6  }
0x17: {  	[smem:$0x7FF] =	sst s5;
	s0 =	ssub.s32 $0x2, s0;
	s9 =	sshll.u32 s1, $0x9;
	v0 =	vsel vm3, $0x1180, v0;
	v4 =	vsel vm3, $0x3180, v4;
	v5 =	vsel vm3, $0x5180, v5  }
.Ltmp0:
0x18: {  	s8 =	sshrl.u32 s0, $0x1;
	s30 =	sor.u32 $0x4000, s9;
	v6 =	vsel vm3, $0x7180, v6;
	v1 =	vsel vm2, $0x1200, v0;
	v0 =	vmov s1;
	(pc) =	sbr.rel .LBB2_1-.Ltmp0, $4  }
0x19: {  	s0 =	ssub.s32 s0, s8;
	s8 =	sadd.s32 s2, s9;
	s2 =	sadd.s32 s2, s30;
	v4 =	vsel vm2, $0x3200, v4;
	v5 =	vsel vm2, $0x5200, v5;
	v6 =	vsel vm2, $0x7200, v6  }
0x1a: {  	_ =	strace $0x80000047;
	s31 =	sadd.s32 s3, s30;
	[dreg:$0x6] =	wrdreg s2;
	v3 =	vsel vm1, $0x1280, v1;
	v1 =	vlaneseq.u32;
	v4 =	vsel vm1, $0x3280, v4  }
0x1b: {  	s6 =	sadd.s32 $0x1A00, s4;
	s0 =	smax.u32 s0, $0x1;
	[dreg:$0x7] =	wrdreg s31;
	v5 =	vsel vm1, $0x5280, v5;
	v6 =	vsel vm1, $0x7280, v6;
	v3 =	vsel vm0, $0x1300, v3  }
0x1c: {  	s7 =	sadd.s32 $0x41A00, s4;
	s10 =	sadd.s32 s3, s9;
	[dreg:$0x8] =	wrdreg s0;
	v4 =	vsel vm0, $0x3300, v4;
	v5 =	vsel vm0, $0x5300, v5;
	v6 =	vsel vm0, $0x7300, v6  }
.LBB2_42:
0x1d: {  	[sflag:s21] =	ssyncadd.s32 $0xFFFFFF80  }
.LBB2_43:
0x1e: {  	s22 =	sadd.s32 $0x1, s22;
	s0 =	rddreg [dreg:$0x8]  }
0x1f: {  	p0 =	sne.s32 s22, s0  }
.Ltmp1:
0x20: {  	_ = 	snop;
	(pc) =	sbr.rel @!p0 .LBB2_44-.Ltmp1, $1  }
0x21: {  	_ =	sdelay $0x3  }
.LBB2_1:
0x22: {  	s0 =	rddreg [dreg:$0x0]  }
0x23: {  	[tilespmem:s5], [sflag:$0x3] =	stream.linear.gather [hbm4b:s0+s5], $0x4000, $0x38;
	[tilespmem:$0x1E600] =	vst v63  }
0x24: {  	_ =	swait.ge [sflag:s13], $0x4000  }
0x25: {  	[sflag:s13] =	ssyncset.done $0x0  }
0x26: {  	[sflag:s13] =	ssyncadd.s32 $0xFFFFC000  }
0x27: {  	v7 =	vld [tilespmem:s5+$0x0];
	_ =	sdelay $0x4  }
0x28: {  	vm0 =	vgt.s32 v7, $0xF3FFF  }
0x29: {  	v7 =	vsel vm0, $0x0, v7  }
0x2a: {  	v8 =	vshrl.u32 v7, $0x9  }
0x2b: {  	v8 =	vand.u32 $0x1F, v8  }
0x2c: {  	vm15 =	veq.s32 v8, v0  }
0x2d: {  	v8 =	vsel vm15, $0x1, v2  }
0x2e: {  	(xrf0) =	vadd.scan.msk.s32 $0xffff, v8;
	_ =	sdelay $0x2  }
0x2f: {  	v8 =	vmov s5  }
0x30: {  	v8 =	vadd.s32 $0xFFFFFFFF, v8  }
0x31: {  	v8 =	vbroadcast v8, $0x0  }
0x32: {  	v9, _, _ =	vpop (xrf0)  }
0x33: {  	v8 =	vadd.s32 v9, v8;
	(v2sf) =	vpush v9, $0xF;
	_ =	sdelay $0x3  }
0x34: {  	v10 =	vor.u32 s5, v1  }
0x35: {  	[tilespmem:v8+s14+$0x0] =	vst.idx.msk vm15, v10  }
0x36: {  	s0 =	simm.s32 $0x10;
	[tilespmem:v8+s15+$0x0] =	vst.idx.msk vm15, v7  }
0x37: {  	s3 =	simm.s32 $0x20;
	s2 =	simm.s32 $0x0;
	s4 =	simm.s32 $0x10;
	v7 =	vld [tilespmem:s0+$0x0]  }
.LBB2_2:
0x38: {  	p0 =	sne.s32 s3, $0x3FF0;
	_ =	sdelay $0x3  }
0x39: {  	vm0 =	vgt.s32 v7, $0xF3FFF  }
0x3a: {  	v7 =	vsel vm0, $0x0, v7  }
0x3b: {  	v8 =	vshrl.u32 v7, $0x9  }
0x3c: {  	v8 =	vand.u32 $0x1F, v8;
	s9 =	spop (v2sf)  }
0x3d: {  	vm0 =	veq.s32 v8, v0;
	s2 =	sadd.s32 s2, s9  }
0x3e: {  	v8 =	vsel vm0, $0x1, v2;
	v9 =	vmov s2  }
0x3f: {  	v9 =	vadd.s32 $0xFFFFFFFF, v9;
	(xrf0) =	vadd.scan.msk.s32 $0xffff, v8  }
0x40: {  	v8 =	vbroadcast v9, $0x0;
	_ =	sdelay $0x4  }
0x41: {  	v9, _, _ =	vpop (xrf0)  }
0x42: {  	v8 =	vadd.s32 v9, v8;
	(v2sf) =	vpush v9, $0xF;
	_ =	sdelay $0x2  }
.Ltmp2:
0x43: {  	(pc) =	sbr.rel @p0 .LBB2_2-.Ltmp2, $4  }
0x44: {  	v9 =	vor.u32 s0, v1;
	s0 =	smov.u32 s3  }
0x45: {  	[tilespmem:v8+s14+$0x0] =	vst.idx.msk vm0, v9  }
0x46: {  	s4 =	sadd.s32 $0x10, s4;
	[tilespmem:v8+s15+$0x0] =	vst.idx.msk vm0, v7  }
0x47: {  	s3 =	sadd.s32 $0x10, s3;
	v7 =	vld [tilespmem:s4+$0x0]  }
0x48: {  	_ =	sdelay $0x3  }
0x49: {  	vm0 =	vgt.s32 v7, $0xF3FFF  }
0x4a: {  	v7 =	vsel vm0, $0x0, v7  }
0x4b: {  	v8 =	vshrl.u32 v7, $0x9  }
0x4c: {  	v8 =	vand.u32 $0x1F, v8  }
0x4d: {  	vm15 =	veq.s32 v8, v0  }
0x4e: {  	v8 =	vsel vm15, $0x1, v2  }
0x4f: {  	(xrf0) =	vadd.scan.msk.s32 $0xffff, v8;
	_ =	sdelay $0x5  }
0x50: {  	v8, _, _ =	vpop (xrf0)  }
0x51: {  	(v2sf) =	vpush v8, $0xF;
	_ =	sdelay $0xd  }
0x52: {  	s3 =	spop (v2sf)  }
0x53: {  	s2 =	sadd.s32 s2, s3;
	s30 =	spop (v2sf)  }
0x54: {  	v9 =	vmov s2;
	s2 =	sadd.s32 s2, s30  }
0x55: {  	s3 =	sadd.s32 $0xF, s2  }
0x56: {  	s4 =	sand.u32 $0xF, s3  }
0x57: {  	s9 =	sshra.s32 s3, $0x1F;
	p0 =	slt.s32 s3, $0x1;
	p1 =	sne.s32 s4, $0x0  }
0x58: {  	v9 =	vadd.s32 $0xFFFFFFFF, v9;
	s31 =	sshrl.u32 s9, $0x1C;
	p0 =	por !p0, !p1  }
0x59: {  	v9 =	vbroadcast v9, $0x0;
	s4 =	simm.s32 $0x1;
	s3 =	sadd.s32 s31, s3;
	p0 =	por !p0, !p0  }
0x5a: {  	s3 =	sshra.s32 s3, $0x4;
	s4 =	simm.s32 @!p0 $0x0  }
0x5b: {  	v63 =	vor.u32 s0, v1;
	v8 =	vadd.s32 v8, v9;
	s0 =	ssub.s32 s3, s4  }
0x5c: {  	p0 =	slt.s32 s0, $0x1  }
.Ltmp3:
0x5d: {  	_ = 	snop;
	(pc) =	sbr.rel @p0 .LBB2_11-.Ltmp3, $3  }
0x5e: {  	_ =	sdelay $0x1  }
0x5f: {  	s23 =	simm.s32 $0x0;
	s25 =	simm.s32 $0x0;
	[tilespmem:v8+s14+$0x0] =	vst.idx.msk vm15, v63  }
0x60: {  	s26 =	simm.s32 $0x0;
	s24 =	simm.s32 $0x0;
	s28 =	simm.s32 $0x0;
	[tilespmem:v8+s15+$0x0] =	vst.idx.msk vm15, v7  }
0x61: {  	p1 =	sne.s32 s0, $0x1  }
.Ltmp4:
0x62: {  	_ = 	snop;
	(pc) =	sbr.rel @!p1 .LBB2_5-.Ltmp4, $4  }
0x63: {  	_ = 	snop  }
0x64: {  	s24 =	simm.s32 $0x0  }
0x65: {  	v7 =	vmov s2;
	s31 =	simm.s32 $0x4480;
	v8 =	vor.u32 s24, v1  }
0x66: {  	s11 =	simm.s32 $0x4000;
	s3 =	sadd.s32 $0xFFFFFFFF, s0;
	p0 =	por $0x0, $0x0;
	vm0 =	vlt.s32 v8, v7  }
0x67: {  	v8 =	vld [tilespmem:s31+$0x0];
	_ =	sdelay $0x2  }
0x68: {  	p1 =	sne.s32 s3, $0x1  }
.Ltmp5:
0x69: {  	s31 =	simm.s32 $0x4490;
	(pc) =	sbr.rel @!p1 .LBB2_7-.Ltmp5, $4  }
0x6a: {  	s2 =	simm.s32 $0x4010;
	s0 =	simm.s32 $0x10;
	s3 =	sadd.s32 $0xFFFFFFFF, s3;
	v9 =	vshra.s32 v8, $0x9  }
0x6b: {  	p0 =	por $0x1, $0x1;
	s9 =	simm.s32 $0x4490;
	s20 =	simm.s32 $0x4010;
	v10 =	vor.u32 s0, v1;
	v9 =	vsub.s32 v9, v0  }
0x6c: {  	vm1 =	vmmov vm0;
	s25 =	simm.s32 $0x0;
	s4 =	simm.s32 $0x0;
	s29 =	simm.s32 $0x0;
	vm0 =	vlt.s32 v10, v7;
	v10 =	vshra.s32 v9, $0x9  }
0x6d: {  	s28 =	simm.s32 $0x0;
	s26 =	simm.s32 $0x0;
	s30 =	simm.s32 $0x0;
	v9 =	vld [tilespmem:s11+$0x0];
	vm4 =	veq.s32 v10, $0x0;
	vm3 =	veq.s32 v10, $0x1;
	vm2 =	veq.s32 v10, $0x2  }
.LBB2_8:
0x6e: {  	s9 =	sadd.s32 $0x10, s9;
	s20 =	sadd.s32 $0x10, s20;
	s0 =	sadd.s32 $0x10, s0;
	vm4 =	vmand vm1, vm4;
	vm5 =	veq.s32 v10, $0x3  }
0x6f: {  	p1 =	sne.s32 s3, $0x1;
	s3 =	sadd.s32 $0xFFFFFFFF, s3;
	vm3 =	vmand vm1, vm3;
	v10 =	vmpcnt.ones.xlane vm4;
	v11 =	vsel vm4, $0x1, v2  }
0x70: {  	v12 =	vmpcnt.ones.xlane vm3;
	v13 =	vsel vm3, $0x1, v2;
	v11 =	vxor.u32 $0x80000001, v11  }
0x71: {  	vm3 =	vmand vm1, vm5;
	v13 =	vxor.u32 $0x80000001, v13;
	(v2sf) =	vpush v10, $0x0;
	(xrf1) =	vsort.ascd.msk.u32 $0xffff, v11, v8  }
0x72: {  	vm1 =	vmand vm1, vm2;
	v10 =	vmpcnt.ones.xlane vm3;
	(xrf1) =	vsort.ascd.msk.u32 $0xffff, v11, v9;
	(v2sf) =	vpush v12, $0x0  }
0x73: {  	v14 =	vsel vm3, $0x1, v2;
	v11 =	vmpcnt.ones.xlane vm1;
	v12 =	vsel vm1, $0x1, v2;
	(xrf1) =	vsort.ascd.msk.u32 $0xffff, v13, v9  }
0x74: {  	v14 =	vxor.u32 $0x80000001, v14;
	v12 =	vxor.u32 $0x80000001, v12;
	(xrf1) =	vsort.ascd.msk.u32 $0xffff, v13, v8;
	(v2sf) =	vpush v10, $0x0  }
0x75: {  	vm1 =	vmmov vm0;
	(v2sf) =	vpush v11, $0x0;
	(xrf1) =	vsort.ascd.msk.u32 $0xffff, v12, v9  }
0x76: {  	(xrf1) =	vsort.ascd.msk.u32 $0xffff, v12, v8  }
0x77: {  	(xrf1) =	vsort.ascd.msk.u32 $0xffff, v14, v9  }
0x78: {  	(xrf1) =	vsort.ascd.msk.u32 $0xffff, v14, v8;
	_ =	sdelay $0x4  }
0x79: {  	v9 =	vor.u32 s0, v1  }
0x7a: {  	vm0 =	vlt.s32 v9, v7  }
0x7b: {  	_, v8, _ =	vpop (xrf1)  }
0x7c: {  	[tilespmem:s25+$0x4F00] =	vst v8;
	s11 =	spop (v2sf);
	_, v8, _ =	vpop (xrf1)  }
0x7d: {  	[tilespmem:s25+$0x4900] =	vst v8;
	s25 =	sadd.s32 s25, s11;
	s11 =	spop (v2sf);
	_, v8, _ =	vpop (xrf1)  }
0x7e: {  	[tilespmem:s4+$0x4A80] =	vst v8;
	s29 =	sadd.s32 s29, s11;
	_, v8, _ =	vpop (xrf1)  }
0x7f: {  	[tilespmem:s4+$0x5080] =	vst v8;
	_, v8, _ =	vpop (xrf1);
	s11 =	spop (v2sf);
	s4 =	smov.u32 s29  }
0x80: {  	[tilespmem:s28+$0x4C00] =	vst v8;
	s26 =	sadd.s32 s26, s11;
	s11 =	spop (v2sf);
	_, v8, _ =	vpop (xrf1)  }
0x81: {  	[tilespmem:s28+$0x5200] =	vst v8;
	s28 =	sadd.s32 s28, s11;
	_, v8, _ =	vpop (xrf1)  }
0x82: {  	[tilespmem:s30+$0x4D80] =	vst v8;
	_, v8, _ =	vpop (xrf1)  }
0x83: {  	[tilespmem:s30+$0x5380] =	vst v8;
	s30 =	smov.u32 s26  }
0x84: {  	v8 =	vld [tilespmem:s31+$0x0];
	s31 =	smov.u32 s9;
	_ =	sdelay $0x3  }
.Ltmp6:
0x85: {  	(pc) =	sbr.rel @p1 .LBB2_8-.Ltmp6, $4  }
0x86: {  	v9 =	vshra.s32 v8, $0x9  }
0x87: {  	v9 =	vsub.s32 v9, v0  }
0x88: {  	v10 =	vshra.s32 v9, $0x9  }
0x89: {  	v9 =	vld [tilespmem:s2+$0x0];
	vm4 =	veq.s32 v10, $0x0;
	vm3 =	veq.s32 v10, $0x1;
	vm2 =	veq.s32 v10, $0x2;
	s2 =	smov.u32 s20  }
0x8a: {  	s11 =	smov.u32 s2  }
.LBB2_10:
0x8b: {  	vm4 =	vmand @p0 vm1, vm4  }
0x8c: {  	v7 =	vsel @p0 vm4, $0x1, v2  }
0x8d: {  	vm3 =	vmand @p0 vm1, vm3;
	v7 =	vxor.u32 @p0 $0x80000001, v7  }
0x8e: {  	v11 =	vsel @p0 vm3, $0x1, v2;
	(xrf1) =	vsort.ascd.msk.u32 @p0 $0xffff, v7, v8  }
0x8f: {  	vm2 =	vmand @p0 vm1, vm2;
	v11 =	vxor.u32 @p0 $0x80000001, v11;
	(xrf1) =	vsort.ascd.msk.u32 @p0 $0xffff, v7, v9  }
0x90: {  	vm5 =	veq.s32 @p0 v10, $0x3;
	v7 =	vsel @p0 vm2, $0x1, v2;
	(xrf1) =	vsort.ascd.msk.u32 @p0 $0xffff, v11, v9  }
0x91: {  	vm1 =	vmand @p0 vm1, vm5;
	v7 =	vxor.u32 @p0 $0x80000001, v7;
	(xrf1) =	vsort.ascd.msk.u32 @p0 $0xffff, v11, v8  }
0x92: {  	v10 =	vsel @p0 vm1, $0x1, v2;
	(xrf1) =	vsort.ascd.msk.u32 @p0 $0xffff, v7, v9  }
0x93: {  	v10 =	vxor.u32 @p0 $0x80000001, v10;
	(xrf1) =	vsort.ascd.msk.u32 @p0 $0xffff, v7, v8  }
0x94: {  	(xrf1) =	vsort.ascd.msk.u32 @p0 $0xffff, v10, v9  }
0x95: {  	(xrf1) =	vsort.ascd.msk.u32 @p0 $0xffff, v10, v8;
	_ =	sdelay $0x6  }
0x96: {  	_, v7, _ =	vpop @p0 (xrf1)  }
0x97: {  	[tilespmem:s25+$0x4F00] =	vst @p0 v7;
	_, v7, _ =	vpop @p0 (xrf1)  }
0x98: {  	[tilespmem:s25+$0x4900] =	vst @p0 v7;
	_, v7, _ =	vpop @p0 (xrf1)  }
0x99: {  	[tilespmem:s4+$0x4A80] =	vst @p0 v7;
	_, v7, _ =	vpop @p0 (xrf1)  }
0x9a: {  	[tilespmem:s4+$0x5080] =	vst @p0 v7;
	_, v7, _ =	vpop @p0 (xrf1)  }
0x9b: {  	[tilespmem:s28+$0x4C00] =	vst @p0 v7;
	_, v7, _ =	vpop @p0 (xrf1)  }
0x9c: {  	[tilespmem:s28+$0x5200] =	vst @p0 v7;
	_, v7, _ =	vpop @p0 (xrf1)  }
0x9d: {  	[tilespmem:s30+$0x4D80] =	vst @p0 v7;
	_, v7, _ =	vpop @p0 (xrf1)  }
0x9e: {  	[tilespmem:s30+$0x5380] =	vst @p0 v7  }
0x9f: {  	v7 =	vld [tilespmem:s31+$0x0];
	_ =	sdelay $0x4  }
0xa0: {  	v8 =	vmpcnt.ones.xlane @p0 vm4;
	v57 =	vshra.s32 v7, $0x9  }
0xa1: {  	v10 =	vmpcnt.ones.xlane @p0 vm3;
	v9 =	vsub.s32 v57, v0  }
0xa2: {  	(v2sf) =	vpush @p0 v8, $0x0;
	v8 =	vshra.s32 v9, $0x9  }
0xa3: {  	vm0 =	vmmov vm0;
	(v2sf) =	vpush @p0 v10, $0x0;
	v58 =	vld [tilespmem:s11+$0x0];
	vm11 =	veq.s32 v8, $0x0  }
0xa4: {  	v10 =	vmpcnt.ones.xlane @p0 vm2;
	v9 =	vmpcnt.ones.xlane @p0 vm1;
	vm1 =	vmand vm0, vm11  }
0xa5: {  	vm12 =	veq.s32 v8, $0x1;
	vm13 =	veq.s32 v8, $0x2;
	v59 =	vsel vm1, $0x1, v2  }
0xa6: {  	(v2sf) =	vpush @p0 v9, $0x0;
	vm2 =	vmand vm0, vm12;
	v9 =	vxor.u32 $0x80000001, v59  }
0xa7: {  	vm14 =	veq.s32 v8, $0x3;
	vm15 =	vmand vm0, vm13;
	v8 =	vsel vm2, $0x1, v2;
	(xrf1) =	vsort.ascd.msk.u32 $0xffff, v9, v7  }
0xa8: {  	(v2sf) =	vpush @p0 v10, $0x0;
	v60 =	vmpcnt.ones.xlane vm1;
	v8 =	vxor.u32 $0x80000001, v8;
	(xrf1) =	vsort.ascd.msk.u32 $0xffff, v9, v58  }
0xa9: {  	vm0 =	vmand vm0, vm14;
	v61 =	vmpcnt.ones.xlane vm2;
	v12 =	vsel vm15, $0x1, v2;
	(xrf1) =	vsort.ascd.msk.u32 $0xffff, v8, v58  }
0xaa: {  	v62 =	vmpcnt.ones.xlane vm0;
	v12 =	vxor.u32 $0x80000001, v12;
	(v2sf) =	vpush v60, $0x0;
	(xrf1) =	vsort.ascd.msk.u32 $0xffff, v8, v7  }
0xab: {  	v63 =	vsel vm0, $0x1, v2;
	(v2sf) =	vpush v61, $0x0;
	v8 =	vmpcnt.ones.xlane vm15;
	(xrf1) =	vsort.ascd.msk.u32 $0xffff, v12, v58  }
0xac: {  	v9 =	vxor.u32 $0x80000001, v63;
	(v2sf) =	vpush v62, $0x0;
	(xrf1) =	vsort.ascd.msk.u32 $0xffff, v12, v7  }
0xad: {  	(v2sf) =	vpush v8, $0x0;
	(xrf1) =	vsort.ascd.msk.u32 $0xffff, v9, v58  }
0xae: {  	(xrf1) =	vsort.ascd.msk.u32 $0xffff, v9, v7;
	_ =	sdelay $0x4  }
0xaf: {  	s0 =	spop @p0 (v2sf)  }
0xb0: {  	s2 =	simm.s32 $0x0;
	s0 =	sadd.s32 @p0 s25, s0  }
0xb1: {  	s3 =	spop @p0 (v2sf);
	s2 =	smov.u32 @p0 s0;
	_, v7, _ =	vpop (xrf1)  }
0xb2: {  	s4 =	simm.s32 $0x0;
	s3 =	sadd.s32 @p0 s29, s3;
	s0 =	spop @p0 (v2sf);
	[tilespmem:s2+$0x4F00] =	vst v7;
	_, v7, _ =	vpop (xrf1)  }
0xb3: {  	s4 =	smov.u32 @p0 s3;
	s9 =	spop @p0 (v2sf);
	[tilespmem:s2+$0x4900] =	vst v7;
	_, v7, _ =	vpop (xrf1)  }
0xb4: {  	s3 =	sadd.s32 @p0 s28, s9;
	[tilespmem:s4+$0x4A80] =	vst v7;
	_, v7, _ =	vpop (xrf1)  }
0xb5: {  	s24 =	smov.u32 @p0 s3;
	s25 =	spop (v2sf);
	[tilespmem:s4+$0x5080] =	vst v7;
	_, v7, _ =	vpop (xrf1)  }
0xb6: {  	s0 =	sadd.s32 @p0 s26, s0;
	s9 =	simm.s32 $0x0;
	s29 =	spop (v2sf);
	[tilespmem:s24+$0x4C00] =	vst v7;
	_, v7, _ =	vpop (xrf1)  }
0xb7: {  	s9 =	smov.u32 @p0 s0;
	s30 =	spop (v2sf);
	[tilespmem:s24+$0x5200] =	vst v7;
	_, v7, _ =	vpop (xrf1)  }
0xb8: {  	s25 =	sadd.s32 s2, s25;
	s31 =	spop (v2sf);
	[tilespmem:s9+$0x4D80] =	vst v7;
	_, v7, _ =	vpop (xrf1)  }
0xb9: {  	s26 =	sadd.s32 s4, s29;
	s28 =	sadd.s32 s9, s30;
	s24 =	sadd.s32 s24, s31;
	[tilespmem:s9+$0x5380] =	vst v7  }
.LBB2_11:
.Ltmp7:
0xba: {  	(pc) =	sbr.rel .LBB2_12-.Ltmp7, $4  }
0xbb: {  	_ = 	snop  }
0xbc: {  	[tilespmem:s19], [sflag:$0x1] =	stream.strided.gather [hbm4b:s8+s16], $0x8000, s18, s16, $0x38;
	[tilespmem:$0x1E600] =	vst v63  }
0xbd: {  	s0 =	rddreg [dreg:$0x6];
	s2 =	simm.s32 $0xD500;
	s29 =	simm.s32 $0x0  }
0xbe: {  	[tilespmem:s2], [sflag:$0x1] =	stream.strided.gather [hbm4b:s0+s16], $0x8000, s18, s16, $0x38;
	[tilespmem:$0x1E600] =	vst v63  }
.LBB2_19:
0xbf: {  	s29 =	sadd.s32 $0x1, s29  }
0xc0: {  	p0 =	sne.s32 s29, $0x3D  }
.Ltmp8:
0xc1: {  	_ = 	snop;
	(pc) =	sbr.rel @!p0 .LBB2_20-.Ltmp8, $1  }
0xc2: {  	_ =	sdelay $0x3  }
.LBB2_12:
0xc3: {  	p0 =	sgt.u32 s29, $0x3A  }
0xc4: {  	s0 =	sadd.s32 @!p0 $0x2, s29  }
0xc5: {  	s2 =	smul.u32 @!p0 $0xAB, s0;
	_ =	sdelay $0x1  }
0xc6: {  	s2 =	sshrl.u32 @!p0 s2, $0x9  }
0xc7: {  	s2 =	sand.u32 @!p0 $0x7F, s2  }
0xc8: {  	s2 =	smul.u32 @!p0 $0x3, s2;
	_ =	sdelay $0x1  }
0xc9: {  	s2 =	ssub.s32 @!p0 s0, s2  }
0xca: {  	s2 =	sand.u32 @!p0 $0xFF, s2  }
0xcb: {  	s3 =	simm.s32 @!p0 $0x1000;
	s0 =	sshll.u32 @!p0 s0, $0xE;
	s2 =	sshll.u32 @!p0 s2, $0xF  }
0xcc: {  	s4 =	simm.s32 @!p0 $0x7A1400;
	s0 =	sadd.s32 @!p0 s0, s8;
	s2 =	sor.u32 @!p0 $0x5500, s2  }
0xcd: {  	[tilespmem:s2], [sflag:$0x1] =	stream.strided.gather @!p0 [hbm4b:s0+s3], $0x8000, s4, s3, $0x38;
	[tilespmem:$0x1E600] =	vst v63  }
0xce: {  	s0 =	sshrl.u32 s29, $0x4  }
0xcf: {  	s2 =	smov.u32 s28;
	p0 =	seq.s32 s0, $0x2  }
0xd0: {  	p1 =	seq.s32 s0, $0x1;
	s2 =	smov.u32 @p0 s24  }
0xd1: {  	p0 =	seq.s32 s0, $0x0;
	s2 =	smov.u32 @p1 s26  }
0xd2: {  	s2 =	smov.u32 @p0 s25  }
0xd3: {  	s12 =	sadd.s32 $0xF, s2  }
0xd4: {  	s20 =	sand.u32 $0xF, s12  }
0xd5: {  	s31 =	sshra.s32 s12, $0x1F;
	p6 =	slt.s32 s12, $0x1;
	p5 =	sne.s32 s20, $0x0  }
0xd6: {  	s4 =	sshrl.u32 s31, $0x1C;
	p0 =	por !p6, !p5  }
0xd7: {  	s3 =	sadd.s32 s4, s12;
	s4 =	simm.s32 $0x1;
	p0 =	por !p0, !p0  }
0xd8: {  	s3 =	sshra.s32 s3, $0x4;
	s4 =	simm.s32 @!p0 $0x0  }
0xd9: {  	s30 =	ssub.s32 s3, s4  }
0xda: {  	p0 =	slt.s32 s30, $0x1  }
.Ltmp9:
0xdb: {  	_ = 	snop;
	(pc) =	sbr.rel @p0 .LBB2_19-.Ltmp9, $4  }
0xdc: {  	_ = 	snop  }
0xdd: {  	_ =	swait.ge [sflag:s17], $0x8000  }
0xde: {  	[sflag:s17] =	ssyncset.done $0x0  }
0xdf: {  	[sflag:s17] =	ssyncadd.s32 $0xFFFF8000  }
0xe0: {  	s3 =	smul.u32 $0xAB, s29;
	_ =	sdelay $0x1  }
0xe1: {  	s3 =	sshrl.u32 s3, $0x9  }
0xe2: {  	s3 =	sand.u32 $0x7F, s3  }
0xe3: {  	s3 =	smul.u32 $0x3, s3;
	_ =	sdelay $0x1  }
.Ltmp10:
0xe4: {  	s3 =	ssub.s32 s29, s3;
	(pc) =	sbr.rel .LBB2_14-.Ltmp10, $4  }
0xe5: {  	s4 =	sshll.u32 s29, $0x5;
	s3 =	sand.u32 $0xFF, s3  }
0xe6: {  	s4 =	sor.u32 s1, s4;
	s3 =	sshll.u32 s3, $0xF  }
0xe7: {  	v8 =	vmov s2;
	v7 =	vmov s4;
	v9 =	vor.u32 s3, v3  }
0xe8: {  	s31 =	smul.u32 $0x180, s0;
	s4 =	simm.s32 $0x0;
	v10 =	vor.u32 s3, v4;
	v11 =	vor.u32 s3, v5;
	v12 =	vor.u32 s3, v6  }
.LBB2_17:
0xe9: {  	[hbm4b:s9+s5] =	stream.linear.scatter [tilespmem:s11], [sflag:$0x2], $0x80, $0x38;
	[tilespmem:$0x1E600] =	vst v63  }
.LBB2_18:
0xea: {  	s4 =	sadd.s32 $0x1, s4  }
0xeb: {  	p0 =	sne.s32 s4, s30  }
.Ltmp11:
0xec: {  	_ = 	snop;
	(pc) =	sbr.rel @!p0 .LBB2_19-.Ltmp11, $1  }
0xed: {  	_ =	sdelay $0x3  }
.LBB2_14:
0xee: {  	s0 =	sshll.u32 s4, $0x4  }
0xef: {  	s2 =	sadd.s32 s31, s0  }
0xf0: {  	s3 =	sand.u32 $0x70, s0;
	s2 =	sand.u32 $0xFFFFFF80, s2  }
0xf1: {  	s2 =	sor.u32 s3, s2  }
0xf2: {  	v13 =	vld [tilespmem:s2+$0x4F00];
	_ =	sdelay $0x4  }
0xf3: {  	v14 =	vor.u32 s0, v1;
	v15 =	vshra.s32 v13, $0x9  }
0xf4: {  	vm1 =	vlt.s32 v14, v8;
	vm0 =	veq.s32 v15, v7  }
0xf5: {  	vm0 =	vmand vm1, vm0  }
0xf6: {  	v14 =	vsel vm0, $0x1, v2  }
0xf7: {  	(xrf0) =	vadd.scan.msk.s32 $0xffff, v14;
	_ =	sdelay $0x5  }
0xf8: {  	v14, _, _ =	vpop (xrf0)  }
0xf9: {  	(v2sf) =	vpush v14, $0xF;
	_ =	sdelay $0xe  }
0xfa: {  	s0 =	spop (v2sf)  }
0xfb: {  	p0 =	slt.s32 s0, $0x1  }
.Ltmp12:
0xfc: {  	_ = 	snop;
	(pc) =	sbr.rel @p0 .LBB2_18-.Ltmp12, $1  }
0xfd: {  	_ =	sdelay $0x3  }
0xfe: {  	v15 =	vld [tilespmem:s2+$0x4900];
	v14 =	vadd.s32 $0xFFFFFFFF, v14;
	_ =	sdelay $0x3  }
0xff: {  	s20 =	simm.s32 $0x1D500  }
0x100: {  	s3 =	simm.s32 $0x1D580;
	[tilespmem:v14+s20+$0x0] =	vst.idx.msk vm0, v15  }
0x101: {  	[tilespmem:v14+s3+$0x0] =	vst.idx.msk vm0, v13  }
0x102: {  	v13 =	vld [tilespmem:s3+$0x0];
	_ =	sdelay $0x4  }
0x103: {  	(v2sf) =	vpush v13, $0x0  }
0x104: {  	v13 =	vld [tilespmem:s20+$0x0];
	_ =	sdelay $0x4  }
0x105: {  	(v2sf) =	vpush v13, $0x0;
	_ =	sdelay $0x8  }
0x106: {  	s9 =	spop (v2sf)  }
0x107: {  	s2 =	sand.u32 $0x1FF, s9  }
0x108: {  	v13 =	vmov s2  }
0x109: {  	v14 =	vand.u32 $0x7F, v13;
	v13 =	vshll.u32 v13, $0x3  }
0x10a: {  	v13 =	vand.u32 $0xC00, v13;
	v15 =	vor.u32 v9, v14  }
0x10b: {  	p0 =	slt.s32 s23, $0x20;
	v15 =	vor.u32 v13, v15  }
0x10c: {  	s3 =	simm.s32 @!p0 $0x2;
	s11 =	spop (v2sf)  }
0x10d: {  	_ =	swait.ge @!p0 [sflag:s3], $0x80  }
0x10e: {  	s9 =	sshra.s32 s23, $0x1F;
	[sflag:s3] =	ssyncset.done @!p0 $0x0  }
0x10f: {  	s12 =	sshrl.u32 s9, $0x1B;
	[sflag:s3] =	ssyncadd.s32 @!p0 $0xFFFFFF80  }
0x110: {  	v16 =	vor.u32 v10, v14;
	s3 =	sadd.s32 s12, s23;
	v15 =	vld.idx.msk [tilespmem:v15+s19+$0x0], $0xffff  }
0x111: {  	v16 =	vor.u32 v13, v16;
	s3 =	sand.u32 $0xFFFFFFE0, s3  }
0x112: {  	s3 =	ssub.s32 s23, s3  }
0x113: {  	s3 =	sshll.u32 s3, $0x9  }
0x114: {  	s20 =	sshra.s32 s3, $0x2  }
0x115: {  	[tilespmem:s20+$0x1D600] =	vst v15  }
0x116: {  	v15 =	vor.u32 v11, v14;
	v16 =	vld.idx.msk [tilespmem:v16+s19+$0x0], $0xffff  }
0x117: {  	v15 =	vor.u32 v13, v15;
	_ =	sdelay $0x3  }
0x118: {  	[tilespmem:s20+$0x1D610] =	vst v16  }
0x119: {  	v14 =	vor.u32 v12, v14;
	v15 =	vld.idx.msk [tilespmem:v15+s19+$0x0], $0xffff  }
0x11a: {  	v13 =	vor.u32 v13, v14;
	_ =	sdelay $0x3  }
0x11b: {  	s0 =	sadd.s32 $0xFFFFFFFF, s0;
	[tilespmem:s20+$0x1D620] =	vst v15  }
0x11c: {  	p0 =	sne.s32 s0, $0x0;
	v13 =	vld.idx.msk [tilespmem:v13+s19+$0x0], $0xffff  }
.Ltmp13:
0x11d: {  	_ = 	snop;
	(pc) =	sbr.rel @!p0 .LBB2_17-.Ltmp13, $4  }
0x11e: {  	s2 =	sshll.u32 s11, $0x4  }
0x11f: {  	s12 =	sand.u32 $0x1FFFFFF0, s2  }
0x120: {  	s2 =	simm.s32 $0x1D581;
	s9 =	sadd.s32 s6, s12  }
0x121: {  	s23 =	sadd.s32 $0x1, s23;
	s3 =	simm.s32 $0x1D501;
	s11 =	sadd.s32 $0x1D600, s20;
	[tilespmem:s20+$0x1D630] =	vst v13  }
.LBB2_16:
0x122: {  	[hbm4b:s9+s5] =	stream.linear.scatter [tilespmem:s11], [sflag:$0x2], $0x80, $0x38;
	[tilespmem:$0x1E600] =	vst v63  }
0x123: {  	s0 =	sadd.s32 $0xFFFFFFFF, s0;
	v13 =	vld [tilespmem:s2+$0x0]  }
0x124: {  	p0 =	sne.s32 s0, $0x0;
	v14 =	vld [tilespmem:s3+$0x0];
	_ =	sdelay $0x3  }
0x125: {  	(v2sf) =	vpush v13, $0x0  }
0x126: {  	(v2sf) =	vpush v14, $0x0;
	_ =	sdelay $0xd  }
0x127: {  	s9 =	spop (v2sf)  }
0x128: {  	s9 =	sand.u32 $0x1FF, s9;
	s11 =	spop (v2sf)  }
0x129: {  	v13 =	vmov s9;
	s9 =	sshll.u32 s11, $0x4  }
0x12a: {  	v14 =	vand.u32 $0x7F, v13;
	v13 =	vshll.u32 v13, $0x3;
	s9 =	sand.u32 $0x1FFFFFF0, s9  }
0x12b: {  	v13 =	vand.u32 $0xC00, v13;
	v15 =	vor.u32 v9, v14;
	v16 =	vor.u32 v10, v14  }
0x12c: {  	p1 =	slt.s32 s23, $0x20;
	v17 =	vor.u32 v11, v14;
	v15 =	vor.u32 v13, v15;
	v16 =	vor.u32 v13, v16  }
0x12d: {  	s11 =	simm.s32 @!p1 $0x2;
	v14 =	vor.u32 v12, v14;
	v17 =	vor.u32 v13, v17  }
0x12e: {  	v13 =	vor.u32 v13, v14;
	_ =	swait.ge @!p1 [sflag:s11], $0x80  }
0x12f: {  	[sflag:s11] =	ssyncset.done @!p1 $0x0  }
0x130: {  	s12 =	sshra.s32 s23, $0x1F;
	[sflag:s11] =	ssyncadd.s32 @!p1 $0xFFFFFF80  }
0x131: {  	s11 =	sshrl.u32 s12, $0x1B;
	v14 =	vld.idx.msk [tilespmem:v15+s19+$0x0], $0xffff  }
0x132: {  	s11 =	sadd.s32 s11, s23  }
0x133: {  	s11 =	sand.u32 $0xFFFFFFE0, s11  }
0x134: {  	s11 =	ssub.s32 s23, s11  }
0x135: {  	s11 =	sshll.u32 s11, $0x9  }
0x136: {  	s12 =	sshra.s32 s11, $0x2  }
0x137: {  	[tilespmem:s12+$0x1D600] =	vst v14  }
0x138: {  	v14 =	vld.idx.msk [tilespmem:v16+s19+$0x0], $0xffff;
	_ =	sdelay $0x5  }
0x139: {  	[tilespmem:s12+$0x1D610] =	vst v14  }
0x13a: {  	v14 =	vld.idx.msk [tilespmem:v17+s19+$0x0], $0xffff;
	_ =	sdelay $0x5  }
0x13b: {  	[tilespmem:s12+$0x1D620] =	vst v14  }
0x13c: {  	v13 =	vld.idx.msk [tilespmem:v13+s19+$0x0], $0xffff;
	_ =	sdelay $0x1  }
.Ltmp14:
0x13d: {  	(pc) =	sbr.rel @p0 .LBB2_16-.Ltmp14, $3  }
0x13e: {  	_ =	sdelay $0x1  }
0x13f: {  	s2 =	sadd.s32 $0x1, s2;
	s3 =	sadd.s32 $0x1, s3  }
0x140: {  	s9 =	sadd.s32 s6, s9;
	s23 =	sadd.s32 $0x1, s23;
	s11 =	sadd.s32 $0x1D600, s12;
	[tilespmem:s12+$0x1D630] =	vst v13  }
.Ltmp15:
0x141: {  	_ = 	snop;
	(pc) =	sbr.rel .LBB2_17-.Ltmp15, $1  }
0x142: {  	_ =	sdelay $0x3  }
.LBB2_20:
0x143: {  	s0 =	simm.s32 $0x0;
	s2 =	rddreg [dreg:$0x1]  }
0x144: {  	[tilespmem:s0], [sflag:$0x3] =	stream.linear.gather [hbm4b:s2+s0], $0x4000, $0x38;
	[tilespmem:$0x1E600] =	vst v63  }
0x145: {  	_ =	swait.ge [sflag:s13], $0x4000  }
0x146: {  	[sflag:s13] =	ssyncset.done $0x0  }
0x147: {  	[sflag:s13] =	ssyncadd.s32 $0xFFFFC000  }
0x148: {  	v7 =	vld [tilespmem:s0+$0x0];
	_ =	sdelay $0x4  }
0x149: {  	vm0 =	vgt.s32 v7, $0xF3FFF  }
0x14a: {  	v7 =	vsel vm0, $0x0, v7  }
0x14b: {  	v8 =	vshrl.u32 v7, $0x9  }
0x14c: {  	v8 =	vand.u32 $0x1F, v8  }
0x14d: {  	vm15 =	veq.s32 v8, v0  }
0x14e: {  	v8 =	vsel vm15, $0x1, v2  }
0x14f: {  	(xrf0) =	vadd.scan.msk.s32 $0xffff, v8;
	_ =	sdelay $0x2  }
0x150: {  	v8 =	vmov s0  }
0x151: {  	v8 =	vadd.s32 $0xFFFFFFFF, v8  }
0x152: {  	v8 =	vbroadcast v8, $0x0  }
0x153: {  	v9, _, _ =	vpop (xrf0)  }
0x154: {  	v8 =	vadd.s32 v9, v8;
	(v2sf) =	vpush v9, $0xF;
	_ =	sdelay $0x3  }
0x155: {  	v10 =	vor.u32 s0, v1  }
0x156: {  	[tilespmem:v8+s14+$0x0] =	vst.idx.msk vm15, v10  }
0x157: {  	s2 =	simm.s32 $0x10;
	[tilespmem:v8+s15+$0x0] =	vst.idx.msk vm15, v7  }
0x158: {  	s3 =	simm.s32 $0x20;
	s4 =	simm.s32 $0x10;
	v7 =	vld [tilespmem:s2+$0x0]  }
.LBB2_21:
0x159: {  	p0 =	sne.s32 s3, $0x3FF0;
	_ =	sdelay $0x3  }
0x15a: {  	vm0 =	vgt.s32 v7, $0xF3FFF  }
0x15b: {  	v7 =	vsel vm0, $0x0, v7  }
0x15c: {  	v8 =	vshrl.u32 v7, $0x9  }
0x15d: {  	v8 =	vand.u32 $0x1F, v8;
	s9 =	spop (v2sf)  }
0x15e: {  	vm0 =	veq.s32 v8, v0;
	s0 =	sadd.s32 s0, s9  }
0x15f: {  	v8 =	vsel vm0, $0x1, v2;
	v9 =	vmov s0  }
0x160: {  	v9 =	vadd.s32 $0xFFFFFFFF, v9;
	(xrf0) =	vadd.scan.msk.s32 $0xffff, v8  }
0x161: {  	v8 =	vbroadcast v9, $0x0;
	_ =	sdelay $0x4  }
0x162: {  	v9, _, _ =	vpop (xrf0)  }
0x163: {  	v8 =	vadd.s32 v9, v8;
	(v2sf) =	vpush v9, $0xF;
	_ =	sdelay $0x2  }
.Ltmp16:
0x164: {  	(pc) =	sbr.rel @p0 .LBB2_21-.Ltmp16, $4  }
0x165: {  	v9 =	vor.u32 s2, v1;
	s2 =	smov.u32 s3  }
0x166: {  	[tilespmem:v8+s14+$0x0] =	vst.idx.msk vm0, v9  }
0x167: {  	s4 =	sadd.s32 $0x10, s4;
	[tilespmem:v8+s15+$0x0] =	vst.idx.msk vm0, v7  }
0x168: {  	s3 =	sadd.s32 $0x10, s3;
	v7 =	vld [tilespmem:s4+$0x0]  }
0x169: {  	_ =	sdelay $0x3  }
0x16a: {  	vm0 =	vgt.s32 v7, $0xF3FFF  }
0x16b: {  	v7 =	vsel vm0, $0x0, v7  }
0x16c: {  	v8 =	vshrl.u32 v7, $0x9  }
0x16d: {  	v8 =	vand.u32 $0x1F, v8  }
0x16e: {  	vm15 =	veq.s32 v8, v0  }
0x16f: {  	v8 =	vsel vm15, $0x1, v2  }
0x170: {  	(xrf0) =	vadd.scan.msk.s32 $0xffff, v8;
	_ =	sdelay $0x5  }
0x171: {  	v8, _, _ =	vpop (xrf0)  }
0x172: {  	(v2sf) =	vpush v8, $0xF;
	_ =	sdelay $0xd  }
0x173: {  	s3 =	spop (v2sf)  }
0x174: {  	s0 =	sadd.s32 s0, s3;
	s30 =	spop (v2sf)  }
0x175: {  	v9 =	vmov s0;
	s0 =	sadd.s32 s0, s30  }
0x176: {  	s3 =	sadd.s32 $0xF, s0  }
0x177: {  	s4 =	sand.u32 $0xF, s3  }
0x178: {  	s9 =	sshra.s32 s3, $0x1F;
	p0 =	slt.s32 s3, $0x1;
	p1 =	sne.s32 s4, $0x0  }
0x179: {  	v9 =	vadd.s32 $0xFFFFFFFF, v9;
	s31 =	sshrl.u32 s9, $0x1C;
	p0 =	por !p0, !p1  }
0x17a: {  	v9 =	vbroadcast v9, $0x0;
	s4 =	simm.s32 $0x1;
	s3 =	sadd.s32 s31, s3;
	p0 =	por !p0, !p0  }
0x17b: {  	s3 =	sshra.s32 s3, $0x4;
	s4 =	simm.s32 @!p0 $0x0  }
0x17c: {  	v63 =	vor.u32 s2, v1;
	v8 =	vadd.s32 v8, v9;
	s2 =	ssub.s32 s3, s4  }
0x17d: {  	p0 =	slt.s32 s2, $0x1  }
.Ltmp17:
0x17e: {  	_ = 	snop;
	(pc) =	sbr.rel @p0 .LBB2_30-.Ltmp17, $3  }
0x17f: {  	_ =	sdelay $0x1  }
0x180: {  	s24 =	simm.s32 $0x0;
	s26 =	simm.s32 $0x0;
	[tilespmem:v8+s14+$0x0] =	vst.idx.msk vm15, v63  }
0x181: {  	s28 =	simm.s32 $0x0;
	s25 =	simm.s32 $0x0;
	s29 =	simm.s32 $0x0;
	[tilespmem:v8+s15+$0x0] =	vst.idx.msk vm15, v7  }
0x182: {  	p1 =	sne.s32 s2, $0x1  }
.Ltmp18:
0x183: {  	_ = 	snop;
	(pc) =	sbr.rel @!p1 .LBB2_24-.Ltmp18, $4  }
0x184: {  	_ = 	snop  }
0x185: {  	s25 =	simm.s32 $0x0  }
0x186: {  	v7 =	vmov s0;
	s0 =	simm.s32 $0x4480;
	v8 =	vor.u32 s25, v1  }
0x187: {  	s12 =	simm.s32 $0x4000;
	s4 =	sadd.s32 $0xFFFFFFFF, s2;
	p0 =	por $0x0, $0x0;
	vm0 =	vlt.s32 v8, v7  }
0x188: {  	v8 =	vld [tilespmem:s0+$0x0];
	_ =	sdelay $0x2  }
0x189: {  	p1 =	sne.s32 s4, $0x1  }
.Ltmp19:
0x18a: {  	s0 =	simm.s32 $0x4490;
	(pc) =	sbr.rel @!p1 .LBB2_26-.Ltmp19, $4  }
0x18b: {  	s3 =	simm.s32 $0x4010;
	s2 =	simm.s32 $0x10;
	s9 =	sadd.s32 $0xFFFFFFFF, s4;
	v9 =	vshra.s32 v8, $0x9  }
0x18c: {  	p0 =	por $0x1, $0x1;
	s20 =	simm.s32 $0x4490;
	s11 =	simm.s32 $0x4010;
	v10 =	vor.u32 s2, v1;
	v9 =	vsub.s32 v9, v0  }
0x18d: {  	vm1 =	vmmov vm0;
	s26 =	simm.s32 $0x0;
	s4 =	simm.s32 $0x0;
	s30 =	simm.s32 $0x0;
	vm0 =	vlt.s32 v10, v7;
	v10 =	vshra.s32 v9, $0x9  }
0x18e: {  	s29 =	simm.s32 $0x0;
	s28 =	simm.s32 $0x0;
	s31 =	simm.s32 $0x0;
	v9 =	vld [tilespmem:s12+$0x0];
	vm4 =	veq.s32 v10, $0x0;
	vm3 =	veq.s32 v10, $0x1;
	vm2 =	veq.s32 v10, $0x2  }
.LBB2_27:
0x18f: {  	s20 =	sadd.s32 $0x10, s20;
	s11 =	sadd.s32 $0x10, s11;
	s2 =	sadd.s32 $0x10, s2;
	vm4 =	vmand vm1, vm4;
	vm5 =	veq.s32 v10, $0x3  }
0x190: {  	p1 =	sne.s32 s9, $0x1;
	s9 =	sadd.s32 $0xFFFFFFFF, s9;
	vm3 =	vmand vm1, vm3;
	v10 =	vmpcnt.ones.xlane vm4;
	v11 =	vsel vm4, $0x1, v2  }
0x191: {  	v12 =	vmpcnt.ones.xlane vm3;
	v13 =	vsel vm3, $0x1, v2;
	v11 =	vxor.u32 $0x80000001, v11  }
0x192: {  	vm3 =	vmand vm1, vm5;
	v13 =	vxor.u32 $0x80000001, v13;
	(v2sf) =	vpush v10, $0x0;
	(xrf1) =	vsort.ascd.msk.u32 $0xffff, v11, v8  }
0x193: {  	vm1 =	vmand vm1, vm2;
	v10 =	vmpcnt.ones.xlane vm3;
	(xrf1) =	vsort.ascd.msk.u32 $0xffff, v11, v9;
	(v2sf) =	vpush v12, $0x0  }
0x194: {  	v14 =	vsel vm3, $0x1, v2;
	v11 =	vmpcnt.ones.xlane vm1;
	v12 =	vsel vm1, $0x1, v2;
	(xrf1) =	vsort.ascd.msk.u32 $0xffff, v13, v9  }
0x195: {  	v14 =	vxor.u32 $0x80000001, v14;
	v12 =	vxor.u32 $0x80000001, v12;
	(xrf1) =	vsort.ascd.msk.u32 $0xffff, v13, v8;
	(v2sf) =	vpush v10, $0x0  }
0x196: {  	vm1 =	vmmov vm0;
	(v2sf) =	vpush v11, $0x0;
	(xrf1) =	vsort.ascd.msk.u32 $0xffff, v12, v9  }
0x197: {  	(xrf1) =	vsort.ascd.msk.u32 $0xffff, v12, v8  }
0x198: {  	(xrf1) =	vsort.ascd.msk.u32 $0xffff, v14, v9  }
0x199: {  	(xrf1) =	vsort.ascd.msk.u32 $0xffff, v14, v8;
	_ =	sdelay $0x4  }
0x19a: {  	v9 =	vor.u32 s2, v1  }
0x19b: {  	vm0 =	vlt.s32 v9, v7  }
0x19c: {  	_, v8, _ =	vpop (xrf1)  }
0x19d: {  	[tilespmem:s26+$0x4F00] =	vst v8;
	s12 =	spop (v2sf);
	_, v8, _ =	vpop (xrf1)  }
0x19e: {  	[tilespmem:s26+$0x4900] =	vst v8;
	s26 =	sadd.s32 s26, s12;
	s12 =	spop (v2sf);
	_, v8, _ =	vpop (xrf1)  }
0x19f: {  	[tilespmem:s4+$0x4A80] =	vst v8;
	s30 =	sadd.s32 s30, s12;
	_, v8, _ =	vpop (xrf1)  }
0x1a0: {  	[tilespmem:s4+$0x5080] =	vst v8;
	_, v8, _ =	vpop (xrf1);
	s12 =	spop (v2sf);
	s4 =	smov.u32 s30  }
0x1a1: {  	[tilespmem:s29+$0x4C00] =	vst v8;
	s28 =	sadd.s32 s28, s12;
	s12 =	spop (v2sf);
	_, v8, _ =	vpop (xrf1)  }
0x1a2: {  	[tilespmem:s29+$0x5200] =	vst v8;
	s29 =	sadd.s32 s29, s12;
	_, v8, _ =	vpop (xrf1)  }
0x1a3: {  	[tilespmem:s31+$0x4D80] =	vst v8;
	_, v8, _ =	vpop (xrf1)  }
0x1a4: {  	[tilespmem:s31+$0x5380] =	vst v8;
	s31 =	smov.u32 s28  }
0x1a5: {  	v8 =	vld [tilespmem:s0+$0x0];
	s0 =	smov.u32 s20;
	_ =	sdelay $0x3  }
.Ltmp20:
0x1a6: {  	(pc) =	sbr.rel @p1 .LBB2_27-.Ltmp20, $4  }
0x1a7: {  	v9 =	vshra.s32 v8, $0x9  }
0x1a8: {  	v9 =	vsub.s32 v9, v0  }
0x1a9: {  	v10 =	vshra.s32 v9, $0x9  }
0x1aa: {  	v9 =	vld [tilespmem:s3+$0x0];
	vm4 =	veq.s32 v10, $0x0;
	vm3 =	veq.s32 v10, $0x1;
	vm2 =	veq.s32 v10, $0x2;
	s3 =	smov.u32 s11  }
0x1ab: {  	s12 =	smov.u32 s3  }
.LBB2_29:
0x1ac: {  	vm4 =	vmand @p0 vm1, vm4  }
0x1ad: {  	v7 =	vsel @p0 vm4, $0x1, v2  }
0x1ae: {  	vm3 =	vmand @p0 vm1, vm3;
	v7 =	vxor.u32 @p0 $0x80000001, v7  }
0x1af: {  	v11 =	vsel @p0 vm3, $0x1, v2;
	(xrf1) =	vsort.ascd.msk.u32 @p0 $0xffff, v7, v8  }
0x1b0: {  	vm2 =	vmand @p0 vm1, vm2;
	v11 =	vxor.u32 @p0 $0x80000001, v11;
	(xrf1) =	vsort.ascd.msk.u32 @p0 $0xffff, v7, v9  }
0x1b1: {  	vm5 =	veq.s32 @p0 v10, $0x3;
	v7 =	vsel @p0 vm2, $0x1, v2;
	(xrf1) =	vsort.ascd.msk.u32 @p0 $0xffff, v11, v9  }
0x1b2: {  	vm1 =	vmand @p0 vm1, vm5;
	v7 =	vxor.u32 @p0 $0x80000001, v7;
	(xrf1) =	vsort.ascd.msk.u32 @p0 $0xffff, v11, v8  }
0x1b3: {  	v10 =	vsel @p0 vm1, $0x1, v2;
	(xrf1) =	vsort.ascd.msk.u32 @p0 $0xffff, v7, v9  }
0x1b4: {  	v10 =	vxor.u32 @p0 $0x80000001, v10;
	(xrf1) =	vsort.ascd.msk.u32 @p0 $0xffff, v7, v8  }
0x1b5: {  	(xrf1) =	vsort.ascd.msk.u32 @p0 $0xffff, v10, v9  }
0x1b6: {  	(xrf1) =	vsort.ascd.msk.u32 @p0 $0xffff, v10, v8;
	_ =	sdelay $0x6  }
0x1b7: {  	_, v7, _ =	vpop @p0 (xrf1)  }
0x1b8: {  	[tilespmem:s26+$0x4F00] =	vst @p0 v7;
	_, v7, _ =	vpop @p0 (xrf1)  }
0x1b9: {  	[tilespmem:s26+$0x4900] =	vst @p0 v7;
	_, v7, _ =	vpop @p0 (xrf1)  }
0x1ba: {  	[tilespmem:s4+$0x4A80] =	vst @p0 v7;
	_, v7, _ =	vpop @p0 (xrf1)  }
0x1bb: {  	[tilespmem:s4+$0x5080] =	vst @p0 v7;
	_, v7, _ =	vpop @p0 (xrf1)  }
0x1bc: {  	[tilespmem:s29+$0x4C00] =	vst @p0 v7;
	_, v7, _ =	vpop @p0 (xrf1)  }
0x1bd: {  	[tilespmem:s29+$0x5200] =	vst @p0 v7;
	_, v7, _ =	vpop @p0 (xrf1)  }
0x1be: {  	[tilespmem:s31+$0x4D80] =	vst @p0 v7;
	_, v7, _ =	vpop @p0 (xrf1)  }
0x1bf: {  	[tilespmem:s31+$0x5380] =	vst @p0 v7  }
0x1c0: {  	v7 =	vld [tilespmem:s0+$0x0];
	_ =	sdelay $0x4  }
0x1c1: {  	v8 =	vmpcnt.ones.xlane @p0 vm4;
	v57 =	vshra.s32 v7, $0x9  }
0x1c2: {  	v10 =	vmpcnt.ones.xlane @p0 vm3;
	v9 =	vsub.s32 v57, v0  }
0x1c3: {  	(v2sf) =	vpush @p0 v8, $0x0;
	v8 =	vshra.s32 v9, $0x9  }
0x1c4: {  	vm0 =	vmmov vm0;
	(v2sf) =	vpush @p0 v10, $0x0;
	v58 =	vld [tilespmem:s12+$0x0];
	vm11 =	veq.s32 v8, $0x0  }
0x1c5: {  	v10 =	vmpcnt.ones.xlane @p0 vm2;
	v9 =	vmpcnt.ones.xlane @p0 vm1;
	vm1 =	vmand vm0, vm11  }
0x1c6: {  	vm12 =	veq.s32 v8, $0x1;
	vm13 =	veq.s32 v8, $0x2;
	v59 =	vsel vm1, $0x1, v2  }
0x1c7: {  	(v2sf) =	vpush @p0 v9, $0x0;
	vm2 =	vmand vm0, vm12;
	v9 =	vxor.u32 $0x80000001, v59  }
0x1c8: {  	vm14 =	veq.s32 v8, $0x3;
	vm15 =	vmand vm0, vm13;
	v8 =	vsel vm2, $0x1, v2;
	(xrf1) =	vsort.ascd.msk.u32 $0xffff, v9, v7  }
0x1c9: {  	(v2sf) =	vpush @p0 v10, $0x0;
	v60 =	vmpcnt.ones.xlane vm1;
	v8 =	vxor.u32 $0x80000001, v8;
	(xrf1) =	vsort.ascd.msk.u32 $0xffff, v9, v58  }
0x1ca: {  	vm0 =	vmand vm0, vm14;
	v61 =	vmpcnt.ones.xlane vm2;
	v12 =	vsel vm15, $0x1, v2;
	(xrf1) =	vsort.ascd.msk.u32 $0xffff, v8, v58  }
0x1cb: {  	v62 =	vmpcnt.ones.xlane vm0;
	v12 =	vxor.u32 $0x80000001, v12;
	(v2sf) =	vpush v60, $0x0;
	(xrf1) =	vsort.ascd.msk.u32 $0xffff, v8, v7  }
0x1cc: {  	v63 =	vsel vm0, $0x1, v2;
	(v2sf) =	vpush v61, $0x0;
	v8 =	vmpcnt.ones.xlane vm15;
	(xrf1) =	vsort.ascd.msk.u32 $0xffff, v12, v58  }
0x1cd: {  	v9 =	vxor.u32 $0x80000001, v63;
	(v2sf) =	vpush v62, $0x0;
	(xrf1) =	vsort.ascd.msk.u32 $0xffff, v12, v7  }
0x1ce: {  	(v2sf) =	vpush v8, $0x0;
	(xrf1) =	vsort.ascd.msk.u32 $0xffff, v9, v58  }
0x1cf: {  	(xrf1) =	vsort.ascd.msk.u32 $0xffff, v9, v7;
	_ =	sdelay $0x4  }
0x1d0: {  	s0 =	spop @p0 (v2sf)  }
0x1d1: {  	s2 =	simm.s32 $0x0;
	s0 =	sadd.s32 @p0 s26, s0  }
0x1d2: {  	s3 =	spop @p0 (v2sf);
	s2 =	smov.u32 @p0 s0;
	_, v7, _ =	vpop (xrf1)  }
0x1d3: {  	s4 =	simm.s32 $0x0;
	s3 =	sadd.s32 @p0 s30, s3;
	s0 =	spop @p0 (v2sf);
	[tilespmem:s2+$0x4F00] =	vst v7;
	_, v7, _ =	vpop (xrf1)  }
0x1d4: {  	s4 =	smov.u32 @p0 s3;
	s9 =	spop @p0 (v2sf);
	[tilespmem:s2+$0x4900] =	vst v7;
	_, v7, _ =	vpop (xrf1)  }
0x1d5: {  	s3 =	sadd.s32 @p0 s29, s9;
	[tilespmem:s4+$0x4A80] =	vst v7;
	_, v7, _ =	vpop (xrf1)  }
0x1d6: {  	s25 =	smov.u32 @p0 s3;
	s26 =	spop (v2sf);
	[tilespmem:s4+$0x5080] =	vst v7;
	_, v7, _ =	vpop (xrf1)  }
0x1d7: {  	s0 =	sadd.s32 @p0 s28, s0;
	s9 =	simm.s32 $0x0;
	s11 =	spop (v2sf);
	[tilespmem:s25+$0x4C00] =	vst v7;
	_, v7, _ =	vpop (xrf1)  }
0x1d8: {  	s9 =	smov.u32 @p0 s0;
	s30 =	spop (v2sf);
	[tilespmem:s25+$0x5200] =	vst v7;
	_, v7, _ =	vpop (xrf1)  }
0x1d9: {  	s26 =	sadd.s32 s2, s26;
	s31 =	spop (v2sf);
	[tilespmem:s9+$0x4D80] =	vst v7;
	_, v7, _ =	vpop (xrf1)  }
0x1da: {  	s28 =	sadd.s32 s4, s11;
	s29 =	sadd.s32 s9, s30;
	s25 =	sadd.s32 s25, s31;
	[tilespmem:s9+$0x5380] =	vst v7  }
.LBB2_30:
.Ltmp21:
0x1db: {  	(pc) =	sbr.rel .LBB2_31-.Ltmp21, $4  }
0x1dc: {  	_ = 	snop  }
0x1dd: {  	[tilespmem:s19], [sflag:$0x1] =	stream.strided.gather [hbm4b:s10+s16], $0x8000, s18, s16, $0x38;
	[tilespmem:$0x1E600] =	vst v63  }
0x1de: {  	s0 =	rddreg [dreg:$0x7];
	s2 =	simm.s32 $0xD500  }
0x1df: {  	[tilespmem:s2], [sflag:$0x1] =	stream.strided.gather [hbm4b:s0+s16], $0x8000, s18, s16, $0x38;
	[tilespmem:$0x1E600] =	vst v63  }
.LBB2_38:
0x1e0: {  	s24 =	sadd.s32 $0x1, s24  }
0x1e1: {  	p0 =	sne.s32 s24, $0x3D  }
.Ltmp22:
0x1e2: {  	_ = 	snop;
	(pc) =	sbr.rel @!p0 .LBB2_39-.Ltmp22, $1  }
0x1e3: {  	_ =	sdelay $0x3  }
.LBB2_31:
0x1e4: {  	p0 =	sgt.u32 s24, $0x3A  }
0x1e5: {  	s0 =	sadd.s32 @!p0 $0x2, s24  }
0x1e6: {  	s2 =	smul.u32 @!p0 $0xAB, s0;
	_ =	sdelay $0x1  }
0x1e7: {  	s2 =	sshrl.u32 @!p0 s2, $0x9  }
0x1e8: {  	s2 =	sand.u32 @!p0 $0x7F, s2  }
0x1e9: {  	s2 =	smul.u32 @!p0 $0x3, s2;
	_ =	sdelay $0x1  }
0x1ea: {  	s2 =	ssub.s32 @!p0 s0, s2  }
0x1eb: {  	s2 =	sand.u32 @!p0 $0xFF, s2  }
0x1ec: {  	s3 =	simm.s32 @!p0 $0x1000;
	s0 =	sshll.u32 @!p0 s0, $0xE;
	s2 =	sshll.u32 @!p0 s2, $0xF  }
0x1ed: {  	s4 =	simm.s32 @!p0 $0x7A1400;
	s0 =	sadd.s32 @!p0 s0, s10;
	s2 =	sor.u32 @!p0 $0x5500, s2  }
0x1ee: {  	[tilespmem:s2], [sflag:$0x1] =	stream.strided.gather @!p0 [hbm4b:s0+s3], $0x8000, s4, s3, $0x38;
	[tilespmem:$0x1E600] =	vst v63  }
0x1ef: {  	s0 =	sshrl.u32 s24, $0x4  }
0x1f0: {  	s2 =	smov.u32 s29;
	p0 =	seq.s32 s0, $0x2  }
0x1f1: {  	p1 =	seq.s32 s0, $0x1;
	s2 =	smov.u32 @p0 s25  }
0x1f2: {  	p0 =	seq.s32 s0, $0x0;
	s2 =	smov.u32 @p1 s28  }
0x1f3: {  	s2 =	smov.u32 @p0 s26  }
0x1f4: {  	s12 =	sadd.s32 $0xF, s2  }
0x1f5: {  	s20 =	sand.u32 $0xF, s12  }
0x1f6: {  	s31 =	sshra.s32 s12, $0x1F;
	p6 =	slt.s32 s12, $0x1;
	p5 =	sne.s32 s20, $0x0  }
0x1f7: {  	s4 =	sshrl.u32 s31, $0x1C;
	p0 =	por !p6, !p5  }
0x1f8: {  	s3 =	sadd.s32 s4, s12;
	s4 =	simm.s32 $0x1;
	p0 =	por !p0, !p0  }
0x1f9: {  	s3 =	sshra.s32 s3, $0x4;
	s4 =	simm.s32 @!p0 $0x0  }
0x1fa: {  	s30 =	ssub.s32 s3, s4  }
0x1fb: {  	p0 =	slt.s32 s30, $0x1  }
.Ltmp23:
0x1fc: {  	_ = 	snop;
	(pc) =	sbr.rel @p0 .LBB2_38-.Ltmp23, $4  }
0x1fd: {  	_ = 	snop  }
0x1fe: {  	_ =	swait.ge [sflag:s17], $0x8000  }
0x1ff: {  	[sflag:s17] =	ssyncset.done $0x0  }
0x200: {  	[sflag:s17] =	ssyncadd.s32 $0xFFFF8000  }
0x201: {  	s3 =	smul.u32 $0xAB, s24;
	_ =	sdelay $0x1  }
0x202: {  	s3 =	sshrl.u32 s3, $0x9  }
0x203: {  	s3 =	sand.u32 $0x7F, s3  }
0x204: {  	s3 =	smul.u32 $0x3, s3;
	_ =	sdelay $0x1  }
.Ltmp24:
0x205: {  	s3 =	ssub.s32 s24, s3;
	(pc) =	sbr.rel .LBB2_33-.Ltmp24, $4  }
0x206: {  	s4 =	sshll.u32 s24, $0x5;
	s3 =	sand.u32 $0xFF, s3  }
0x207: {  	s4 =	sor.u32 s1, s4;
	s3 =	sshll.u32 s3, $0xF  }
0x208: {  	v8 =	vmov s2;
	v7 =	vmov s4;
	v9 =	vor.u32 s3, v3  }
0x209: {  	s31 =	smul.u32 $0x180, s0;
	s4 =	simm.s32 $0x0;
	v10 =	vor.u32 s3, v4;
	v11 =	vor.u32 s3, v5;
	v12 =	vor.u32 s3, v6  }
.LBB2_36:
0x20a: {  	[hbm4b:s9+s5] =	stream.linear.scatter [tilespmem:s11], [sflag:$0x2], $0x80, $0x38;
	[tilespmem:$0x1E600] =	vst v63  }
.LBB2_37:
0x20b: {  	s4 =	sadd.s32 $0x1, s4  }
0x20c: {  	p0 =	sne.s32 s4, s30  }
.Ltmp25:
0x20d: {  	_ = 	snop;
	(pc) =	sbr.rel @!p0 .LBB2_38-.Ltmp25, $1  }
0x20e: {  	_ =	sdelay $0x3  }
.LBB2_33:
0x20f: {  	s0 =	sshll.u32 s4, $0x4  }
0x210: {  	s2 =	sadd.s32 s31, s0  }
0x211: {  	s3 =	sand.u32 $0x70, s0;
	s2 =	sand.u32 $0xFFFFFF80, s2  }
0x212: {  	s2 =	sor.u32 s3, s2  }
0x213: {  	v13 =	vld [tilespmem:s2+$0x4F00];
	_ =	sdelay $0x4  }
0x214: {  	v14 =	vor.u32 s0, v1;
	v15 =	vshra.s32 v13, $0x9  }
0x215: {  	vm1 =	vlt.s32 v14, v8;
	vm0 =	veq.s32 v15, v7  }
0x216: {  	vm0 =	vmand vm1, vm0  }
0x217: {  	v14 =	vsel vm0, $0x1, v2  }
0x218: {  	(xrf0) =	vadd.scan.msk.s32 $0xffff, v14;
	_ =	sdelay $0x5  }
0x219: {  	v14, _, _ =	vpop (xrf0)  }
0x21a: {  	(v2sf) =	vpush v14, $0xF;
	_ =	sdelay $0xe  }
0x21b: {  	s0 =	spop (v2sf)  }
0x21c: {  	p0 =	slt.s32 s0, $0x1  }
.Ltmp26:
0x21d: {  	_ = 	snop;
	(pc) =	sbr.rel @p0 .LBB2_37-.Ltmp26, $1  }
0x21e: {  	_ =	sdelay $0x3  }
0x21f: {  	v15 =	vld [tilespmem:s2+$0x4900];
	v14 =	vadd.s32 $0xFFFFFFFF, v14;
	_ =	sdelay $0x3  }
0x220: {  	s20 =	simm.s32 $0x1D500  }
0x221: {  	s3 =	simm.s32 $0x1D580;
	[tilespmem:v14+s20+$0x0] =	vst.idx.msk vm0, v15  }
0x222: {  	[tilespmem:v14+s3+$0x0] =	vst.idx.msk vm0, v13  }
0x223: {  	v13 =	vld [tilespmem:s3+$0x0];
	_ =	sdelay $0x4  }
0x224: {  	(v2sf) =	vpush v13, $0x0  }
0x225: {  	v13 =	vld [tilespmem:s20+$0x0];
	_ =	sdelay $0x4  }
0x226: {  	(v2sf) =	vpush v13, $0x0;
	_ =	sdelay $0x8  }
0x227: {  	s9 =	spop (v2sf)  }
0x228: {  	s2 =	sand.u32 $0x1FF, s9  }
0x229: {  	v13 =	vmov s2  }
0x22a: {  	v14 =	vand.u32 $0x7F, v13;
	v13 =	vshll.u32 v13, $0x3  }
0x22b: {  	v13 =	vand.u32 $0xC00, v13;
	v15 =	vor.u32 v9, v14  }
0x22c: {  	p0 =	slt.s32 s23, $0x20;
	v15 =	vor.u32 v13, v15  }
0x22d: {  	s3 =	simm.s32 @!p0 $0x2;
	s11 =	spop (v2sf)  }
0x22e: {  	_ =	swait.ge @!p0 [sflag:s3], $0x80  }
0x22f: {  	s9 =	sshra.s32 s23, $0x1F;
	[sflag:s3] =	ssyncset.done @!p0 $0x0  }
0x230: {  	s12 =	sshrl.u32 s9, $0x1B;
	[sflag:s3] =	ssyncadd.s32 @!p0 $0xFFFFFF80  }
0x231: {  	v16 =	vor.u32 v10, v14;
	s3 =	sadd.s32 s12, s23;
	v15 =	vld.idx.msk [tilespmem:v15+s19+$0x0], $0xffff  }
0x232: {  	v16 =	vor.u32 v13, v16;
	s3 =	sand.u32 $0xFFFFFFE0, s3  }
0x233: {  	s3 =	ssub.s32 s23, s3  }
0x234: {  	s3 =	sshll.u32 s3, $0x9  }
0x235: {  	s20 =	sshra.s32 s3, $0x2  }
0x236: {  	[tilespmem:s20+$0x1D600] =	vst v15  }
0x237: {  	v15 =	vor.u32 v11, v14;
	v16 =	vld.idx.msk [tilespmem:v16+s19+$0x0], $0xffff  }
0x238: {  	v15 =	vor.u32 v13, v15;
	_ =	sdelay $0x3  }
0x239: {  	[tilespmem:s20+$0x1D610] =	vst v16  }
0x23a: {  	v14 =	vor.u32 v12, v14;
	v15 =	vld.idx.msk [tilespmem:v15+s19+$0x0], $0xffff  }
0x23b: {  	v13 =	vor.u32 v13, v14;
	_ =	sdelay $0x3  }
0x23c: {  	s0 =	sadd.s32 $0xFFFFFFFF, s0;
	[tilespmem:s20+$0x1D620] =	vst v15  }
0x23d: {  	p0 =	sne.s32 s0, $0x0;
	v13 =	vld.idx.msk [tilespmem:v13+s19+$0x0], $0xffff  }
.Ltmp27:
0x23e: {  	_ = 	snop;
	(pc) =	sbr.rel @!p0 .LBB2_36-.Ltmp27, $4  }
0x23f: {  	s2 =	sshll.u32 s11, $0x4  }
0x240: {  	s12 =	sand.u32 $0x1FFFFFF0, s2  }
0x241: {  	s2 =	simm.s32 $0x1D581;
	s9 =	sadd.s32 s7, s12  }
0x242: {  	s23 =	sadd.s32 $0x1, s23;
	s3 =	simm.s32 $0x1D501;
	s11 =	sadd.s32 $0x1D600, s20;
	[tilespmem:s20+$0x1D630] =	vst v13  }
.LBB2_35:
0x243: {  	[hbm4b:s9+s5] =	stream.linear.scatter [tilespmem:s11], [sflag:$0x2], $0x80, $0x38;
	[tilespmem:$0x1E600] =	vst v63  }
0x244: {  	s0 =	sadd.s32 $0xFFFFFFFF, s0;
	v13 =	vld [tilespmem:s2+$0x0]  }
0x245: {  	p0 =	sne.s32 s0, $0x0;
	v14 =	vld [tilespmem:s3+$0x0];
	_ =	sdelay $0x3  }
0x246: {  	(v2sf) =	vpush v13, $0x0  }
0x247: {  	(v2sf) =	vpush v14, $0x0;
	_ =	sdelay $0xd  }
0x248: {  	s9 =	spop (v2sf)  }
0x249: {  	s9 =	sand.u32 $0x1FF, s9;
	s11 =	spop (v2sf)  }
0x24a: {  	v13 =	vmov s9;
	s9 =	sshll.u32 s11, $0x4  }
0x24b: {  	v14 =	vand.u32 $0x7F, v13;
	v13 =	vshll.u32 v13, $0x3;
	s9 =	sand.u32 $0x1FFFFFF0, s9  }
0x24c: {  	v13 =	vand.u32 $0xC00, v13;
	v15 =	vor.u32 v9, v14;
	v16 =	vor.u32 v10, v14  }
0x24d: {  	p1 =	slt.s32 s23, $0x20;
	v17 =	vor.u32 v11, v14;
	v15 =	vor.u32 v13, v15;
	v16 =	vor.u32 v13, v16  }
0x24e: {  	s11 =	simm.s32 @!p1 $0x2;
	v14 =	vor.u32 v12, v14;
	v17 =	vor.u32 v13, v17  }
0x24f: {  	v13 =	vor.u32 v13, v14;
	_ =	swait.ge @!p1 [sflag:s11], $0x80  }
0x250: {  	[sflag:s11] =	ssyncset.done @!p1 $0x0  }
0x251: {  	s12 =	sshra.s32 s23, $0x1F;
	[sflag:s11] =	ssyncadd.s32 @!p1 $0xFFFFFF80  }
0x252: {  	s11 =	sshrl.u32 s12, $0x1B;
	v14 =	vld.idx.msk [tilespmem:v15+s19+$0x0], $0xffff  }
0x253: {  	s11 =	sadd.s32 s11, s23  }
0x254: {  	s11 =	sand.u32 $0xFFFFFFE0, s11  }
0x255: {  	s11 =	ssub.s32 s23, s11  }
0x256: {  	s11 =	sshll.u32 s11, $0x9  }
0x257: {  	s12 =	sshra.s32 s11, $0x2  }
0x258: {  	[tilespmem:s12+$0x1D600] =	vst v14  }
0x259: {  	v14 =	vld.idx.msk [tilespmem:v16+s19+$0x0], $0xffff;
	_ =	sdelay $0x5  }
0x25a: {  	[tilespmem:s12+$0x1D610] =	vst v14  }
0x25b: {  	v14 =	vld.idx.msk [tilespmem:v17+s19+$0x0], $0xffff;
	_ =	sdelay $0x5  }
0x25c: {  	[tilespmem:s12+$0x1D620] =	vst v14  }
0x25d: {  	v13 =	vld.idx.msk [tilespmem:v13+s19+$0x0], $0xffff;
	_ =	sdelay $0x1  }
.Ltmp28:
0x25e: {  	(pc) =	sbr.rel @p0 .LBB2_35-.Ltmp28, $3  }
0x25f: {  	_ =	sdelay $0x1  }
0x260: {  	s2 =	sadd.s32 $0x1, s2;
	s3 =	sadd.s32 $0x1, s3  }
0x261: {  	s9 =	sadd.s32 s7, s9;
	s23 =	sadd.s32 $0x1, s23;
	s11 =	sadd.s32 $0x1D600, s12;
	[tilespmem:s12+$0x1D630] =	vst v13  }
.Ltmp29:
0x262: {  	_ = 	snop;
	(pc) =	sbr.rel .LBB2_36-.Ltmp29, $1  }
0x263: {  	_ =	sdelay $0x3  }
.LBB2_39:
0x264: {  	p0 =	slt.s32 s23, $0x1  }
.Ltmp30:
0x265: {  	_ = 	snop;
	(pc) =	sbr.rel @p0 .LBB2_43-.Ltmp30, $1  }
0x266: {  	_ =	sdelay $0x3  }
0x267: {  	p0 =	slt.s32 s23, $0x20  }
0x268: {  	s23 =	simm.s32 @!p0 $0x20  }
0x269: {  	p0 =	sne.s32 s23, $0x1  }
.Ltmp31:
0x26a: {  	_ = 	snop;
	(pc) =	sbr.rel @!p0 .LBB2_42-.Ltmp31, $3  }
0x26b: {  	_ =	sdelay $0x1  }
0x26c: {  	_ =	swait.ge [sflag:s21], $0x80  }
0x26d: {  	[sflag:s21] =	ssyncset.done $0x0;
	s0 =	sadd.s32 $0xFFFFFFFF, s23  }
.LBB2_41:
0x26e: {  	p0 =	sne.s32 s0, $0x1;
	s0 =	sadd.s32 $0xFFFFFFFF, s0;
	[sflag:s21] =	ssyncadd.s32 $0xFFFFFF80  }
.Ltmp32:
0x26f: {  	(pc) =	sbr.rel @p0 .LBB2_41-.Ltmp32, $3  }
0x270: {  	_ =	sdelay $0x1  }
0x271: {  	_ =	swait.ge [sflag:s21], $0x80  }
0x272: {  	[sflag:s21] =	ssyncset.done $0x0  }
.Ltmp33:
0x273: {  	_ = 	snop;
	(pc) =	sbr.rel .LBB2_42-.Ltmp33, $1  }
0x274: {  	_ =	sdelay $0x3  }
.LBB2_5:
.Ltmp34:
0x275: {  	(pc) =	sbr.rel .LBB2_10-.Ltmp34, $3  }
0x276: {  	_ =	sdelay $0x1  }
0x277: {  	s25 =	simm.s32 $0x0  }
0x278: {  	s29 =	simm.s32 $0x0;
	s28 =	simm.s32 $0x0;
	s26 =	simm.s32 $0x0  }
.LBB2_24:
.Ltmp35:
0x279: {  	(pc) =	sbr.rel .LBB2_29-.Ltmp35, $3  }
0x27a: {  	_ =	sdelay $0x1  }
0x27b: {  	s26 =	simm.s32 $0x0  }
0x27c: {  	s30 =	simm.s32 $0x0;
	s29 =	simm.s32 $0x0;
	s28 =	simm.s32 $0x0  }
.LBB2_7:
.Ltmp36:
0x27d: {  	(pc) =	sbr.rel .LBB2_10-.Ltmp36, $4  }
0x27e: {  	_ = 	snop  }
0x27f: {  	s25 =	simm.s32 $0x0;
	s4 =	simm.s32 $0x0  }
0x280: {  	s29 =	simm.s32 $0x0;
	s28 =	simm.s32 $0x0;
	s26 =	simm.s32 $0x0  }
0x281: {  	s30 =	simm.s32 $0x0;
	s31 =	simm.s32 $0x4490;
	s11 =	simm.s32 $0x4010  }
.LBB2_26:
.Ltmp37:
0x282: {  	(pc) =	sbr.rel .LBB2_29-.Ltmp37, $4  }
0x283: {  	_ = 	snop  }
0x284: {  	s26 =	simm.s32 $0x0;
	s4 =	simm.s32 $0x0  }
0x285: {  	s30 =	simm.s32 $0x0;
	s29 =	simm.s32 $0x0;
	s28 =	simm.s32 $0x0  }
0x286: {  	s31 =	simm.s32 $0x0;
	s0 =	simm.s32 $0x4490;
	s12 =	simm.s32 $0x4010  }
.LBB2_44:
0x287: {  	_ =	sfence.sel $0x180000  }
0x288: {  	[bflag:$0x0] =	sbarrier.arrive $0xFFFF  }
0x289: {  	_ =	strace $0x90000047  }
0x28a: {  	s0 =	stileid.u32;
	[bflag:$0x2] =	sbarrier.arrive $0xFFFF  }
0x28b: {  	p0 =	sne.s32 s0, $0x0;
	s0 =	rddreg [dreg:$0x5]  }
0x28c: {  	s0 =	sadd.s32 @!p0 $0x100000, s0  }
0x28d: {  	[sflag:s0] =	ssyncadd.tile.s32 @!p0 $0x1;
	_ =	shalt  }
.Lfunc_end2:
_tile_overlayer_lowered:
.L_overlay_start_2:
0x28e: {  	(tag) =	ssettag $0x2  }
0x28f: {  	s0 =	rddreg [dreg:$0x0];
	s2 =	stileid.u32  }
0x290: {  	s1 =	rddreg [dreg:$0x1];
	p0 =	sne.s32 s2, $0x0  }
0x291: {  	s3 =	rddreg [dreg:$0x2];
	[bflag:$0x3] =	sbarrier.arrive $0xFFFF;
	s2 =	simm.s32 @!p0 $0x1C03  }
0x292: {  	[timem:s3], [sflag:s2] =	dma.local @!p0 [hbm:s0], s1  }
0x293: {  	s0 =	simm.s32 @!p0 $0x3  }
0x294: {  	_ =	swait.ge @!p0 [sflag:s0], s1  }
0x295: {  	s1 =	ssub.s32 @!p0 $0x0, s1;
	[sflag:s0] =	ssyncset.done @!p0 $0x0  }
0x296: {  	[sflag:s0] =	ssyncadd.s32 @!p0 s1  }
0x297: {  	[bflag:$0x3] =	sbarrier.arrive $0xFFFF  }
0x298: {  	_ =	shalt  }

</sc_bundles>
